<compile_context>
chip_gen: v7x
topology: tpu7x:2x2x1
jax: 0.10.2.dev20260603
libtpu: 0.0.44.dev20260713+nightly
codegen_flags: <defaults>
</compile_context>

<pallas_src>
import functools

import jax
import jax.numpy as jnp
from jax import lax
from jax.experimental import pallas as pl
from jax.experimental.pallas import tpu as pltpu
from jax.experimental.pallas import tpu_sc as plsc

B, L = 4096, 50
N = B * L
EMBED = 64
GENRE_ROWS = 1000

NC, NS = 2, 16
NW = NC * NS
PER_W = N // NW
CHUNK = 128
N_CHUNKS = PER_W // CHUNK


def _sc_body(uid_hbm, gid_hbm, utab_hbm, gtab_hbm, out_hbm,
             gtab_v, uidx_v, gidx_v, urows0, urows1, out_v,
             sem0, sem1, semg):
    wid = lax.axis_index("c") * NS + lax.axis_index("s")
    r0 = wid * N_CHUNKS

    cpi = pltpu.async_copy(uid_hbm.at[pl.ds(r0, N_CHUNKS)], uidx_v, sem0)
    cpg = pltpu.async_copy(gid_hbm.at[pl.ds(wid * PER_W, PER_W)], gidx_v, sem1)
    cpt = pltpu.async_copy(gtab_hbm, gtab_v, semg)
    cpi.wait()
    cpg.wait()
    cpt.wait()

    pltpu.async_copy(utab_hbm.at[uidx_v.at[0]], urows0, sem0)

    def compute_chunk(c, buf):
        def grp_body(g, col0):
            rows = g * 16 + lax.iota(jnp.int32, 16)
            gidx = gidx_v[pl.ds(c * CHUNK + g * 16, 16)]
            acc = jnp.zeros((16,), jnp.float32)
            col = col0
            for _ in range(EMBED):
                u = plsc.load_gather(buf, [rows, col])
                gv = plsc.load_gather(gtab_v, [gidx, col])
                acc = acc + u * gv
                col = (col + 1) & (EMBED - 1)
            out_v[pl.ds(c * CHUNK + g * 16, 16)] = acc
            return col0

        lax.fori_loop(0, CHUNK // 16, grp_body, lax.iota(jnp.int32, 16))

    def pair_body(s, carry):
        for k, buf, sem_k, obuf, osem in ((0, urows0, sem0, urows1, sem1),
                                          (1, urows1, sem1, urows0, sem0)):
            c = 2 * s + k
            nxt = (c + 1) % N_CHUNKS
            pltpu.async_copy(utab_hbm.at[uidx_v.at[nxt]], obuf, osem)
            pltpu.make_async_copy(utab_hbm.at[uidx_v.at[c]], buf, sem_k).wait()
            compute_chunk(c, buf)
        return carry

    lax.fori_loop(0, N_CHUNKS // 2, pair_body, 0)
    pltpu.make_async_copy(utab_hbm.at[uidx_v.at[0]], urows0, sem0).wait()

    pltpu.sync_copy(out_v, out_hbm.at[pl.ds(wid * PER_W, PER_W)])


@jax.jit
def _sc_ranker(uid, gid, utab, gtab):
    mesh = plsc.VectorSubcoreMesh(core_axis_name="c", subcore_axis_name="s")
    fn = functools.partial(
        pl.kernel,
        out_type=jax.ShapeDtypeStruct((N,), jnp.float32),
        mesh=mesh,
        scratch_types=[
            pltpu.VMEM((GENRE_ROWS, EMBED), jnp.float32),
            pltpu.VMEM((N_CHUNKS, CHUNK), jnp.int32),
            pltpu.VMEM((PER_W,), jnp.int32),
            pltpu.VMEM((CHUNK, EMBED), jnp.float32),
            pltpu.VMEM((CHUNK, EMBED), jnp.float32),
            pltpu.VMEM((PER_W,), jnp.float32),
            pltpu.SemaphoreType.DMA,
            pltpu.SemaphoreType.DMA,
            pltpu.SemaphoreType.DMA,
        ],
        compiler_params=pltpu.CompilerParams(needs_layout_passes=False,
                                             use_tc_tiling_on_sc=False,
                                             disable_bounds_checks=True,
                                             disable_semaphore_checks=True),
    )(_sc_body)
    return fn(uid, gid, utab, gtab)


def kernel(user_id, title, genre, user_table, title_table, genre_table):
    uid = user_id.reshape(N // CHUNK, CHUNK)
    gid = genre.reshape(N)
    out = _sc_ranker(uid, gid, user_table, genre_table)
    return out.reshape(B, L)

# --- scband reference (transcript-rebuilt; emitter-appended) ---
"""Pipeline reference for scband-book-ranker-25546465476986 (READ-ONLY COPY).

The authoritative reference and input builder live on the scoring server;
editing this copy changes nothing except your own understanding.
"""

import jax, jax.numpy as jnp
import numpy as np

USER_VOCAB = 1000000
TITLE_VOCAB = 1000000
GENRE_VOCAB = 1000
EMBED_DIM = 64
B, L = 4096, 50

def setup_inputs(seed: int = 0) -> dict:
    key = jax.random.key(seed)
    k1, k2, k3, k4, k5, k6 = jax.random.split(key, 6)
    user_id = jax.random.randint(k1, (B, L), 0, USER_VOCAB, dtype=jnp.int64 if jax.config.jax_enable_x64 else jnp.int32).astype(jnp.int32)
    title = jax.random.randint(k2, (B, L), 0, TITLE_VOCAB, dtype=jnp.int32)
    genre = jax.random.randint(k3, (B, L), 0, GENRE_VOCAB, dtype=jnp.int32)
    user_table = jax.random.normal(k4, (USER_VOCAB, EMBED_DIM), dtype=jnp.float32) * 0.05
    title_table = jax.random.normal(k5, (TITLE_VOCAB, EMBED_DIM), dtype=jnp.float32) * 0.05
    genre_table = jax.random.normal(k6, (GENRE_VOCAB, EMBED_DIM), dtype=jnp.float32) * 0.05
    return {"user_id": user_id, "title": title, "genre": genre,
            "user_table": user_table, "title_table": title_table, "genre_table": genre_table}

def reference(user_id, title, genre, user_table, title_table, genre_table):
    # Faithful translation of BookRanker.call:
    # StringLookup layers are modeled as pre-computed integer indices.
    # Note the original looks up features['genre'] through the 'author' vocab but
    # embeds with the 'genre' embedding table; with pre-resolved int indices this
    # reduces to indexing the genre table with the provided genre indices.
    ue = jnp.take(user_table, user_id, axis=0)   # [B, L, 64]
    te = jnp.take(title_table, title, axis=0)    # [B, L, 64] (computed but unused, as in original)
    ge = jnp.take(genre_table, genre, axis=0)    # [B, L, 64]
    out = jnp.sum(ue * ge, axis=2)               # [B, L]
    return out

if __name__ == "__main__":
    import jax
    _d = setup_inputs()
    print(jax.jit(kernel)(*tuple(_d.values())))

</pallas_src>

<mosaic_0001>
#map = affine_map<(d0, d1) -> (0, 0)>
#map1 = affine_map<(d0, d1) -> (0)>
module attributes {stable_mosaic.version = 14 : i64} {
  func.func @_sc_body(%arg0: i32, %arg1: i32, %arg2: memref<1600x128xi32, #tpu.memory_space<hbm>>, %arg3: memref<204800xi32, #tpu.memory_space<hbm>>, %arg4: memref<1000000x64xf32, #tpu.memory_space<hbm>>, %arg5: memref<1000x64xf32, #tpu.memory_space<hbm>>, %arg6: memref<204800xf32, #tpu.memory_space<hbm>>, %arg7: memref<1000x64xf32, #tpu.memory_space<vmem>>, %arg8: memref<50x128xi32, #tpu.memory_space<vmem>>, %arg9: memref<6400xi32, #tpu.memory_space<vmem>>, %arg10: memref<128x64xf32, #tpu.memory_space<vmem>>, %arg11: memref<128x64xf32, #tpu.memory_space<vmem>>, %arg12: memref<6400xf32, #tpu.memory_space<vmem>>, %arg13: memref<!tpu.dma_semaphore, #tpu.memory_space<semaphore_mem>>, %arg14: memref<!tpu.dma_semaphore, #tpu.memory_space<semaphore_mem>>, %arg15: memref<!tpu.dma_semaphore, #tpu.memory_space<semaphore_mem>>) attributes {dimension_semantics = [#tpu.dimension_semantics<core_parallel>, #tpu.dimension_semantics<subcore_parallel>], iteration_bounds = array<i64: 2, 16>, scalar_prefetch = 0 : i64, scratch_operands = 9 : i64, tpu.core_type = #tpu.core_type<sc_vector_subcore>, window_params = [{transform_indices = #map}, {transform_indices = #map1}, {transform_indices = #map}, {transform_indices = #map}, {transform_indices = #map1}]} {
    %mul3A = arith.constant 16 : i32
    %mul3A_0 = arith.muli %arg0, %mul3A : i32
    %add3A = arith.addi %mul3A_0, %arg1 : i32
    %mul3A_1 = arith.constant 50 : i32
    %mul3A_2 = arith.muli %add3A, %mul3A_1 : i32
    %dma_start3A = arith.constant 0 : i32
    %dma_start3A_3 = tpu.memref_slice %arg2[%mul3A_2, %dma_start3A] : memref<1600x128xi32, #tpu.memory_space<hbm>> -> memref<50x128xi32, #tpu.memory_space<hbm>>
    %dma_start3A_4 = arith.constant 0 : i32
    %dma_start3A_5 = tpu.memref_slice %arg2[%mul3A_2, %dma_start3A_4] : memref<1600x128xi32, #tpu.memory_space<hbm>> -> memref<50x128xi32, #tpu.memory_space<hbm>>
    tpu.enqueue_dma source(%dma_start3A_5 : memref<50x128xi32, #tpu.memory_space<hbm>>) target(%arg8 : memref<50x128xi32, #tpu.memory_space<vmem>>) target_semaphore(%arg13 : memref<!tpu.dma_semaphore, #tpu.memory_space<semaphore_mem>>)
    %mul3A_6 = arith.constant 6400 : i32
    %mul3A_7 = arith.muli %add3A, %mul3A_6 : i32
    %dma_start3A_8 = tpu.memref_slice %arg3[%mul3A_7] : memref<204800xi32, #tpu.memory_space<hbm>> -> memref<6400xi32, #tpu.memory_space<hbm>>
    %dma_start3A_9 = tpu.memref_slice %arg3[%mul3A_7] : memref<204800xi32, #tpu.memory_space<hbm>> -> memref<6400xi32, #tpu.memory_space<hbm>>
    tpu.enqueue_dma source(%dma_start3A_9 : memref<6400xi32, #tpu.memory_space<hbm>>) target(%arg9 : memref<6400xi32, #tpu.memory_space<vmem>>) target_semaphore(%arg14 : memref<!tpu.dma_semaphore, #tpu.memory_space<semaphore_mem>>)
    tpu.enqueue_dma source(%arg5 : memref<1000x64xf32, #tpu.memory_space<hbm>>) target(%arg7 : memref<1000x64xf32, #tpu.memory_space<vmem>>) target_semaphore(%arg15 : memref<!tpu.dma_semaphore, #tpu.memory_space<semaphore_mem>>)
    %dma_wait3A = arith.constant 0 : i32
    %dma_wait3A_10 = tpu.memref_slice %arg2[%mul3A_2, %dma_wait3A] : memref<1600x128xi32, #tpu.memory_space<hbm>> -> memref<50x128xi32, #tpu.memory_space<hbm>>
    %dma_wait3A_11 = arith.constant 0 : i32
    %dma_wait3A_12 = tpu.memref_slice %arg2[%mul3A_2, %dma_wait3A_11] : memref<1600x128xi32, #tpu.memory_space<hbm>> -> memref<50x128xi32, #tpu.memory_space<hbm>>
    tpu.wait_dma2 semaphore(%arg13 : memref<!tpu.dma_semaphore, #tpu.memory_space<semaphore_mem>>) src(%dma_wait3A_12 : memref<50x128xi32, #tpu.memory_space<hbm>>) dst(%arg8 : memref<50x128xi32, #tpu.memory_space<vmem>>)
    %dma_wait3A_13 = tpu.memref_slice %arg3[%mul3A_7] : memref<204800xi32, #tpu.memory_space<hbm>> -> memref<6400xi32, #tpu.memory_space<hbm>>
    %dma_wait3A_14 = tpu.memref_slice %arg3[%mul3A_7] : memref<204800xi32, #tpu.memory_space<hbm>> -> memref<6400xi32, #tpu.memory_space<hbm>>
    tpu.wait_dma2 semaphore(%arg14 : memref<!tpu.dma_semaphore, #tpu.memory_space<semaphore_mem>>) src(%dma_wait3A_14 : memref<6400xi32, #tpu.memory_space<hbm>>) dst(%arg9 : memref<6400xi32, #tpu.memory_space<vmem>>)
    tpu.wait_dma2 semaphore(%arg15 : memref<!tpu.dma_semaphore, #tpu.memory_space<semaphore_mem>>) src(%arg5 : memref<1000x64xf32, #tpu.memory_space<hbm>>) dst(%arg7 : memref<1000x64xf32, #tpu.memory_space<vmem>>)
    %dma_start3A_15 = arith.constant 0 : i32
    %dma_start3A_16 = arith.constant 0 : i32
    %dma_start3A_17 = tpu.memref_slice %arg8[%dma_start3A_15, %dma_start3A_16] : memref<50x128xi32, #tpu.memory_space<vmem>> -> memref<1x128xi32, #tpu.memory_space<vmem>>
    %dma_start3A_18 = tpu.memref_squeeze %dma_start3A_17 : memref<1x128xi32, #tpu.memory_space<vmem>> -> memref<128xi32, #tpu.memory_space<vmem>>
    %dma_start3A_19 = arith.constant 0 : i32
    %dma_start3A_20 = arith.constant 0 : i32
    %dma_start3A_21 = tpu.memref_slice %arg4[%dma_start3A_19, %dma_start3A_20] : memref<1000000x64xf32, #tpu.memory_space<hbm>> -> memref<1000000x64xf32, #tpu.memory_space<hbm>>
    tpu.enqueue_indirect_dma source(%dma_start3A_21 : memref<1000000x64xf32, #tpu.memory_space<hbm>>) target(%arg10 : memref<128x64xf32, #tpu.memory_space<vmem>>) offsets(%dma_start3A_18 : memref<128xi32, #tpu.memory_space<vmem>>) semaphore(%arg13 : memref<!tpu.dma_semaphore, #tpu.memory_space<semaphore_mem>>)
    %scan3A = arith.constant 0 : i32
    %scan3A_22 = arith.constant 0 : i32
    %scan3A_23 = arith.constant 25 : i32
    %scan3A_24 = arith.addi %scan3A_22, %scan3A_23 : i32
    %scan3A_25 = arith.constant 1 : i32
    scf.for %scan3A_36 = %scan3A_22 to %scan3A_24 step %scan3A_25  : i32 {
      %mul3A_37 = arith.constant 2 : i32
      %mul3A_38 = arith.muli %mul3A_37, %scan3A_36 : i32
      %add3A_39 = arith.constant 0 : i32
      %add3A_40 = arith.addi %mul3A_38, %add3A_39 : i32
      %add3A_41 = arith.constant 1 : i32
      %add3A_42 = arith.addi %add3A_40, %add3A_41 : i32
      %jit3A = arith.constant 50 : i32
      %eq3A = arith.constant 0 : i32
      %eq3A_43 = arith.cmpi eq, %jit3A, %eq3A : i32
      %jit3A_44 = arith.constant 1 : i32
      %select_n3A = arith.select %eq3A_43, %jit3A_44, %jit3A : i32
      %rem3A = arith.remsi %add3A_42, %select_n3A : i32
      %ne3A = arith.constant 0 : i32
      %ne3A_45 = arith.cmpi ne, %rem3A, %ne3A : i32
      %lt3A = arith.constant 0 : i32
      %lt3A_46 = arith.cmpi slt, %rem3A, %lt3A : i32
      %lt3A_47 = arith.constant 0 : i32
      %lt3A_48 = arith.cmpi slt, %select_n3A, %lt3A_47 : i32
      %ne3A_49 = arith.xori %lt3A_46, %lt3A_48 : i1
      %and3A = arith.andi %ne3A_49, %ne3A_45 : i1
      %add3A_50 = arith.addi %rem3A, %select_n3A : i32
      %select_n3A_51 = arith.select %and3A, %add3A_50, %rem3A : i32
      %dma_start3A_52 = arith.constant 0 : i32
      %dma_start3A_53 = tpu.memref_slice %arg8[%select_n3A_51, %dma_start3A_52] : memref<50x128xi32, #tpu.memory_space<vmem>> -> memref<1x128xi32, #tpu.memory_space<vmem>>
      %dma_start3A_54 = tpu.memref_squeeze %dma_start3A_53 : memref<1x128xi32, #tpu.memory_space<vmem>> -> memref<128xi32, #tpu.memory_space<vmem>>
      %dma_start3A_55 = arith.constant 0 : i32
      %dma_start3A_56 = arith.constant 0 : i32
      %dma_start3A_57 = tpu.memref_slice %arg4[%dma_start3A_55, %dma_start3A_56] : memref<1000000x64xf32, #tpu.memory_space<hbm>> -> memref<1000000x64xf32, #tpu.memory_space<hbm>>
      tpu.enqueue_indirect_dma source(%dma_start3A_57 : memref<1000000x64xf32, #tpu.memory_space<hbm>>) target(%arg11 : memref<128x64xf32, #tpu.memory_space<vmem>>) offsets(%dma_start3A_54 : memref<128xi32, #tpu.memory_space<vmem>>) semaphore(%arg14 : memref<!tpu.dma_semaphore, #tpu.memory_space<semaphore_mem>>)
      %dma_wait3A_58 = arith.constant 0 : i32
      %dma_wait3A_59 = tpu.memref_slice %arg8[%add3A_40, %dma_wait3A_58] : memref<50x128xi32, #tpu.memory_space<vmem>> -> memref<1x128xi32, #tpu.memory_space<vmem>>
      %dma_wait3A_60 = tpu.memref_squeeze %dma_wait3A_59 : memref<1x128xi32, #tpu.memory_space<vmem>> -> memref<128xi32, #tpu.memory_space<vmem>>
      %dma_wait3A_61 = arith.constant 0 : i32
      %dma_wait3A_62 = arith.constant 0 : i32
      %dma_wait3A_63 = tpu.memref_slice %arg4[%dma_wait3A_61, %dma_wait3A_62] : memref<1000000x64xf32, #tpu.memory_space<hbm>> -> memref<1000000x64xf32, #tpu.memory_space<hbm>>
      tpu.wait_indirect_dma semaphore(%arg13 : memref<!tpu.dma_semaphore, #tpu.memory_space<semaphore_mem>>) src(%dma_wait3A_63 : memref<1000000x64xf32, #tpu.memory_space<hbm>>) dst(%arg10 : memref<128x64xf32, #tpu.memory_space<vmem>>)
      %iota3A = tpu.iota {dimensions = array<i32: 0>} : vector<16xi32>
      %scan3A_64 = arith.constant 0 : i32
      %scan3A_65 = arith.constant 8 : i32
      %scan3A_66 = arith.addi %scan3A_64, %scan3A_65 : i32
      %scan3A_67 = arith.constant 1 : i32
      scf.for %scan3A_109 = %scan3A_64 to %scan3A_66 step %scan3A_67  : i32 {
        %mul3A_110 = arith.constant 16 : i32
        %mul3A_111 = arith.muli %scan3A_109, %mul3A_110 : i32
        %iota3A_112 = tpu.iota {dimensions = array<i32: 0>} : vector<16xi32>
        %add3A_113 = vector.broadcast %mul3A_111 : i32 to vector<16xi32>
        %add3A_114 = arith.addi %add3A_113, %iota3A_112 : vector<16xi32>
        %mul3A_115 = arith.constant 128 : i32
        %mul3A_116 = arith.muli %add3A_40, %mul3A_115 : i32
        %mul3A_117 = arith.constant 16 : i32
        %mul3A_118 = arith.muli %scan3A_109, %mul3A_117 : i32
        %add3A_119 = arith.addi %mul3A_116, %mul3A_118 : i32
        %get3A = arith.index_cast %add3A_119 : i32 to index
        %get3A_120 = tpu.vector_load %arg9[%get3A] {strides = array<i32>} : memref<6400xi32, #tpu.memory_space<vmem>>, vector<16xi32>,
        %broadcast_in_dim3A = arith.constant 0.000000e+00 : f32
        %broadcast_in_dim3A_121 = vector.broadcast %broadcast_in_dim3A : f32 to vector<16xf32>
        %gather3A = tpu.vector_load_idx %arg10[%add3A_114, %iota3A] : memref<128x64xf32, #tpu.memory_space<vmem>>[vector<16xi32>, vector<16xi32>], vector<16xf32>,
        %gather3A_122 = tpu.vector_load_idx %arg7[%get3A_120, %iota3A] : memref<1000x64xf32, #tpu.memory_space<vmem>>[vector<16xi32>, vector<16xi32>], vector<16xf32>,
        %mul3A_123 = arith.mulf %gather3A, %gather3A_122 : vector<16xf32>
        %add3A_124 = arith.addf %broadcast_in_dim3A_121, %mul3A_123 : vector<16xf32>
        %add3A_125 = arith.constant 1 : i32
        %add3A_126 = vector.broadcast %add3A_125 : i32 to vector<16xi32>
        %add3A_127 = arith.addi %iota3A, %add3A_126 : vector<16xi32>
        %and3A_128 = arith.constant 63 : i32
        %and3A_129 = vector.broadcast %and3A_128 : i32 to vector<16xi32>
        %and3A_130 = arith.andi %add3A_127, %and3A_129 : vector<16xi32>
        %gather3A_131 = tpu.vector_load_idx %arg10[%add3A_114, %and3A_130] : memref<128x64xf32, #tpu.memory_space<vmem>>[vector<16xi32>, vector<16xi32>], vector<16xf32>,
        %gather3A_132 = tpu.vector_load_idx %arg7[%get3A_120, %and3A_130] : memref<1000x64xf32, #tpu.memory_space<vmem>>[vector<16xi32>, vector<16xi32>], vector<16xf32>,
        %mul3A_133 = arith.mulf %gather3A_131, %gather3A_132 : vector<16xf32>
        %add3A_134 = arith.addf %add3A_124, %mul3A_133 : vector<16xf32>
        %add3A_135 = arith.constant 1 : i32
        %add3A_136 = vector.broadcast %add3A_135 : i32 to vector<16xi32>
        %add3A_137 = arith.addi %and3A_130, %add3A_136 : vector<16xi32>
        %and3A_138 = arith.constant 63 : i32
        %and3A_139 = vector.broadcast %and3A_138 : i32 to vector<16xi32>
        %and3A_140 = arith.andi %add3A_137, %and3A_139 : vector<16xi32>
        %gather3A_141 = tpu.vector_load_idx %arg10[%add3A_114, %and3A_140] : memref<128x64xf32, #tpu.memory_space<vmem>>[vector<16xi32>, vector<16xi32>], vector<16xf32>,
        %gather3A_142 = tpu.vector_load_idx %arg7[%get3A_120, %and3A_140] : memref<1000x64xf32, #tpu.memory_space<vmem>>[vector<16xi32>, vector<16xi32>], vector<16xf32>,
        %mul3A_143 = arith.mulf %gather3A_141, %gather3A_142 : vector<16xf32>
        %add3A_144 = arith.addf %add3A_134, %mul3A_143 : vector<16xf32>
        %add3A_145 = arith.constant 1 : i32
        %add3A_146 = vector.broadcast %add3A_145 : i32 to vector<16xi32>
        %add3A_147 = arith.addi %and3A_140, %add3A_146 : vector<16xi32>
        %and3A_148 = arith.constant 63 : i32
        %and3A_149 = vector.broadcast %and3A_148 : i32 to vector<16xi32>
        %and3A_150 = arith.andi %add3A_147, %and3A_149 : vector<16xi32>
        %gather3A_151 = tpu.vector_load_idx %arg10[%add3A_114, %and3A_150] : memref<128x64xf32, #tpu.memory_space<vmem>>[vector<16xi32>, vector<16xi32>], vector<16xf32>,
        %gather3A_152 = tpu.vector_load_idx %arg7[%get3A_120, %and3A_150] : memref<1000x64xf32, #tpu.memory_space<vmem>>[vector<16xi32>, vector<16xi32>], vector<16xf32>,
        %mul3A_153 = arith.mulf %gather3A_151, %gather3A_152 : vector<16xf32>
        %add3A_154 = arith.addf %add3A_144, %mul3A_153 : vector<16xf32>
        %add3A_155 = arith.constant 1 : i32
        %add3A_156 = vector.broadcast %add3A_155 : i32 to vector<16xi32>
        %add3A_157 = arith.addi %and3A_150, %add3A_156 : vector<16xi32>
        %and3A_158 = arith.constant 63 : i32
        %and3A_159 = vector.broadcast %and3A_158 : i32 to vector<16xi32>
        %and3A_160 = arith.andi %add3A_157, %and3A_159 : vector<16xi32>
        %gather3A_161 = tpu.vector_load_idx %arg10[%add3A_114, %and3A_160] : memref<128x64xf32, #tpu.memory_space<vmem>>[vector<16xi32>, vector<16xi32>], vector<16xf32>,
        %gather3A_162 = tpu.vector_load_idx %arg7[%get3A_120, %and3A_160] : memref<1000x64xf32, #tpu.memory_space<vmem>>[vector<16xi32>, vector<16xi32>], vector<16xf32>,
        %mul3A_163 = arith.mulf %gather3A_161, %gather3A_162 : vector<16xf32>
        %add3A_164 = arith.addf %add3A_154, %mul3A_163 : vector<16xf32>
        %add3A_165 = arith.constant 1 : i32
        %add3A_166 = vector.broadcast %add3A_165 : i32 to vector<16xi32>
        %add3A_167 = arith.addi %and3A_160, %add3A_166 : vector<16xi32>
        %and3A_168 = arith.constant 63 : i32
        %and3A_169 = vector.broadcast %and3A_168 : i32 to vector<16xi32>
        %and3A_170 = arith.andi %add3A_167, %and3A_169 : vector<16xi32>
        %gather3A_171 = tpu.vector_load_idx %arg10[%add3A_114, %and3A_170] : memref<128x64xf32, #tpu.memory_space<vmem>>[vector<16xi32>, vector<16xi32>], vector<16xf32>,
        %gather3A_172 = tpu.vector_load_idx %arg7[%get3A_120, %and3A_170] : memref<1000x64xf32, #tpu.memory_space<vmem>>[vector<16xi32>, vector<16xi32>], vector<16xf32>,
        %mul3A_173 = arith.mulf %gather3A_171, %gather3A_172 : vector<16xf32>
        %add3A_174 = arith.addf %add3A_164, %mul3A_173 : vector<16xf32>
        %add3A_175 = arith.constant 1 : i32
        %add3A_176 = vector.broadcast %add3A_175 : i32 to vector<16xi32>
        %add3A_177 = arith.addi %and3A_170, %add3A_176 : vector<16xi32>
        %and3A_178 = arith.constant 63 : i32
        %and3A_179 = vector.broadcast %and3A_178 : i32 to vector<16xi32>
        %and3A_180 = arith.andi %add3A_177, %and3A_179 : vector<16xi32>
        %gather3A_181 = tpu.vector_load_idx %arg10[%add3A_114, %and3A_180] : memref<128x64xf32, #tpu.memory_space<vmem>>[vector<16xi32>, vector<16xi32>], vector<16xf32>,
        %gather3A_182 = tpu.vector_load_idx %arg7[%get3A_120, %and3A_180] : memref<1000x64xf32, #tpu.memory_space<vmem>>[vector<16xi32>, vector<16xi32>], vector<16xf32>,
        %mul3A_183 = arith.mulf %gather3A_181, %gather3A_182 : vector<16xf32>
        %add3A_184 = arith.addf %add3A_174, %mul3A_183 : vector<16xf32>
        %add3A_185 = arith.constant 1 : i32
        %add3A_186 = vector.broadcast %add3A_185 : i32 to vector<16xi32>
        %add3A_187 = arith.addi %and3A_180, %add3A_186 : vector<16xi32>
        %and3A_188 = arith.constant 63 : i32
        %and3A_189 = vector.broadcast %and3A_188 : i32 to vector<16xi32>
        %and3A_190 = arith.andi %add3A_187, %and3A_189 : vector<16xi32>
        %gather3A_191 = tpu.vector_load_idx %arg10[%add3A_114, %and3A_190] : memref<128x64xf32, #tpu.memory_space<vmem>>[vector<16xi32>, vector<16xi32>], vector<16xf32>,
        %gather3A_192 = tpu.vector_load_idx %arg7[%get3A_120, %and3A_190] : memref<1000x64xf32, #tpu.memory_space<vmem>>[vector<16xi32>, vector<16xi32>], vector<16xf32>,
        %mul3A_193 = arith.mulf %gather3A_191, %gather3A_192 : vector<16xf32>
        %add3A_194 = arith.addf %add3A_184, %mul3A_193 : vector<16xf32>
        %add3A_195 = arith.constant 1 : i32
        %add3A_196 = vector.broadcast %add3A_195 : i32 to vector<16xi32>
        %add3A_197 = arith.addi %and3A_190, %add3A_196 : vector<16xi32>
        %and3A_198 = arith.constant 63 : i32
        %and3A_199 = vector.broadcast %and3A_198 : i32 to vector<16xi32>
        %and3A_200 = arith.andi %add3A_197, %and3A_199 : vector<16xi32>
        %gather3A_201 = tpu.vector_load_idx %arg10[%add3A_114, %and3A_200] : memref<128x64xf32, #tpu.memory_space<vmem>>[vector<16xi32>, vector<16xi32>], vector<16xf32>,
        %gather3A_202 = tpu.vector_load_idx %arg7[%get3A_120, %and3A_200] : memref<1000x64xf32, #tpu.memory_space<vmem>>[vector<16xi32>, vector<16xi32>], vector<16xf32>,
        %mul3A_203 = arith.mulf %gather3A_201, %gather3A_202 : vector<16xf32>
        %add3A_204 = arith.addf %add3A_194, %mul3A_203 : vector<16xf32>
        %add3A_205 = arith.constant 1 : i32
        %add3A_206 = vector.broadcast %add3A_205 : i32 to vector<16xi32>
        %add3A_207 = arith.addi %and3A_200, %add3A_206 : vector<16xi32>
        %and3A_208 = arith.constant 63 : i32
        %and3A_209 = vector.broadcast %and3A_208 : i32 to vector<16xi32>
        %and3A_210 = arith.andi %add3A_207, %and3A_209 : vector<16xi32>
        %gather3A_211 = tpu.vector_load_idx %arg10[%add3A_114, %and3A_210] : memref<128x64xf32, #tpu.memory_space<vmem>>[vector<16xi32>, vector<16xi32>], vector<16xf32>,
        %gather3A_212 = tpu.vector_load_idx %arg7[%get3A_120, %and3A_210] : memref<1000x64xf32, #tpu.memory_space<vmem>>[vector<16xi32>, vector<16xi32>], vector<16xf32>,
        %mul3A_213 = arith.mulf %gather3A_211, %gather3A_212 : vector<16xf32>
        %add3A_214 = arith.addf %add3A_204, %mul3A_213 : vector<16xf32>
        %add3A_215 = arith.constant 1 : i32
        %add3A_216 = vector.broadcast %add3A_215 : i32 to vector<16xi32>
        %add3A_217 = arith.addi %and3A_210, %add3A_216 : vector<16xi32>
        %and3A_218 = arith.constant 63 : i32
        %and3A_219 = vector.broadcast %and3A_218 : i32 to vector<16xi32>
        %and3A_220 = arith.andi %add3A_217, %and3A_219 : vector<16xi32>
        %gather3A_221 = tpu.vector_load_idx %arg10[%add3A_114, %and3A_220] : memref<128x64xf32, #tpu.memory_space<vmem>>[vector<16xi32>, vector<16xi32>], vector<16xf32>,
        %gather3A_222 = tpu.vector_load_idx %arg7[%get3A_120, %and3A_220] : memref<1000x64xf32, #tpu.memory_space<vmem>>[vector<16xi32>, vector<16xi32>], vector<16xf32>,
        %mul3A_223 = arith.mulf %gather3A_221, %gather3A_222 : vector<16xf32>
        %add3A_224 = arith.addf %add3A_214, %mul3A_223 : vector<16xf32>
        %add3A_225 = arith.constant 1 : i32
        %add3A_226 = vector.broadcast %add3A_225 : i32 to vector<16xi32>
        %add3A_227 = arith.addi %and3A_220, %add3A_226 : vector<16xi32>
        %and3A_228 = arith.constant 63 : i32
        %and3A_229 = vector.broadcast %and3A_228 : i32 to vector<16xi32>
        %and3A_230 = arith.andi %add3A_227, %and3A_229 : vector<16xi32>
        %gather3A_231 = tpu.vector_load_idx %arg10[%add3A_114, %and3A_230] : memref<128x64xf32, #tpu.memory_space<vmem>>[vector<16xi32>, vector<16xi32>], vector<16xf32>,
        %gather3A_232 = tpu.vector_load_idx %arg7[%get3A_120, %and3A_230] : memref<1000x64xf32, #tpu.memory_space<vmem>>[vector<16xi32>, vector<16xi32>], vector<16xf32>,
        %mul3A_233 = arith.mulf %gather3A_231, %gather3A_232 : vector<16xf32>
        %add3A_234 = arith.addf %add3A_224, %mul3A_233 : vector<16xf32>
        %add3A_235 = arith.constant 1 : i32
        %add3A_236 = vector.broadcast %add3A_235 : i32 to vector<16xi32>
        %add3A_237 = arith.addi %and3A_230, %add3A_236 : vector<16xi32>
        %and3A_238 = arith.constant 63 : i32
        %and3A_239 = vector.broadcast %and3A_238 : i32 to vector<16xi32>
        %and3A_240 = arith.andi %add3A_237, %and3A_239 : vector<16xi32>
        %gather3A_241 = tpu.vector_load_idx %arg10[%add3A_114, %and3A_240] : memref<128x64xf32, #tpu.memory_space<vmem>>[vector<16xi32>, vector<16xi32>], vector<16xf32>,
        %gather3A_242 = tpu.vector_load_idx %arg7[%get3A_120, %and3A_240] : memref<1000x64xf32, #tpu.memory_space<vmem>>[vector<16xi32>, vector<16xi32>], vector<16xf32>,
        %mul3A_243 = arith.mulf %gather3A_241, %gather3A_242 : vector<16xf32>
        %add3A_244 = arith.addf %add3A_234, %mul3A_243 : vector<16xf32>
        %add3A_245 = arith.constant 1 : i32
        %add3A_246 = vector.broadcast %add3A_245 : i32 to vector<16xi32>
        %add3A_247 = arith.addi %and3A_240, %add3A_246 : vector<16xi32>
        %and3A_248 = arith.constant 63 : i32
        %and3A_249 = vector.broadcast %and3A_248 : i32 to vector<16xi32>
        %and3A_250 = arith.andi %add3A_247, %and3A_249 : vector<16xi32>
        %gather3A_251 = tpu.vector_load_idx %arg10[%add3A_114, %and3A_250] : memref<128x64xf32, #tpu.memory_space<vmem>>[vector<16xi32>, vector<16xi32>], vector<16xf32>,
        %gather3A_252 = tpu.vector_load_idx %arg7[%get3A_120, %and3A_250] : memref<1000x64xf32, #tpu.memory_space<vmem>>[vector<16xi32>, vector<16xi32>], vector<16xf32>,
        %mul3A_253 = arith.mulf %gather3A_251, %gather3A_252 : vector<16xf32>
        %add3A_254 = arith.addf %add3A_244, %mul3A_253 : vector<16xf32>
        %add3A_255 = arith.constant 1 : i32
        %add3A_256 = vector.broadcast %add3A_255 : i32 to vector<16xi32>
        %add3A_257 = arith.addi %and3A_250, %add3A_256 : vector<16xi32>
        %and3A_258 = arith.constant 63 : i32
        %and3A_259 = vector.broadcast %and3A_258 : i32 to vector<16xi32>
        %and3A_260 = arith.andi %add3A_257, %and3A_259 : vector<16xi32>
        %gather3A_261 = tpu.vector_load_idx %arg10[%add3A_114, %and3A_260] : memref<128x64xf32, #tpu.memory_space<vmem>>[vector<16xi32>, vector<16xi32>], vector<16xf32>,
        %gather3A_262 = tpu.vector_load_idx %arg7[%get3A_120, %and3A_260] : memref<1000x64xf32, #tpu.memory_space<vmem>>[vector<16xi32>, vector<16xi32>], vector<16xf32>,
        %mul3A_263 = arith.mulf %gather3A_261, %gather3A_262 : vector<16xf32>
        %add3A_264 = arith.addf %add3A_254, %mul3A_263 : vector<16xf32>
        %add3A_265 = arith.constant 1 : i32
        %add3A_266 = vector.broadcast %add3A_265 : i32 to vector<16xi32>
        %add3A_267 = arith.addi %and3A_260, %add3A_266 : vector<16xi32>
        %and3A_268 = arith.constant 63 : i32
        %and3A_269 = vector.broadcast %and3A_268 : i32 to vector<16xi32>
        %and3A_270 = arith.andi %add3A_267, %and3A_269 : vector<16xi32>
        %gather3A_271 = tpu.vector_load_idx %arg10[%add3A_114, %and3A_270] : memref<128x64xf32, #tpu.memory_space<vmem>>[vector<16xi32>, vector<16xi32>], vector<16xf32>,
        %gather3A_272 = tpu.vector_load_idx %arg7[%get3A_120, %and3A_270] : memref<1000x64xf32, #tpu.memory_space<vmem>>[vector<16xi32>, vector<16xi32>], vector<16xf32>,
        %mul3A_273 = arith.mulf %gather3A_271, %gather3A_272 : vector<16xf32>
        %add3A_274 = arith.addf %add3A_264, %mul3A_273 : vector<16xf32>
        %add3A_275 = arith.constant 1 : i32
        %add3A_276 = vector.broadcast %add3A_275 : i32 to vector<16xi32>
        %add3A_277 = arith.addi %and3A_270, %add3A_276 : vector<16xi32>
        %and3A_278 = arith.constant 63 : i32
        %and3A_279 = vector.broadcast %and3A_278 : i32 to vector<16xi32>
        %and3A_280 = arith.andi %add3A_277, %and3A_279 : vector<16xi32>
        %gather3A_281 = tpu.vector_load_idx %arg10[%add3A_114, %and3A_280] : memref<128x64xf32, #tpu.memory_space<vmem>>[vector<16xi32>, vector<16xi32>], vector<16xf32>,
        %gather3A_282 = tpu.vector_load_idx %arg7[%get3A_120, %and3A_280] : memref<1000x64xf32, #tpu.memory_space<vmem>>[vector<16xi32>, vector<16xi32>], vector<16xf32>,
        %mul3A_283 = arith.mulf %gather3A_281, %gather3A_282 : vector<16xf32>
        %add3A_284 = arith.addf %add3A_274, %mul3A_283 : vector<16xf32>
        %add3A_285 = arith.constant 1 : i32
        %add3A_286 = vector.broadcast %add3A_285 : i32 to vector<16xi32>
        %add3A_287 = arith.addi %and3A_280, %add3A_286 : vector<16xi32>
        %and3A_288 = arith.constant 63 : i32
        %and3A_289 = vector.broadcast %and3A_288 : i32 to vector<16xi32>
        %and3A_290 = arith.andi %add3A_287, %and3A_289 : vector<16xi32>
        %gather3A_291 = tpu.vector_load_idx %arg10[%add3A_114, %and3A_290] : memref<128x64xf32, #tpu.memory_space<vmem>>[vector<16xi32>, vector<16xi32>], vector<16xf32>,
        %gather3A_292 = tpu.vector_load_idx %arg7[%get3A_120, %and3A_290] : memref<1000x64xf32, #tpu.memory_space<vmem>>[vector<16xi32>, vector<16xi32>], vector<16xf32>,
        %mul3A_293 = arith.mulf %gather3A_291, %gather3A_292 : vector<16xf32>
        %add3A_294 = arith.addf %add3A_284, %mul3A_293 : vector<16xf32>
        %add3A_295 = arith.constant 1 : i32
        %add3A_296 = vector.broadcast %add3A_295 : i32 to vector<16xi32>
        %add3A_297 = arith.addi %and3A_290, %add3A_296 : vector<16xi32>
        %and3A_298 = arith.constant 63 : i32
        %and3A_299 = vector.broadcast %and3A_298 : i32 to vector<16xi32>
        %and3A_300 = arith.andi %add3A_297, %and3A_299 : vector<16xi32>
        %gather3A_301 = tpu.vector_load_idx %arg10[%add3A_114, %and3A_300] : memref<128x64xf32, #tpu.memory_space<vmem>>[vector<16xi32>, vector<16xi32>], vector<16xf32>,
        %gather3A_302 = tpu.vector_load_idx %arg7[%get3A_120, %and3A_300] : memref<1000x64xf32, #tpu.memory_space<vmem>>[vector<16xi32>, vector<16xi32>], vector<16xf32>,
        %mul3A_303 = arith.mulf %gather3A_301, %gather3A_302 : vector<16xf32>
        %add3A_304 = arith.addf %add3A_294, %mul3A_303 : vector<16xf32>
        %add3A_305 = arith.constant 1 : i32
        %add3A_306 = vector.broadcast %add3A_305 : i32 to vector<16xi32>
        %add3A_307 = arith.addi %and3A_300, %add3A_306 : vector<16xi32>
        %and3A_308 = arith.constant 63 : i32
        %and3A_309 = vector.broadcast %and3A_308 : i32 to vector<16xi32>
        %and3A_310 = arith.andi %add3A_307, %and3A_309 : vector<16xi32>
        %gather3A_311 = tpu.vector_load_idx %arg10[%add3A_114, %and3A_310] : memref<128x64xf32, #tpu.memory_space<vmem>>[vector<16xi32>, vector<16xi32>], vector<16xf32>,
        %gather3A_312 = tpu.vector_load_idx %arg7[%get3A_120, %and3A_310] : memref<1000x64xf32, #tpu.memory_space<vmem>>[vector<16xi32>, vector<16xi32>], vector<16xf32>,
        %mul3A_313 = arith.mulf %gather3A_311, %gather3A_312 : vector<16xf32>
        %add3A_314 = arith.addf %add3A_304, %mul3A_313 : vector<16xf32>
        %add3A_315 = arith.constant 1 : i32
        %add3A_316 = vector.broadcast %add3A_315 : i32 to vector<16xi32>
        %add3A_317 = arith.addi %and3A_310, %add3A_316 : vector<16xi32>
        %and3A_318 = arith.constant 63 : i32
        %and3A_319 = vector.broadcast %and3A_318 : i32 to vector<16xi32>
        %and3A_320 = arith.andi %add3A_317, %and3A_319 : vector<16xi32>
        %gather3A_321 = tpu.vector_load_idx %arg10[%add3A_114, %and3A_320] : memref<128x64xf32, #tpu.memory_space<vmem>>[vector<16xi32>, vector<16xi32>], vector<16xf32>,
        %gather3A_322 = tpu.vector_load_idx %arg7[%get3A_120, %and3A_320] : memref<1000x64xf32, #tpu.memory_space<vmem>>[vector<16xi32>, vector<16xi32>], vector<16xf32>,
        %mul3A_323 = arith.mulf %gather3A_321, %gather3A_322 : vector<16xf32>
        %add3A_324 = arith.addf %add3A_314, %mul3A_323 : vector<16xf32>
        %add3A_325 = arith.constant 1 : i32
        %add3A_326 = vector.broadcast %add3A_325 : i32 to vector<16xi32>
        %add3A_327 = arith.addi %and3A_320, %add3A_326 : vector<16xi32>
        %and3A_328 = arith.constant 63 : i32
        %and3A_329 = vector.broadcast %and3A_328 : i32 to vector<16xi32>
        %and3A_330 = arith.andi %add3A_327, %and3A_329 : vector<16xi32>
        %gather3A_331 = tpu.vector_load_idx %arg10[%add3A_114, %and3A_330] : memref<128x64xf32, #tpu.memory_space<vmem>>[vector<16xi32>, vector<16xi32>], vector<16xf32>,
        %gather3A_332 = tpu.vector_load_idx %arg7[%get3A_120, %and3A_330] : memref<1000x64xf32, #tpu.memory_space<vmem>>[vector<16xi32>, vector<16xi32>], vector<16xf32>,
        %mul3A_333 = arith.mulf %gather3A_331, %gather3A_332 : vector<16xf32>
        %add3A_334 = arith.addf %add3A_324, %mul3A_333 : vector<16xf32>
        %add3A_335 = arith.constant 1 : i32
        %add3A_336 = vector.broadcast %add3A_335 : i32 to vector<16xi32>
        %add3A_337 = arith.addi %and3A_330, %add3A_336 : vector<16xi32>
        %and3A_338 = arith.constant 63 : i32
        %and3A_339 = vector.broadcast %and3A_338 : i32 to vector<16xi32>
        %and3A_340 = arith.andi %add3A_337, %and3A_339 : vector<16xi32>
        %gather3A_341 = tpu.vector_load_idx %arg10[%add3A_114, %and3A_340] : memref<128x64xf32, #tpu.memory_space<vmem>>[vector<16xi32>, vector<16xi32>], vector<16xf32>,
        %gather3A_342 = tpu.vector_load_idx %arg7[%get3A_120, %and3A_340] : memref<1000x64xf32, #tpu.memory_space<vmem>>[vector<16xi32>, vector<16xi32>], vector<16xf32>,
        %mul3A_343 = arith.mulf %gather3A_341, %gather3A_342 : vector<16xf32>
        %add3A_344 = arith.addf %add3A_334, %mul3A_343 : vector<16xf32>
        %add3A_345 = arith.constant 1 : i32
        %add3A_346 = vector.broadcast %add3A_345 : i32 to vector<16xi32>
        %add3A_347 = arith.addi %and3A_340, %add3A_346 : vector<16xi32>
        %and3A_348 = arith.constant 63 : i32
        %and3A_349 = vector.broadcast %and3A_348 : i32 to vector<16xi32>
        %and3A_350 = arith.andi %add3A_347, %and3A_349 : vector<16xi32>
        %gather3A_351 = tpu.vector_load_idx %arg10[%add3A_114, %and3A_350] : memref<128x64xf32, #tpu.memory_space<vmem>>[vector<16xi32>, vector<16xi32>], vector<16xf32>,
        %gather3A_352 = tpu.vector_load_idx %arg7[%get3A_120, %and3A_350] : memref<1000x64xf32, #tpu.memory_space<vmem>>[vector<16xi32>, vector<16xi32>], vector<16xf32>,
        %mul3A_353 = arith.mulf %gather3A_351, %gather3A_352 : vector<16xf32>
        %add3A_354 = arith.addf %add3A_344, %mul3A_353 : vector<16xf32>
        %add3A_355 = arith.constant 1 : i32
        %add3A_356 = vector.broadcast %add3A_355 : i32 to vector<16xi32>
        %add3A_357 = arith.addi %and3A_350, %add3A_356 : vector<16xi32>
        %and3A_358 = arith.constant 63 : i32
        %and3A_359 = vector.broadcast %and3A_358 : i32 to vector<16xi32>
        %and3A_360 = arith.andi %add3A_357, %and3A_359 : vector<16xi32>
        %gather3A_361 = tpu.vector_load_idx %arg10[%add3A_114, %and3A_360] : memref<128x64xf32, #tpu.memory_space<vmem>>[vector<16xi32>, vector<16xi32>], vector<16xf32>,
        %gather3A_362 = tpu.vector_load_idx %arg7[%get3A_120, %and3A_360] : memref<1000x64xf32, #tpu.memory_space<vmem>>[vector<16xi32>, vector<16xi32>], vector<16xf32>,
        %mul3A_363 = arith.mulf %gather3A_361, %gather3A_362 : vector<16xf32>
        %add3A_364 = arith.addf %add3A_354, %mul3A_363 : vector<16xf32>
        %add3A_365 = arith.constant 1 : i32
        %add3A_366 = vector.broadcast %add3A_365 : i32 to vector<16xi32>
        %add3A_367 = arith.addi %and3A_360, %add3A_366 : vector<16xi32>
        %and3A_368 = arith.constant 63 : i32
        %and3A_369 = vector.broadcast %and3A_368 : i32 to vector<16xi32>
        %and3A_370 = arith.andi %add3A_367, %and3A_369 : vector<16xi32>
        %gather3A_371 = tpu.vector_load_idx %arg10[%add3A_114, %and3A_370] : memref<128x64xf32, #tpu.memory_space<vmem>>[vector<16xi32>, vector<16xi32>], vector<16xf32>,
        %gather3A_372 = tpu.vector_load_idx %arg7[%get3A_120, %and3A_370] : memref<1000x64xf32, #tpu.memory_space<vmem>>[vector<16xi32>, vector<16xi32>], vector<16xf32>,
        %mul3A_373 = arith.mulf %gather3A_371, %gather3A_372 : vector<16xf32>
        %add3A_374 = arith.addf %add3A_364, %mul3A_373 : vector<16xf32>
        %add3A_375 = arith.constant 1 : i32
        %add3A_376 = vector.broadcast %add3A_375 : i32 to vector<16xi32>
        %add3A_377 = arith.addi %and3A_370, %add3A_376 : vector<16xi32>
        %and3A_378 = arith.constant 63 : i32
        %and3A_379 = vector.broadcast %and3A_378 : i32 to vector<16xi32>
        %and3A_380 = arith.andi %add3A_377, %and3A_379 : vector<16xi32>
        %gather3A_381 = tpu.vector_load_idx %arg10[%add3A_114, %and3A_380] : memref<128x64xf32, #tpu.memory_space<vmem>>[vector<16xi32>, vector<16xi32>], vector<16xf32>,
        %gather3A_382 = tpu.vector_load_idx %arg7[%get3A_120, %and3A_380] : memref<1000x64xf32, #tpu.memory_space<vmem>>[vector<16xi32>, vector<16xi32>], vector<16xf32>,
        %mul3A_383 = arith.mulf %gather3A_381, %gather3A_382 : vector<16xf32>
        %add3A_384 = arith.addf %add3A_374, %mul3A_383 : vector<16xf32>
        %add3A_385 = arith.constant 1 : i32
        %add3A_386 = vector.broadcast %add3A_385 : i32 to vector<16xi32>
        %add3A_387 = arith.addi %and3A_380, %add3A_386 : vector<16xi32>
        %and3A_388 = arith.constant 63 : i32
        %and3A_389 = vector.broadcast %and3A_388 : i32 to vector<16xi32>
        %and3A_390 = arith.andi %add3A_387, %and3A_389 : vector<16xi32>
        %gather3A_391 = tpu.vector_load_idx %arg10[%add3A_114, %and3A_390] : memref<128x64xf32, #tpu.memory_space<vmem>>[vector<16xi32>, vector<16xi32>], vector<16xf32>,
        %gather3A_392 = tpu.vector_load_idx %arg7[%get3A_120, %and3A_390] : memref<1000x64xf32, #tpu.memory_space<vmem>>[vector<16xi32>, vector<16xi32>], vector<16xf32>,
        %mul3A_393 = arith.mulf %gather3A_391, %gather3A_392 : vector<16xf32>
        %add3A_394 = arith.addf %add3A_384, %mul3A_393 : vector<16xf32>
        %add3A_395 = arith.constant 1 : i32
        %add3A_396 = vector.broadcast %add3A_395 : i32 to vector<16xi32>
        %add3A_397 = arith.addi %and3A_390, %add3A_396 : vector<16xi32>
        %and3A_398 = arith.constant 63 : i32
        %and3A_399 = vector.broadcast %and3A_398 : i32 to vector<16xi32>
        %and3A_400 = arith.andi %add3A_397, %and3A_399 : vector<16xi32>
        %gather3A_401 = tpu.vector_load_idx %arg10[%add3A_114, %and3A_400] : memref<128x64xf32, #tpu.memory_space<vmem>>[vector<16xi32>, vector<16xi32>], vector<16xf32>,
        %gather3A_402 = tpu.vector_load_idx %arg7[%get3A_120, %and3A_400] : memref<1000x64xf32, #tpu.memory_space<vmem>>[vector<16xi32>, vector<16xi32>], vector<16xf32>,
        %mul3A_403 = arith.mulf %gather3A_401, %gather3A_402 : vector<16xf32>
        %add3A_404 = arith.addf %add3A_394, %mul3A_403 : vector<16xf32>
        %add3A_405 = arith.constant 1 : i32
        %add3A_406 = vector.broadcast %add3A_405 : i32 to vector<16xi32>
        %add3A_407 = arith.addi %and3A_400, %add3A_406 : vector<16xi32>
        %and3A_408 = arith.constant 63 : i32
        %and3A_409 = vector.broadcast %and3A_408 : i32 to vector<16xi32>
        %and3A_410 = arith.andi %add3A_407, %and3A_409 : vector<16xi32>
        %gather3A_411 = tpu.vector_load_idx %arg10[%add3A_114, %and3A_410] : memref<128x64xf32, #tpu.memory_space<vmem>>[vector<16xi32>, vector<16xi32>], vector<16xf32>,
        %gather3A_412 = tpu.vector_load_idx %arg7[%get3A_120, %and3A_410] : memref<1000x64xf32, #tpu.memory_space<vmem>>[vector<16xi32>, vector<16xi32>], vector<16xf32>,
        %mul3A_413 = arith.mulf %gather3A_411, %gather3A_412 : vector<16xf32>
        %add3A_414 = arith.addf %add3A_404, %mul3A_413 : vector<16xf32>
        %add3A_415 = arith.constant 1 : i32
        %add3A_416 = vector.broadcast %add3A_415 : i32 to vector<16xi32>
        %add3A_417 = arith.addi %and3A_410, %add3A_416 : vector<16xi32>
        %and3A_418 = arith.constant 63 : i32
        %and3A_419 = vector.broadcast %and3A_418 : i32 to vector<16xi32>
        %and3A_420 = arith.andi %add3A_417, %and3A_419 : vector<16xi32>
        %gather3A_421 = tpu.vector_load_idx %arg10[%add3A_114, %and3A_420] : memref<128x64xf32, #tpu.memory_space<vmem>>[vector<16xi32>, vector<16xi32>], vector<16xf32>,
        %gather3A_422 = tpu.vector_load_idx %arg7[%get3A_120, %and3A_420] : memref<1000x64xf32, #tpu.memory_space<vmem>>[vector<16xi32>, vector<16xi32>], vector<16xf32>,
        %mul3A_423 = arith.mulf %gather3A_421, %gather3A_422 : vector<16xf32>
        %add3A_424 = arith.addf %add3A_414, %mul3A_423 : vector<16xf32>
        %add3A_425 = arith.constant 1 : i32
        %add3A_426 = vector.broadcast %add3A_425 : i32 to vector<16xi32>
        %add3A_427 = arith.addi %and3A_420, %add3A_426 : vector<16xi32>
        %and3A_428 = arith.constant 63 : i32
        %and3A_429 = vector.broadcast %and3A_428 : i32 to vector<16xi32>
        %and3A_430 = arith.andi %add3A_427, %and3A_429 : vector<16xi32>
        %gather3A_431 = tpu.vector_load_idx %arg10[%add3A_114, %and3A_430] : memref<128x64xf32, #tpu.memory_space<vmem>>[vector<16xi32>, vector<16xi32>], vector<16xf32>,
        %gather3A_432 = tpu.vector_load_idx %arg7[%get3A_120, %and3A_430] : memref<1000x64xf32, #tpu.memory_space<vmem>>[vector<16xi32>, vector<16xi32>], vector<16xf32>,
        %mul3A_433 = arith.mulf %gather3A_431, %gather3A_432 : vector<16xf32>
        %add3A_434 = arith.addf %add3A_424, %mul3A_433 : vector<16xf32>
        %add3A_435 = arith.constant 1 : i32
        %add3A_436 = vector.broadcast %add3A_435 : i32 to vector<16xi32>
        %add3A_437 = arith.addi %and3A_430, %add3A_436 : vector<16xi32>
        %and3A_438 = arith.constant 63 : i32
        %and3A_439 = vector.broadcast %and3A_438 : i32 to vector<16xi32>
        %and3A_440 = arith.andi %add3A_437, %and3A_439 : vector<16xi32>
        %gather3A_441 = tpu.vector_load_idx %arg10[%add3A_114, %and3A_440] : memref<128x64xf32, #tpu.memory_space<vmem>>[vector<16xi32>, vector<16xi32>], vector<16xf32>,
        %gather3A_442 = tpu.vector_load_idx %arg7[%get3A_120, %and3A_440] : memref<1000x64xf32, #tpu.memory_space<vmem>>[vector<16xi32>, vector<16xi32>], vector<16xf32>,
        %mul3A_443 = arith.mulf %gather3A_441, %gather3A_442 : vector<16xf32>
        %add3A_444 = arith.addf %add3A_434, %mul3A_443 : vector<16xf32>
        %add3A_445 = arith.constant 1 : i32
        %add3A_446 = vector.broadcast %add3A_445 : i32 to vector<16xi32>
        %add3A_447 = arith.addi %and3A_440, %add3A_446 : vector<16xi32>
        %and3A_448 = arith.constant 63 : i32
        %and3A_449 = vector.broadcast %and3A_448 : i32 to vector<16xi32>
        %and3A_450 = arith.andi %add3A_447, %and3A_449 : vector<16xi32>
        %gather3A_451 = tpu.vector_load_idx %arg10[%add3A_114, %and3A_450] : memref<128x64xf32, #tpu.memory_space<vmem>>[vector<16xi32>, vector<16xi32>], vector<16xf32>,
        %gather3A_452 = tpu.vector_load_idx %arg7[%get3A_120, %and3A_450] : memref<1000x64xf32, #tpu.memory_space<vmem>>[vector<16xi32>, vector<16xi32>], vector<16xf32>,
        %mul3A_453 = arith.mulf %gather3A_451, %gather3A_452 : vector<16xf32>
        %add3A_454 = arith.addf %add3A_444, %mul3A_453 : vector<16xf32>
        %add3A_455 = arith.constant 1 : i32
        %add3A_456 = vector.broadcast %add3A_455 : i32 to vector<16xi32>
        %add3A_457 = arith.addi %and3A_450, %add3A_456 : vector<16xi32>
        %and3A_458 = arith.constant 63 : i32
        %and3A_459 = vector.broadcast %and3A_458 : i32 to vector<16xi32>
        %and3A_460 = arith.andi %add3A_457, %and3A_459 : vector<16xi32>
        %gather3A_461 = tpu.vector_load_idx %arg10[%add3A_114, %and3A_460] : memref<128x64xf32, #tpu.memory_space<vmem>>[vector<16xi32>, vector<16xi32>], vector<16xf32>,
        %gather3A_462 = tpu.vector_load_idx %arg7[%get3A_120, %and3A_460] : memref<1000x64xf32, #tpu.memory_space<vmem>>[vector<16xi32>, vector<16xi32>], vector<16xf32>,
        %mul3A_463 = arith.mulf %gather3A_461, %gather3A_462 : vector<16xf32>
        %add3A_464 = arith.addf %add3A_454, %mul3A_463 : vector<16xf32>
        %add3A_465 = arith.constant 1 : i32
        %add3A_466 = vector.broadcast %add3A_465 : i32 to vector<16xi32>
        %add3A_467 = arith.addi %and3A_460, %add3A_466 : vector<16xi32>
        %and3A_468 = arith.constant 63 : i32
        %and3A_469 = vector.broadcast %and3A_468 : i32 to vector<16xi32>
        %and3A_470 = arith.andi %add3A_467, %and3A_469 : vector<16xi32>
        %gather3A_471 = tpu.vector_load_idx %arg10[%add3A_114, %and3A_470] : memref<128x64xf32, #tpu.memory_space<vmem>>[vector<16xi32>, vector<16xi32>], vector<16xf32>,
        %gather3A_472 = tpu.vector_load_idx %arg7[%get3A_120, %and3A_470] : memref<1000x64xf32, #tpu.memory_space<vmem>>[vector<16xi32>, vector<16xi32>], vector<16xf32>,
        %mul3A_473 = arith.mulf %gather3A_471, %gather3A_472 : vector<16xf32>
        %add3A_474 = arith.addf %add3A_464, %mul3A_473 : vector<16xf32>
        %add3A_475 = arith.constant 1 : i32
        %add3A_476 = vector.broadcast %add3A_475 : i32 to vector<16xi32>
        %add3A_477 = arith.addi %and3A_470, %add3A_476 : vector<16xi32>
        %and3A_478 = arith.constant 63 : i32
        %and3A_479 = vector.broadcast %and3A_478 : i32 to vector<16xi32>
        %and3A_480 = arith.andi %add3A_477, %and3A_479 : vector<16xi32>
        %gather3A_481 = tpu.vector_load_idx %arg10[%add3A_114, %and3A_480] : memref<128x64xf32, #tpu.memory_space<vmem>>[vector<16xi32>, vector<16xi32>], vector<16xf32>,
        %gather3A_482 = tpu.vector_load_idx %arg7[%get3A_120, %and3A_480] : memref<1000x64xf32, #tpu.memory_space<vmem>>[vector<16xi32>, vector<16xi32>], vector<16xf32>,
        %mul3A_483 = arith.mulf %gather3A_481, %gather3A_482 : vector<16xf32>
        %add3A_484 = arith.addf %add3A_474, %mul3A_483 : vector<16xf32>
        %add3A_485 = arith.constant 1 : i32
        %add3A_486 = vector.broadcast %add3A_485 : i32 to vector<16xi32>
        %add3A_487 = arith.addi %and3A_480, %add3A_486 : vector<16xi32>
        %and3A_488 = arith.constant 63 : i32
        %and3A_489 = vector.broadcast %and3A_488 : i32 to vector<16xi32>
        %and3A_490 = arith.andi %add3A_487, %and3A_489 : vector<16xi32>
        %gather3A_491 = tpu.vector_load_idx %arg10[%add3A_114, %and3A_490] : memref<128x64xf32, #tpu.memory_space<vmem>>[vector<16xi32>, vector<16xi32>], vector<16xf32>,
        %gather3A_492 = tpu.vector_load_idx %arg7[%get3A_120, %and3A_490] : memref<1000x64xf32, #tpu.memory_space<vmem>>[vector<16xi32>, vector<16xi32>], vector<16xf32>,
        %mul3A_493 = arith.mulf %gather3A_491, %gather3A_492 : vector<16xf32>
        %add3A_494 = arith.addf %add3A_484, %mul3A_493 : vector<16xf32>
        %add3A_495 = arith.constant 1 : i32
        %add3A_496 = vector.broadcast %add3A_495 : i32 to vector<16xi32>
        %add3A_497 = arith.addi %and3A_490, %add3A_496 : vector<16xi32>
        %and3A_498 = arith.constant 63 : i32
        %and3A_499 = vector.broadcast %and3A_498 : i32 to vector<16xi32>
        %and3A_500 = arith.andi %add3A_497, %and3A_499 : vector<16xi32>
        %gather3A_501 = tpu.vector_load_idx %arg10[%add3A_114, %and3A_500] : memref<128x64xf32, #tpu.memory_space<vmem>>[vector<16xi32>, vector<16xi32>], vector<16xf32>,
        %gather3A_502 = tpu.vector_load_idx %arg7[%get3A_120, %and3A_500] : memref<1000x64xf32, #tpu.memory_space<vmem>>[vector<16xi32>, vector<16xi32>], vector<16xf32>,
        %mul3A_503 = arith.mulf %gather3A_501, %gather3A_502 : vector<16xf32>
        %add3A_504 = arith.addf %add3A_494, %mul3A_503 : vector<16xf32>
        %add3A_505 = arith.constant 1 : i32
        %add3A_506 = vector.broadcast %add3A_505 : i32 to vector<16xi32>
        %add3A_507 = arith.addi %and3A_500, %add3A_506 : vector<16xi32>
        %and3A_508 = arith.constant 63 : i32
        %and3A_509 = vector.broadcast %and3A_508 : i32 to vector<16xi32>
        %and3A_510 = arith.andi %add3A_507, %and3A_509 : vector<16xi32>
        %gather3A_511 = tpu.vector_load_idx %arg10[%add3A_114, %and3A_510] : memref<128x64xf32, #tpu.memory_space<vmem>>[vector<16xi32>, vector<16xi32>], vector<16xf32>,
        %gather3A_512 = tpu.vector_load_idx %arg7[%get3A_120, %and3A_510] : memref<1000x64xf32, #tpu.memory_space<vmem>>[vector<16xi32>, vector<16xi32>], vector<16xf32>,
        %mul3A_513 = arith.mulf %gather3A_511, %gather3A_512 : vector<16xf32>
        %add3A_514 = arith.addf %add3A_504, %mul3A_513 : vector<16xf32>
        %add3A_515 = arith.constant 1 : i32
        %add3A_516 = vector.broadcast %add3A_515 : i32 to vector<16xi32>
        %add3A_517 = arith.addi %and3A_510, %add3A_516 : vector<16xi32>
        %and3A_518 = arith.constant 63 : i32
        %and3A_519 = vector.broadcast %and3A_518 : i32 to vector<16xi32>
        %and3A_520 = arith.andi %add3A_517, %and3A_519 : vector<16xi32>
        %gather3A_521 = tpu.vector_load_idx %arg10[%add3A_114, %and3A_520] : memref<128x64xf32, #tpu.memory_space<vmem>>[vector<16xi32>, vector<16xi32>], vector<16xf32>,
        %gather3A_522 = tpu.vector_load_idx %arg7[%get3A_120, %and3A_520] : memref<1000x64xf32, #tpu.memory_space<vmem>>[vector<16xi32>, vector<16xi32>], vector<16xf32>,
        %mul3A_523 = arith.mulf %gather3A_521, %gather3A_522 : vector<16xf32>
        %add3A_524 = arith.addf %add3A_514, %mul3A_523 : vector<16xf32>
        %add3A_525 = arith.constant 1 : i32
        %add3A_526 = vector.broadcast %add3A_525 : i32 to vector<16xi32>
        %add3A_527 = arith.addi %and3A_520, %add3A_526 : vector<16xi32>
        %and3A_528 = arith.constant 63 : i32
        %and3A_529 = vector.broadcast %and3A_528 : i32 to vector<16xi32>
        %and3A_530 = arith.andi %add3A_527, %and3A_529 : vector<16xi32>
        %gather3A_531 = tpu.vector_load_idx %arg10[%add3A_114, %and3A_530] : memref<128x64xf32, #tpu.memory_space<vmem>>[vector<16xi32>, vector<16xi32>], vector<16xf32>,
        %gather3A_532 = tpu.vector_load_idx %arg7[%get3A_120, %and3A_530] : memref<1000x64xf32, #tpu.memory_space<vmem>>[vector<16xi32>, vector<16xi32>], vector<16xf32>,
        %mul3A_533 = arith.mulf %gather3A_531, %gather3A_532 : vector<16xf32>
        %add3A_534 = arith.addf %add3A_524, %mul3A_533 : vector<16xf32>
        %add3A_535 = arith.constant 1 : i32
        %add3A_536 = vector.broadcast %add3A_535 : i32 to vector<16xi32>
        %add3A_537 = arith.addi %and3A_530, %add3A_536 : vector<16xi32>
        %and3A_538 = arith.constant 63 : i32
        %and3A_539 = vector.broadcast %and3A_538 : i32 to vector<16xi32>
        %and3A_540 = arith.andi %add3A_537, %and3A_539 : vector<16xi32>
        %gather3A_541 = tpu.vector_load_idx %arg10[%add3A_114, %and3A_540] : memref<128x64xf32, #tpu.memory_space<vmem>>[vector<16xi32>, vector<16xi32>], vector<16xf32>,
        %gather3A_542 = tpu.vector_load_idx %arg7[%get3A_120, %and3A_540] : memref<1000x64xf32, #tpu.memory_space<vmem>>[vector<16xi32>, vector<16xi32>], vector<16xf32>,
        %mul3A_543 = arith.mulf %gather3A_541, %gather3A_542 : vector<16xf32>
        %add3A_544 = arith.addf %add3A_534, %mul3A_543 : vector<16xf32>
        %add3A_545 = arith.constant 1 : i32
        %add3A_546 = vector.broadcast %add3A_545 : i32 to vector<16xi32>
        %add3A_547 = arith.addi %and3A_540, %add3A_546 : vector<16xi32>
        %and3A_548 = arith.constant 63 : i32
        %and3A_549 = vector.broadcast %and3A_548 : i32 to vector<16xi32>
        %and3A_550 = arith.andi %add3A_547, %and3A_549 : vector<16xi32>
        %gather3A_551 = tpu.vector_load_idx %arg10[%add3A_114, %and3A_550] : memref<128x64xf32, #tpu.memory_space<vmem>>[vector<16xi32>, vector<16xi32>], vector<16xf32>,
        %gather3A_552 = tpu.vector_load_idx %arg7[%get3A_120, %and3A_550] : memref<1000x64xf32, #tpu.memory_space<vmem>>[vector<16xi32>, vector<16xi32>], vector<16xf32>,
        %mul3A_553 = arith.mulf %gather3A_551, %gather3A_552 : vector<16xf32>
        %add3A_554 = arith.addf %add3A_544, %mul3A_553 : vector<16xf32>
        %add3A_555 = arith.constant 1 : i32
        %add3A_556 = vector.broadcast %add3A_555 : i32 to vector<16xi32>
        %add3A_557 = arith.addi %and3A_550, %add3A_556 : vector<16xi32>
        %and3A_558 = arith.constant 63 : i32
        %and3A_559 = vector.broadcast %and3A_558 : i32 to vector<16xi32>
        %and3A_560 = arith.andi %add3A_557, %and3A_559 : vector<16xi32>
        %gather3A_561 = tpu.vector_load_idx %arg10[%add3A_114, %and3A_560] : memref<128x64xf32, #tpu.memory_space<vmem>>[vector<16xi32>, vector<16xi32>], vector<16xf32>,
        %gather3A_562 = tpu.vector_load_idx %arg7[%get3A_120, %and3A_560] : memref<1000x64xf32, #tpu.memory_space<vmem>>[vector<16xi32>, vector<16xi32>], vector<16xf32>,
        %mul3A_563 = arith.mulf %gather3A_561, %gather3A_562 : vector<16xf32>
        %add3A_564 = arith.addf %add3A_554, %mul3A_563 : vector<16xf32>
        %add3A_565 = arith.constant 1 : i32
        %add3A_566 = vector.broadcast %add3A_565 : i32 to vector<16xi32>
        %add3A_567 = arith.addi %and3A_560, %add3A_566 : vector<16xi32>
        %and3A_568 = arith.constant 63 : i32
        %and3A_569 = vector.broadcast %and3A_568 : i32 to vector<16xi32>
        %and3A_570 = arith.andi %add3A_567, %and3A_569 : vector<16xi32>
        %gather3A_571 = tpu.vector_load_idx %arg10[%add3A_114, %and3A_570] : memref<128x64xf32, #tpu.memory_space<vmem>>[vector<16xi32>, vector<16xi32>], vector<16xf32>,
        %gather3A_572 = tpu.vector_load_idx %arg7[%get3A_120, %and3A_570] : memref<1000x64xf32, #tpu.memory_space<vmem>>[vector<16xi32>, vector<16xi32>], vector<16xf32>,
        %mul3A_573 = arith.mulf %gather3A_571, %gather3A_572 : vector<16xf32>
        %add3A_574 = arith.addf %add3A_564, %mul3A_573 : vector<16xf32>
        %add3A_575 = arith.constant 1 : i32
        %add3A_576 = vector.broadcast %add3A_575 : i32 to vector<16xi32>
        %add3A_577 = arith.addi %and3A_570, %add3A_576 : vector<16xi32>
        %and3A_578 = arith.constant 63 : i32
        %and3A_579 = vector.broadcast %and3A_578 : i32 to vector<16xi32>
        %and3A_580 = arith.andi %add3A_577, %and3A_579 : vector<16xi32>
        %gather3A_581 = tpu.vector_load_idx %arg10[%add3A_114, %and3A_580] : memref<128x64xf32, #tpu.memory_space<vmem>>[vector<16xi32>, vector<16xi32>], vector<16xf32>,
        %gather3A_582 = tpu.vector_load_idx %arg7[%get3A_120, %and3A_580] : memref<1000x64xf32, #tpu.memory_space<vmem>>[vector<16xi32>, vector<16xi32>], vector<16xf32>,
        %mul3A_583 = arith.mulf %gather3A_581, %gather3A_582 : vector<16xf32>
        %add3A_584 = arith.addf %add3A_574, %mul3A_583 : vector<16xf32>
        %add3A_585 = arith.constant 1 : i32
        %add3A_586 = vector.broadcast %add3A_585 : i32 to vector<16xi32>
        %add3A_587 = arith.addi %and3A_580, %add3A_586 : vector<16xi32>
        %and3A_588 = arith.constant 63 : i32
        %and3A_589 = vector.broadcast %and3A_588 : i32 to vector<16xi32>
        %and3A_590 = arith.andi %add3A_587, %and3A_589 : vector<16xi32>
        %gather3A_591 = tpu.vector_load_idx %arg10[%add3A_114, %and3A_590] : memref<128x64xf32, #tpu.memory_space<vmem>>[vector<16xi32>, vector<16xi32>], vector<16xf32>,
        %gather3A_592 = tpu.vector_load_idx %arg7[%get3A_120, %and3A_590] : memref<1000x64xf32, #tpu.memory_space<vmem>>[vector<16xi32>, vector<16xi32>], vector<16xf32>,
        %mul3A_593 = arith.mulf %gather3A_591, %gather3A_592 : vector<16xf32>
        %add3A_594 = arith.addf %add3A_584, %mul3A_593 : vector<16xf32>
        %add3A_595 = arith.constant 1 : i32
        %add3A_596 = vector.broadcast %add3A_595 : i32 to vector<16xi32>
        %add3A_597 = arith.addi %and3A_590, %add3A_596 : vector<16xi32>
        %and3A_598 = arith.constant 63 : i32
        %and3A_599 = vector.broadcast %and3A_598 : i32 to vector<16xi32>
        %and3A_600 = arith.andi %add3A_597, %and3A_599 : vector<16xi32>
        %gather3A_601 = tpu.vector_load_idx %arg10[%add3A_114, %and3A_600] : memref<128x64xf32, #tpu.memory_space<vmem>>[vector<16xi32>, vector<16xi32>], vector<16xf32>,
        %gather3A_602 = tpu.vector_load_idx %arg7[%get3A_120, %and3A_600] : memref<1000x64xf32, #tpu.memory_space<vmem>>[vector<16xi32>, vector<16xi32>], vector<16xf32>,
        %mul3A_603 = arith.mulf %gather3A_601, %gather3A_602 : vector<16xf32>
        %add3A_604 = arith.addf %add3A_594, %mul3A_603 : vector<16xf32>
        %add3A_605 = arith.constant 1 : i32
        %add3A_606 = vector.broadcast %add3A_605 : i32 to vector<16xi32>
        %add3A_607 = arith.addi %and3A_600, %add3A_606 : vector<16xi32>
        %and3A_608 = arith.constant 63 : i32
        %and3A_609 = vector.broadcast %and3A_608 : i32 to vector<16xi32>
        %and3A_610 = arith.andi %add3A_607, %and3A_609 : vector<16xi32>
        %gather3A_611 = tpu.vector_load_idx %arg10[%add3A_114, %and3A_610] : memref<128x64xf32, #tpu.memory_space<vmem>>[vector<16xi32>, vector<16xi32>], vector<16xf32>,
        %gather3A_612 = tpu.vector_load_idx %arg7[%get3A_120, %and3A_610] : memref<1000x64xf32, #tpu.memory_space<vmem>>[vector<16xi32>, vector<16xi32>], vector<16xf32>,
        %mul3A_613 = arith.mulf %gather3A_611, %gather3A_612 : vector<16xf32>
        %add3A_614 = arith.addf %add3A_604, %mul3A_613 : vector<16xf32>
        %add3A_615 = arith.constant 1 : i32
        %add3A_616 = vector.broadcast %add3A_615 : i32 to vector<16xi32>
        %add3A_617 = arith.addi %and3A_610, %add3A_616 : vector<16xi32>
        %and3A_618 = arith.constant 63 : i32
        %and3A_619 = vector.broadcast %and3A_618 : i32 to vector<16xi32>
        %and3A_620 = arith.andi %add3A_617, %and3A_619 : vector<16xi32>
        %gather3A_621 = tpu.vector_load_idx %arg10[%add3A_114, %and3A_620] : memref<128x64xf32, #tpu.memory_space<vmem>>[vector<16xi32>, vector<16xi32>], vector<16xf32>,
        %gather3A_622 = tpu.vector_load_idx %arg7[%get3A_120, %and3A_620] : memref<1000x64xf32, #tpu.memory_space<vmem>>[vector<16xi32>, vector<16xi32>], vector<16xf32>,
        %mul3A_623 = arith.mulf %gather3A_621, %gather3A_622 : vector<16xf32>
        %add3A_624 = arith.addf %add3A_614, %mul3A_623 : vector<16xf32>
        %add3A_625 = arith.constant 1 : i32
        %add3A_626 = vector.broadcast %add3A_625 : i32 to vector<16xi32>
        %add3A_627 = arith.addi %and3A_620, %add3A_626 : vector<16xi32>
        %and3A_628 = arith.constant 63 : i32
        %and3A_629 = vector.broadcast %and3A_628 : i32 to vector<16xi32>
        %and3A_630 = arith.andi %add3A_627, %and3A_629 : vector<16xi32>
        %gather3A_631 = tpu.vector_load_idx %arg10[%add3A_114, %and3A_630] : memref<128x64xf32, #tpu.memory_space<vmem>>[vector<16xi32>, vector<16xi32>], vector<16xf32>,
        %gather3A_632 = tpu.vector_load_idx %arg7[%get3A_120, %and3A_630] : memref<1000x64xf32, #tpu.memory_space<vmem>>[vector<16xi32>, vector<16xi32>], vector<16xf32>,
        %mul3A_633 = arith.mulf %gather3A_631, %gather3A_632 : vector<16xf32>
        %add3A_634 = arith.addf %add3A_624, %mul3A_633 : vector<16xf32>
        %add3A_635 = arith.constant 1 : i32
        %add3A_636 = vector.broadcast %add3A_635 : i32 to vector<16xi32>
        %add3A_637 = arith.addi %and3A_630, %add3A_636 : vector<16xi32>
        %and3A_638 = arith.constant 63 : i32
        %and3A_639 = vector.broadcast %and3A_638 : i32 to vector<16xi32>
        %and3A_640 = arith.andi %add3A_637, %and3A_639 : vector<16xi32>
        %gather3A_641 = tpu.vector_load_idx %arg10[%add3A_114, %and3A_640] : memref<128x64xf32, #tpu.memory_space<vmem>>[vector<16xi32>, vector<16xi32>], vector<16xf32>,
        %gather3A_642 = tpu.vector_load_idx %arg7[%get3A_120, %and3A_640] : memref<1000x64xf32, #tpu.memory_space<vmem>>[vector<16xi32>, vector<16xi32>], vector<16xf32>,
        %mul3A_643 = arith.mulf %gather3A_641, %gather3A_642 : vector<16xf32>
        %add3A_644 = arith.addf %add3A_634, %mul3A_643 : vector<16xf32>
        %add3A_645 = arith.constant 1 : i32
        %add3A_646 = vector.broadcast %add3A_645 : i32 to vector<16xi32>
        %add3A_647 = arith.addi %and3A_640, %add3A_646 : vector<16xi32>
        %and3A_648 = arith.constant 63 : i32
        %and3A_649 = vector.broadcast %and3A_648 : i32 to vector<16xi32>
        %and3A_650 = arith.andi %add3A_647, %and3A_649 : vector<16xi32>
        %gather3A_651 = tpu.vector_load_idx %arg10[%add3A_114, %and3A_650] : memref<128x64xf32, #tpu.memory_space<vmem>>[vector<16xi32>, vector<16xi32>], vector<16xf32>,
        %gather3A_652 = tpu.vector_load_idx %arg7[%get3A_120, %and3A_650] : memref<1000x64xf32, #tpu.memory_space<vmem>>[vector<16xi32>, vector<16xi32>], vector<16xf32>,
        %mul3A_653 = arith.mulf %gather3A_651, %gather3A_652 : vector<16xf32>
        %add3A_654 = arith.addf %add3A_644, %mul3A_653 : vector<16xf32>
        %add3A_655 = arith.constant 1 : i32
        %add3A_656 = vector.broadcast %add3A_655 : i32 to vector<16xi32>
        %add3A_657 = arith.addi %and3A_650, %add3A_656 : vector<16xi32>
        %and3A_658 = arith.constant 63 : i32
        %and3A_659 = vector.broadcast %and3A_658 : i32 to vector<16xi32>
        %and3A_660 = arith.andi %add3A_657, %and3A_659 : vector<16xi32>
        %gather3A_661 = tpu.vector_load_idx %arg10[%add3A_114, %and3A_660] : memref<128x64xf32, #tpu.memory_space<vmem>>[vector<16xi32>, vector<16xi32>], vector<16xf32>,
        %gather3A_662 = tpu.vector_load_idx %arg7[%get3A_120, %and3A_660] : memref<1000x64xf32, #tpu.memory_space<vmem>>[vector<16xi32>, vector<16xi32>], vector<16xf32>,
        %mul3A_663 = arith.mulf %gather3A_661, %gather3A_662 : vector<16xf32>
        %add3A_664 = arith.addf %add3A_654, %mul3A_663 : vector<16xf32>
        %add3A_665 = arith.constant 1 : i32
        %add3A_666 = vector.broadcast %add3A_665 : i32 to vector<16xi32>
        %add3A_667 = arith.addi %and3A_660, %add3A_666 : vector<16xi32>
        %and3A_668 = arith.constant 63 : i32
        %and3A_669 = vector.broadcast %and3A_668 : i32 to vector<16xi32>
        %and3A_670 = arith.andi %add3A_667, %and3A_669 : vector<16xi32>
        %gather3A_671 = tpu.vector_load_idx %arg10[%add3A_114, %and3A_670] : memref<128x64xf32, #tpu.memory_space<vmem>>[vector<16xi32>, vector<16xi32>], vector<16xf32>,
        %gather3A_672 = tpu.vector_load_idx %arg7[%get3A_120, %and3A_670] : memref<1000x64xf32, #tpu.memory_space<vmem>>[vector<16xi32>, vector<16xi32>], vector<16xf32>,
        %mul3A_673 = arith.mulf %gather3A_671, %gather3A_672 : vector<16xf32>
        %add3A_674 = arith.addf %add3A_664, %mul3A_673 : vector<16xf32>
        %add3A_675 = arith.constant 1 : i32
        %add3A_676 = vector.broadcast %add3A_675 : i32 to vector<16xi32>
        %add3A_677 = arith.addi %and3A_670, %add3A_676 : vector<16xi32>
        %and3A_678 = arith.constant 63 : i32
        %and3A_679 = vector.broadcast %and3A_678 : i32 to vector<16xi32>
        %and3A_680 = arith.andi %add3A_677, %and3A_679 : vector<16xi32>
        %gather3A_681 = tpu.vector_load_idx %arg10[%add3A_114, %and3A_680] : memref<128x64xf32, #tpu.memory_space<vmem>>[vector<16xi32>, vector<16xi32>], vector<16xf32>,
        %gather3A_682 = tpu.vector_load_idx %arg7[%get3A_120, %and3A_680] : memref<1000x64xf32, #tpu.memory_space<vmem>>[vector<16xi32>, vector<16xi32>], vector<16xf32>,
        %mul3A_683 = arith.mulf %gather3A_681, %gather3A_682 : vector<16xf32>
        %add3A_684 = arith.addf %add3A_674, %mul3A_683 : vector<16xf32>
        %add3A_685 = arith.constant 1 : i32
        %add3A_686 = vector.broadcast %add3A_685 : i32 to vector<16xi32>
        %add3A_687 = arith.addi %and3A_680, %add3A_686 : vector<16xi32>
        %and3A_688 = arith.constant 63 : i32
        %and3A_689 = vector.broadcast %and3A_688 : i32 to vector<16xi32>
        %and3A_690 = arith.andi %add3A_687, %and3A_689 : vector<16xi32>
        %gather3A_691 = tpu.vector_load_idx %arg10[%add3A_114, %and3A_690] : memref<128x64xf32, #tpu.memory_space<vmem>>[vector<16xi32>, vector<16xi32>], vector<16xf32>,
        %gather3A_692 = tpu.vector_load_idx %arg7[%get3A_120, %and3A_690] : memref<1000x64xf32, #tpu.memory_space<vmem>>[vector<16xi32>, vector<16xi32>], vector<16xf32>,
        %mul3A_693 = arith.mulf %gather3A_691, %gather3A_692 : vector<16xf32>
        %add3A_694 = arith.addf %add3A_684, %mul3A_693 : vector<16xf32>
        %add3A_695 = arith.constant 1 : i32
        %add3A_696 = vector.broadcast %add3A_695 : i32 to vector<16xi32>
        %add3A_697 = arith.addi %and3A_690, %add3A_696 : vector<16xi32>
        %and3A_698 = arith.constant 63 : i32
        %and3A_699 = vector.broadcast %and3A_698 : i32 to vector<16xi32>
        %and3A_700 = arith.andi %add3A_697, %and3A_699 : vector<16xi32>
        %gather3A_701 = tpu.vector_load_idx %arg10[%add3A_114, %and3A_700] : memref<128x64xf32, #tpu.memory_space<vmem>>[vector<16xi32>, vector<16xi32>], vector<16xf32>,
        %gather3A_702 = tpu.vector_load_idx %arg7[%get3A_120, %and3A_700] : memref<1000x64xf32, #tpu.memory_space<vmem>>[vector<16xi32>, vector<16xi32>], vector<16xf32>,
        %mul3A_703 = arith.mulf %gather3A_701, %gather3A_702 : vector<16xf32>
        %add3A_704 = arith.addf %add3A_694, %mul3A_703 : vector<16xf32>
        %add3A_705 = arith.constant 1 : i32
        %add3A_706 = vector.broadcast %add3A_705 : i32 to vector<16xi32>
        %add3A_707 = arith.addi %and3A_700, %add3A_706 : vector<16xi32>
        %and3A_708 = arith.constant 63 : i32
        %and3A_709 = vector.broadcast %and3A_708 : i32 to vector<16xi32>
        %and3A_710 = arith.andi %add3A_707, %and3A_709 : vector<16xi32>
        %gather3A_711 = tpu.vector_load_idx %arg10[%add3A_114, %and3A_710] : memref<128x64xf32, #tpu.memory_space<vmem>>[vector<16xi32>, vector<16xi32>], vector<16xf32>,
        %gather3A_712 = tpu.vector_load_idx %arg7[%get3A_120, %and3A_710] : memref<1000x64xf32, #tpu.memory_space<vmem>>[vector<16xi32>, vector<16xi32>], vector<16xf32>,
        %mul3A_713 = arith.mulf %gather3A_711, %gather3A_712 : vector<16xf32>
        %add3A_714 = arith.addf %add3A_704, %mul3A_713 : vector<16xf32>
        %add3A_715 = arith.constant 1 : i32
        %add3A_716 = vector.broadcast %add3A_715 : i32 to vector<16xi32>
        %add3A_717 = arith.addi %and3A_710, %add3A_716 : vector<16xi32>
        %and3A_718 = arith.constant 63 : i32
        %and3A_719 = vector.broadcast %and3A_718 : i32 to vector<16xi32>
        %and3A_720 = arith.andi %add3A_717, %and3A_719 : vector<16xi32>
        %gather3A_721 = tpu.vector_load_idx %arg10[%add3A_114, %and3A_720] : memref<128x64xf32, #tpu.memory_space<vmem>>[vector<16xi32>, vector<16xi32>], vector<16xf32>,
        %gather3A_722 = tpu.vector_load_idx %arg7[%get3A_120, %and3A_720] : memref<1000x64xf32, #tpu.memory_space<vmem>>[vector<16xi32>, vector<16xi32>], vector<16xf32>,
        %mul3A_723 = arith.mulf %gather3A_721, %gather3A_722 : vector<16xf32>
        %add3A_724 = arith.addf %add3A_714, %mul3A_723 : vector<16xf32>
        %add3A_725 = arith.constant 1 : i32
        %add3A_726 = vector.broadcast %add3A_725 : i32 to vector<16xi32>
        %add3A_727 = arith.addi %and3A_720, %add3A_726 : vector<16xi32>
        %and3A_728 = arith.constant 63 : i32
        %and3A_729 = vector.broadcast %and3A_728 : i32 to vector<16xi32>
        %and3A_730 = arith.andi %add3A_727, %and3A_729 : vector<16xi32>
        %gather3A_731 = tpu.vector_load_idx %arg10[%add3A_114, %and3A_730] : memref<128x64xf32, #tpu.memory_space<vmem>>[vector<16xi32>, vector<16xi32>], vector<16xf32>,
        %gather3A_732 = tpu.vector_load_idx %arg7[%get3A_120, %and3A_730] : memref<1000x64xf32, #tpu.memory_space<vmem>>[vector<16xi32>, vector<16xi32>], vector<16xf32>,
        %mul3A_733 = arith.mulf %gather3A_731, %gather3A_732 : vector<16xf32>
        %add3A_734 = arith.addf %add3A_724, %mul3A_733 : vector<16xf32>
        %add3A_735 = arith.constant 1 : i32
        %add3A_736 = vector.broadcast %add3A_735 : i32 to vector<16xi32>
        %add3A_737 = arith.addi %and3A_730, %add3A_736 : vector<16xi32>
        %and3A_738 = arith.constant 63 : i32
        %and3A_739 = vector.broadcast %and3A_738 : i32 to vector<16xi32>
        %and3A_740 = arith.andi %add3A_737, %and3A_739 : vector<16xi32>
        %gather3A_741 = tpu.vector_load_idx %arg10[%add3A_114, %and3A_740] : memref<128x64xf32, #tpu.memory_space<vmem>>[vector<16xi32>, vector<16xi32>], vector<16xf32>,
        %gather3A_742 = tpu.vector_load_idx %arg7[%get3A_120, %and3A_740] : memref<1000x64xf32, #tpu.memory_space<vmem>>[vector<16xi32>, vector<16xi32>], vector<16xf32>,
        %mul3A_743 = arith.mulf %gather3A_741, %gather3A_742 : vector<16xf32>
        %add3A_744 = arith.addf %add3A_734, %mul3A_743 : vector<16xf32>
        %add3A_745 = arith.constant 1 : i32
        %add3A_746 = vector.broadcast %add3A_745 : i32 to vector<16xi32>
        %add3A_747 = arith.addi %and3A_740, %add3A_746 : vector<16xi32>
        %and3A_748 = arith.constant 63 : i32
        %and3A_749 = vector.broadcast %and3A_748 : i32 to vector<16xi32>
        %and3A_750 = arith.andi %add3A_747, %and3A_749 : vector<16xi32>
        %gather3A_751 = tpu.vector_load_idx %arg10[%add3A_114, %and3A_750] : memref<128x64xf32, #tpu.memory_space<vmem>>[vector<16xi32>, vector<16xi32>], vector<16xf32>,
        %gather3A_752 = tpu.vector_load_idx %arg7[%get3A_120, %and3A_750] : memref<1000x64xf32, #tpu.memory_space<vmem>>[vector<16xi32>, vector<16xi32>], vector<16xf32>,
        %mul3A_753 = arith.mulf %gather3A_751, %gather3A_752 : vector<16xf32>
        %add3A_754 = arith.addf %add3A_744, %mul3A_753 : vector<16xf32>
        %add3A_755 = arith.constant 1 : i32
        %add3A_756 = vector.broadcast %add3A_755 : i32 to vector<16xi32>
        %add3A_757 = arith.addi %and3A_750, %add3A_756 : vector<16xi32>
        %and3A_758 = arith.constant 63 : i32
        %and3A_759 = vector.broadcast %and3A_758 : i32 to vector<16xi32>
        %and3A_760 = arith.andi %add3A_757, %and3A_759 : vector<16xi32>
        %mul3A_761 = arith.constant 128 : i32
        %mul3A_762 = arith.muli %add3A_40, %mul3A_761 : i32
        %mul3A_763 = arith.constant 16 : i32
        %mul3A_764 = arith.muli %scan3A_109, %mul3A_763 : i32
        %add3A_765 = arith.addi %mul3A_762, %mul3A_764 : i32
        %swap3A = arith.index_cast %add3A_765 : i32 to index
        %swap3A_766 = tpu.vector_load %arg12[%swap3A] {strides = array<i32>} : memref<6400xf32, #tpu.memory_space<vmem>>, vector<16xf32>,
        tpu.vector_store %arg12[%swap3A], %add3A_754 {strides = array<i32>} : memref<6400xf32, #tpu.memory_space<vmem>>, vector<16xf32>,
      }
      %scan3A_68 = arith.constant 8 : i32
      %mul3A_69 = arith.constant 2 : i32
      %mul3A_70 = arith.muli %mul3A_69, %scan3A_36 : i32
      %add3A_71 = arith.constant 1 : i32
      %add3A_72 = arith.addi %mul3A_70, %add3A_71 : i32
      %add3A_73 = arith.constant 1 : i32
      %add3A_74 = arith.addi %add3A_72, %add3A_73 : i32
      %jit3A_75 = arith.constant 50 : i32
      %eq3A_76 = arith.constant 0 : i32
      %eq3A_77 = arith.cmpi eq, %jit3A_75, %eq3A_76 : i32
      %jit3A_78 = arith.constant 1 : i32
      %select_n3A_79 = arith.select %eq3A_77, %jit3A_78, %jit3A_75 : i32
      %rem3A_80 = arith.remsi %add3A_74, %select_n3A_79 : i32
      %ne3A_81 = arith.constant 0 : i32
      %ne3A_82 = arith.cmpi ne, %rem3A_80, %ne3A_81 : i32
      %lt3A_83 = arith.constant 0 : i32
      %lt3A_84 = arith.cmpi slt, %rem3A_80, %lt3A_83 : i32
      %lt3A_85 = arith.constant 0 : i32
      %lt3A_86 = arith.cmpi slt, %select_n3A_79, %lt3A_85 : i32
      %ne3A_87 = arith.xori %lt3A_84, %lt3A_86 : i1
      %and3A_88 = arith.andi %ne3A_87, %ne3A_82 : i1
      %add3A_89 = arith.addi %rem3A_80, %select_n3A_79 : i32
      %select_n3A_90 = arith.select %and3A_88, %add3A_89, %rem3A_80 : i32
      %dma_start3A_91 = arith.constant 0 : i32
      %dma_start3A_92 = tpu.memref_slice %arg8[%select_n3A_90, %dma_start3A_91] : memref<50x128xi32, #tpu.memory_space<vmem>> -> memref<1x128xi32, #tpu.memory_space<vmem>>
      %dma_start3A_93 = tpu.memref_squeeze %dma_start3A_92 : memref<1x128xi32, #tpu.memory_space<vmem>> -> memref<128xi32, #tpu.memory_space<vmem>>
      %dma_start3A_94 = arith.constant 0 : i32
      %dma_start3A_95 = arith.constant 0 : i32
      %dma_start3A_96 = tpu.memref_slice %arg4[%dma_start3A_94, %dma_start3A_95] : memref<1000000x64xf32, #tpu.memory_space<hbm>> -> memref<1000000x64xf32, #tpu.memory_space<hbm>>
      tpu.enqueue_indirect_dma source(%dma_start3A_96 : memref<1000000x64xf32, #tpu.memory_space<hbm>>) target(%arg10 : memref<128x64xf32, #tpu.memory_space<vmem>>) offsets(%dma_start3A_93 : memref<128xi32, #tpu.memory_space<vmem>>) semaphore(%arg13 : memref<!tpu.dma_semaphore, #tpu.memory_space<semaphore_mem>>)
      %dma_wait3A_97 = arith.constant 0 : i32
      %dma_wait3A_98 = tpu.memref_slice %arg8[%add3A_72, %dma_wait3A_97] : memref<50x128xi32, #tpu.memory_space<vmem>> -> memref<1x128xi32, #tpu.memory_space<vmem>>
      %dma_wait3A_99 = tpu.memref_squeeze %dma_wait3A_98 : memref<1x128xi32, #tpu.memory_space<vmem>> -> memref<128xi32, #tpu.memory_space<vmem>>
      %dma_wait3A_100 = arith.constant 0 : i32
      %dma_wait3A_101 = arith.constant 0 : i32
      %dma_wait3A_102 = tpu.memref_slice %arg4[%dma_wait3A_100, %dma_wait3A_101] : memref<1000000x64xf32, #tpu.memory_space<hbm>> -> memref<1000000x64xf32, #tpu.memory_space<hbm>>
      tpu.wait_indirect_dma semaphore(%arg14 : memref<!tpu.dma_semaphore, #tpu.memory_space<semaphore_mem>>) src(%dma_wait3A_102 : memref<1000000x64xf32, #tpu.memory_space<hbm>>) dst(%arg11 : memref<128x64xf32, #tpu.memory_space<vmem>>)
      %iota3A_103 = tpu.iota {dimensions = array<i32: 0>} : vector<16xi32>
      %scan3A_104 = arith.constant 0 : i32
      %scan3A_105 = arith.constant 8 : i32
      %scan3A_106 = arith.addi %scan3A_104, %scan3A_105 : i32
      %scan3A_107 = arith.constant 1 : i32
      scf.for %scan3A_109 = %scan3A_104 to %scan3A_106 step %scan3A_107  : i32 {
        %mul3A_110 = arith.constant 16 : i32
        %mul3A_111 = arith.muli %scan3A_109, %mul3A_110 : i32
        %iota3A_112 = tpu.iota {dimensions = array<i32: 0>} : vector<16xi32>
        %add3A_113 = vector.broadcast %mul3A_111 : i32 to vector<16xi32>
        %add3A_114 = arith.addi %add3A_113, %iota3A_112 : vector<16xi32>
        %mul3A_115 = arith.constant 128 : i32
        %mul3A_116 = arith.muli %add3A_72, %mul3A_115 : i32
        %mul3A_117 = arith.constant 16 : i32
        %mul3A_118 = arith.muli %scan3A_109, %mul3A_117 : i32
        %add3A_119 = arith.addi %mul3A_116, %mul3A_118 : i32
        %get3A = arith.index_cast %add3A_119 : i32 to index
        %get3A_120 = tpu.vector_load %arg9[%get3A] {strides = array<i32>} : memref<6400xi32, #tpu.memory_space<vmem>>, vector<16xi32>,
        %broadcast_in_dim3A = arith.constant 0.000000e+00 : f32
        %broadcast_in_dim3A_121 = vector.broadcast %broadcast_in_dim3A : f32 to vector<16xf32>
        %gather3A = tpu.vector_load_idx %arg11[%add3A_114, %iota3A_103] : memref<128x64xf32, #tpu.memory_space<vmem>>[vector<16xi32>, vector<16xi32>], vector<16xf32>,
        %gather3A_122 = tpu.vector_load_idx %arg7[%get3A_120, %iota3A_103] : memref<1000x64xf32, #tpu.memory_space<vmem>>[vector<16xi32>, vector<16xi32>], vector<16xf32>,
        %mul3A_123 = arith.mulf %gather3A, %gather3A_122 : vector<16xf32>
        %add3A_124 = arith.addf %broadcast_in_dim3A_121, %mul3A_123 : vector<16xf32>
        %add3A_125 = arith.constant 1 : i32
        %add3A_126 = vector.broadcast %add3A_125 : i32 to vector<16xi32>
        %add3A_127 = arith.addi %iota3A_103, %add3A_126 : vector<16xi32>
        %and3A_128 = arith.constant 63 : i32
        %and3A_129 = vector.broadcast %and3A_128 : i32 to vector<16xi32>
        %and3A_130 = arith.andi %add3A_127, %and3A_129 : vector<16xi32>
        %gather3A_131 = tpu.vector_load_idx %arg11[%add3A_114, %and3A_130] : memref<128x64xf32, #tpu.memory_space<vmem>>[vector<16xi32>, vector<16xi32>], vector<16xf32>,
        %gather3A_132 = tpu.vector_load_idx %arg7[%get3A_120, %and3A_130] : memref<1000x64xf32, #tpu.memory_space<vmem>>[vector<16xi32>, vector<16xi32>], vector<16xf32>,
        %mul3A_133 = arith.mulf %gather3A_131, %gather3A_132 : vector<16xf32>
        %add3A_134 = arith.addf %add3A_124, %mul3A_133 : vector<16xf32>
        %add3A_135 = arith.constant 1 : i32
        %add3A_136 = vector.broadcast %add3A_135 : i32 to vector<16xi32>
        %add3A_137 = arith.addi %and3A_130, %add3A_136 : vector<16xi32>
        %and3A_138 = arith.constant 63 : i32
        %and3A_139 = vector.broadcast %and3A_138 : i32 to vector<16xi32>
        %and3A_140 = arith.andi %add3A_137, %and3A_139 : vector<16xi32>
        %gather3A_141 = tpu.vector_load_idx %arg11[%add3A_114, %and3A_140] : memref<128x64xf32, #tpu.memory_space<vmem>>[vector<16xi32>, vector<16xi32>], vector<16xf32>,
        %gather3A_142 = tpu.vector_load_idx %arg7[%get3A_120, %and3A_140] : memref<1000x64xf32, #tpu.memory_space<vmem>>[vector<16xi32>, vector<16xi32>], vector<16xf32>,
        %mul3A_143 = arith.mulf %gather3A_141, %gather3A_142 : vector<16xf32>
        %add3A_144 = arith.addf %add3A_134, %mul3A_143 : vector<16xf32>
        %add3A_145 = arith.constant 1 : i32
        %add3A_146 = vector.broadcast %add3A_145 : i32 to vector<16xi32>
        %add3A_147 = arith.addi %and3A_140, %add3A_146 : vector<16xi32>
        %and3A_148 = arith.constant 63 : i32
        %and3A_149 = vector.broadcast %and3A_148 : i32 to vector<16xi32>
        %and3A_150 = arith.andi %add3A_147, %and3A_149 : vector<16xi32>
        %gather3A_151 = tpu.vector_load_idx %arg11[%add3A_114, %and3A_150] : memref<128x64xf32, #tpu.memory_space<vmem>>[vector<16xi32>, vector<16xi32>], vector<16xf32>,
        %gather3A_152 = tpu.vector_load_idx %arg7[%get3A_120, %and3A_150] : memref<1000x64xf32, #tpu.memory_space<vmem>>[vector<16xi32>, vector<16xi32>], vector<16xf32>,
        %mul3A_153 = arith.mulf %gather3A_151, %gather3A_152 : vector<16xf32>
        %add3A_154 = arith.addf %add3A_144, %mul3A_153 : vector<16xf32>
        %add3A_155 = arith.constant 1 : i32
        %add3A_156 = vector.broadcast %add3A_155 : i32 to vector<16xi32>
        %add3A_157 = arith.addi %and3A_150, %add3A_156 : vector<16xi32>
        %and3A_158 = arith.constant 63 : i32
        %and3A_159 = vector.broadcast %and3A_158 : i32 to vector<16xi32>
        %and3A_160 = arith.andi %add3A_157, %and3A_159 : vector<16xi32>
        %gather3A_161 = tpu.vector_load_idx %arg11[%add3A_114, %and3A_160] : memref<128x64xf32, #tpu.memory_space<vmem>>[vector<16xi32>, vector<16xi32>], vector<16xf32>,
        %gather3A_162 = tpu.vector_load_idx %arg7[%get3A_120, %and3A_160] : memref<1000x64xf32, #tpu.memory_space<vmem>>[vector<16xi32>, vector<16xi32>], vector<16xf32>,
        %mul3A_163 = arith.mulf %gather3A_161, %gather3A_162 : vector<16xf32>
        %add3A_164 = arith.addf %add3A_154, %mul3A_163 : vector<16xf32>
        %add3A_165 = arith.constant 1 : i32
        %add3A_166 = vector.broadcast %add3A_165 : i32 to vector<16xi32>
        %add3A_167 = arith.addi %and3A_160, %add3A_166 : vector<16xi32>
        %and3A_168 = arith.constant 63 : i32
        %and3A_169 = vector.broadcast %and3A_168 : i32 to vector<16xi32>
        %and3A_170 = arith.andi %add3A_167, %and3A_169 : vector<16xi32>
        %gather3A_171 = tpu.vector_load_idx %arg11[%add3A_114, %and3A_170] : memref<128x64xf32, #tpu.memory_space<vmem>>[vector<16xi32>, vector<16xi32>], vector<16xf32>,
        %gather3A_172 = tpu.vector_load_idx %arg7[%get3A_120, %and3A_170] : memref<1000x64xf32, #tpu.memory_space<vmem>>[vector<16xi32>, vector<16xi32>], vector<16xf32>,
        %mul3A_173 = arith.mulf %gather3A_171, %gather3A_172 : vector<16xf32>
        %add3A_174 = arith.addf %add3A_164, %mul3A_173 : vector<16xf32>
        %add3A_175 = arith.constant 1 : i32
        %add3A_176 = vector.broadcast %add3A_175 : i32 to vector<16xi32>
        %add3A_177 = arith.addi %and3A_170, %add3A_176 : vector<16xi32>
        %and3A_178 = arith.constant 63 : i32
        %and3A_179 = vector.broadcast %and3A_178 : i32 to vector<16xi32>
        %and3A_180 = arith.andi %add3A_177, %and3A_179 : vector<16xi32>
        %gather3A_181 = tpu.vector_load_idx %arg11[%add3A_114, %and3A_180] : memref<128x64xf32, #tpu.memory_space<vmem>>[vector<16xi32>, vector<16xi32>], vector<16xf32>,
        %gather3A_182 = tpu.vector_load_idx %arg7[%get3A_120, %and3A_180] : memref<1000x64xf32, #tpu.memory_space<vmem>>[vector<16xi32>, vector<16xi32>], vector<16xf32>,
        %mul3A_183 = arith.mulf %gather3A_181, %gather3A_182 : vector<16xf32>
        %add3A_184 = arith.addf %add3A_174, %mul3A_183 : vector<16xf32>
        %add3A_185 = arith.constant 1 : i32
        %add3A_186 = vector.broadcast %add3A_185 : i32 to vector<16xi32>
        %add3A_187 = arith.addi %and3A_180, %add3A_186 : vector<16xi32>
        %and3A_188 = arith.constant 63 : i32
        %and3A_189 = vector.broadcast %and3A_188 : i32 to vector<16xi32>
        %and3A_190 = arith.andi %add3A_187, %and3A_189 : vector<16xi32>
        %gather3A_191 = tpu.vector_load_idx %arg11[%add3A_114, %and3A_190] : memref<128x64xf32, #tpu.memory_space<vmem>>[vector<16xi32>, vector<16xi32>], vector<16xf32>,
        %gather3A_192 = tpu.vector_load_idx %arg7[%get3A_120, %and3A_190] : memref<1000x64xf32, #tpu.memory_space<vmem>>[vector<16xi32>, vector<16xi32>], vector<16xf32>,
        %mul3A_193 = arith.mulf %gather3A_191, %gather3A_192 : vector<16xf32>
        %add3A_194 = arith.addf %add3A_184, %mul3A_193 : vector<16xf32>
        %add3A_195 = arith.constant 1 : i32
        %add3A_196 = vector.broadcast %add3A_195 : i32 to vector<16xi32>
        %add3A_197 = arith.addi %and3A_190, %add3A_196 : vector<16xi32>
        %and3A_198 = arith.constant 63 : i32
        %and3A_199 = vector.broadcast %and3A_198 : i32 to vector<16xi32>
        %and3A_200 = arith.andi %add3A_197, %and3A_199 : vector<16xi32>
        %gather3A_201 = tpu.vector_load_idx %arg11[%add3A_114, %and3A_200] : memref<128x64xf32, #tpu.memory_space<vmem>>[vector<16xi32>, vector<16xi32>], vector<16xf32>,
        %gather3A_202 = tpu.vector_load_idx %arg7[%get3A_120, %and3A_200] : memref<1000x64xf32, #tpu.memory_space<vmem>>[vector<16xi32>, vector<16xi32>], vector<16xf32>,
        %mul3A_203 = arith.mulf %gather3A_201, %gather3A_202 : vector<16xf32>
        %add3A_204 = arith.addf %add3A_194, %mul3A_203 : vector<16xf32>
        %add3A_205 = arith.constant 1 : i32
        %add3A_206 = vector.broadcast %add3A_205 : i32 to vector<16xi32>
        %add3A_207 = arith.addi %and3A_200, %add3A_206 : vector<16xi32>
        %and3A_208 = arith.constant 63 : i32
        %and3A_209 = vector.broadcast %and3A_208 : i32 to vector<16xi32>
        %and3A_210 = arith.andi %add3A_207, %and3A_209 : vector<16xi32>
        %gather3A_211 = tpu.vector_load_idx %arg11[%add3A_114, %and3A_210] : memref<128x64xf32, #tpu.memory_space<vmem>>[vector<16xi32>, vector<16xi32>], vector<16xf32>,
        %gather3A_212 = tpu.vector_load_idx %arg7[%get3A_120, %and3A_210] : memref<1000x64xf32, #tpu.memory_space<vmem>>[vector<16xi32>, vector<16xi32>], vector<16xf32>,
        %mul3A_213 = arith.mulf %gather3A_211, %gather3A_212 : vector<16xf32>
        %add3A_214 = arith.addf %add3A_204, %mul3A_213 : vector<16xf32>
        %add3A_215 = arith.constant 1 : i32
        %add3A_216 = vector.broadcast %add3A_215 : i32 to vector<16xi32>
        %add3A_217 = arith.addi %and3A_210, %add3A_216 : vector<16xi32>
        %and3A_218 = arith.constant 63 : i32
        %and3A_219 = vector.broadcast %and3A_218 : i32 to vector<16xi32>
        %and3A_220 = arith.andi %add3A_217, %and3A_219 : vector<16xi32>
        %gather3A_221 = tpu.vector_load_idx %arg11[%add3A_114, %and3A_220] : memref<128x64xf32, #tpu.memory_space<vmem>>[vector<16xi32>, vector<16xi32>], vector<16xf32>,
        %gather3A_222 = tpu.vector_load_idx %arg7[%get3A_120, %and3A_220] : memref<1000x64xf32, #tpu.memory_space<vmem>>[vector<16xi32>, vector<16xi32>], vector<16xf32>,
        %mul3A_223 = arith.mulf %gather3A_221, %gather3A_222 : vector<16xf32>
        %add3A_224 = arith.addf %add3A_214, %mul3A_223 : vector<16xf32>
        %add3A_225 = arith.constant 1 : i32
        %add3A_226 = vector.broadcast %add3A_225 : i32 to vector<16xi32>
        %add3A_227 = arith.addi %and3A_220, %add3A_226 : vector<16xi32>
        %and3A_228 = arith.constant 63 : i32
        %and3A_229 = vector.broadcast %and3A_228 : i32 to vector<16xi32>
        %and3A_230 = arith.andi %add3A_227, %and3A_229 : vector<16xi32>
        %gather3A_231 = tpu.vector_load_idx %arg11[%add3A_114, %and3A_230] : memref<128x64xf32, #tpu.memory_space<vmem>>[vector<16xi32>, vector<16xi32>], vector<16xf32>,
        %gather3A_232 = tpu.vector_load_idx %arg7[%get3A_120, %and3A_230] : memref<1000x64xf32, #tpu.memory_space<vmem>>[vector<16xi32>, vector<16xi32>], vector<16xf32>,
        %mul3A_233 = arith.mulf %gather3A_231, %gather3A_232 : vector<16xf32>
        %add3A_234 = arith.addf %add3A_224, %mul3A_233 : vector<16xf32>
        %add3A_235 = arith.constant 1 : i32
        %add3A_236 = vector.broadcast %add3A_235 : i32 to vector<16xi32>
        %add3A_237 = arith.addi %and3A_230, %add3A_236 : vector<16xi32>
        %and3A_238 = arith.constant 63 : i32
        %and3A_239 = vector.broadcast %and3A_238 : i32 to vector<16xi32>
        %and3A_240 = arith.andi %add3A_237, %and3A_239 : vector<16xi32>
        %gather3A_241 = tpu.vector_load_idx %arg11[%add3A_114, %and3A_240] : memref<128x64xf32, #tpu.memory_space<vmem>>[vector<16xi32>, vector<16xi32>], vector<16xf32>,
        %gather3A_242 = tpu.vector_load_idx %arg7[%get3A_120, %and3A_240] : memref<1000x64xf32, #tpu.memory_space<vmem>>[vector<16xi32>, vector<16xi32>], vector<16xf32>,
        %mul3A_243 = arith.mulf %gather3A_241, %gather3A_242 : vector<16xf32>
        %add3A_244 = arith.addf %add3A_234, %mul3A_243 : vector<16xf32>
        %add3A_245 = arith.constant 1 : i32
        %add3A_246 = vector.broadcast %add3A_245 : i32 to vector<16xi32>
        %add3A_247 = arith.addi %and3A_240, %add3A_246 : vector<16xi32>
        %and3A_248 = arith.constant 63 : i32
        %and3A_249 = vector.broadcast %and3A_248 : i32 to vector<16xi32>
        %and3A_250 = arith.andi %add3A_247, %and3A_249 : vector<16xi32>
        %gather3A_251 = tpu.vector_load_idx %arg11[%add3A_114, %and3A_250] : memref<128x64xf32, #tpu.memory_space<vmem>>[vector<16xi32>, vector<16xi32>], vector<16xf32>,
        %gather3A_252 = tpu.vector_load_idx %arg7[%get3A_120, %and3A_250] : memref<1000x64xf32, #tpu.memory_space<vmem>>[vector<16xi32>, vector<16xi32>], vector<16xf32>,
        %mul3A_253 = arith.mulf %gather3A_251, %gather3A_252 : vector<16xf32>
        %add3A_254 = arith.addf %add3A_244, %mul3A_253 : vector<16xf32>
        %add3A_255 = arith.constant 1 : i32
        %add3A_256 = vector.broadcast %add3A_255 : i32 to vector<16xi32>
        %add3A_257 = arith.addi %and3A_250, %add3A_256 : vector<16xi32>
        %and3A_258 = arith.constant 63 : i32
        %and3A_259 = vector.broadcast %and3A_258 : i32 to vector<16xi32>
        %and3A_260 = arith.andi %add3A_257, %and3A_259 : vector<16xi32>
        %gather3A_261 = tpu.vector_load_idx %arg11[%add3A_114, %and3A_260] : memref<128x64xf32, #tpu.memory_space<vmem>>[vector<16xi32>, vector<16xi32>], vector<16xf32>,
        %gather3A_262 = tpu.vector_load_idx %arg7[%get3A_120, %and3A_260] : memref<1000x64xf32, #tpu.memory_space<vmem>>[vector<16xi32>, vector<16xi32>], vector<16xf32>,
        %mul3A_263 = arith.mulf %gather3A_261, %gather3A_262 : vector<16xf32>
        %add3A_264 = arith.addf %add3A_254, %mul3A_263 : vector<16xf32>
        %add3A_265 = arith.constant 1 : i32
        %add3A_266 = vector.broadcast %add3A_265 : i32 to vector<16xi32>
        %add3A_267 = arith.addi %and3A_260, %add3A_266 : vector<16xi32>
        %and3A_268 = arith.constant 63 : i32
        %and3A_269 = vector.broadcast %and3A_268 : i32 to vector<16xi32>
        %and3A_270 = arith.andi %add3A_267, %and3A_269 : vector<16xi32>
        %gather3A_271 = tpu.vector_load_idx %arg11[%add3A_114, %and3A_270] : memref<128x64xf32, #tpu.memory_space<vmem>>[vector<16xi32>, vector<16xi32>], vector<16xf32>,
        %gather3A_272 = tpu.vector_load_idx %arg7[%get3A_120, %and3A_270] : memref<1000x64xf32, #tpu.memory_space<vmem>>[vector<16xi32>, vector<16xi32>], vector<16xf32>,
        %mul3A_273 = arith.mulf %gather3A_271, %gather3A_272 : vector<16xf32>
        %add3A_274 = arith.addf %add3A_264, %mul3A_273 : vector<16xf32>
        %add3A_275 = arith.constant 1 : i32
        %add3A_276 = vector.broadcast %add3A_275 : i32 to vector<16xi32>
        %add3A_277 = arith.addi %and3A_270, %add3A_276 : vector<16xi32>
        %and3A_278 = arith.constant 63 : i32
        %and3A_279 = vector.broadcast %and3A_278 : i32 to vector<16xi32>
        %and3A_280 = arith.andi %add3A_277, %and3A_279 : vector<16xi32>
        %gather3A_281 = tpu.vector_load_idx %arg11[%add3A_114, %and3A_280] : memref<128x64xf32, #tpu.memory_space<vmem>>[vector<16xi32>, vector<16xi32>], vector<16xf32>,
        %gather3A_282 = tpu.vector_load_idx %arg7[%get3A_120, %and3A_280] : memref<1000x64xf32, #tpu.memory_space<vmem>>[vector<16xi32>, vector<16xi32>], vector<16xf32>,
        %mul3A_283 = arith.mulf %gather3A_281, %gather3A_282 : vector<16xf32>
        %add3A_284 = arith.addf %add3A_274, %mul3A_283 : vector<16xf32>
        %add3A_285 = arith.constant 1 : i32
        %add3A_286 = vector.broadcast %add3A_285 : i32 to vector<16xi32>
        %add3A_287 = arith.addi %and3A_280, %add3A_286 : vector<16xi32>
        %and3A_288 = arith.constant 63 : i32
        %and3A_289 = vector.broadcast %and3A_288 : i32 to vector<16xi32>
        %and3A_290 = arith.andi %add3A_287, %and3A_289 : vector<16xi32>
        %gather3A_291 = tpu.vector_load_idx %arg11[%add3A_114, %and3A_290] : memref<128x64xf32, #tpu.memory_space<vmem>>[vector<16xi32>, vector<16xi32>], vector<16xf32>,
        %gather3A_292 = tpu.vector_load_idx %arg7[%get3A_120, %and3A_290] : memref<1000x64xf32, #tpu.memory_space<vmem>>[vector<16xi32>, vector<16xi32>], vector<16xf32>,
        %mul3A_293 = arith.mulf %gather3A_291, %gather3A_292 : vector<16xf32>
        %add3A_294 = arith.addf %add3A_284, %mul3A_293 : vector<16xf32>
        %add3A_295 = arith.constant 1 : i32
        %add3A_296 = vector.broadcast %add3A_295 : i32 to vector<16xi32>
        %add3A_297 = arith.addi %and3A_290, %add3A_296 : vector<16xi32>
        %and3A_298 = arith.constant 63 : i32
        %and3A_299 = vector.broadcast %and3A_298 : i32 to vector<16xi32>
        %and3A_300 = arith.andi %add3A_297, %and3A_299 : vector<16xi32>
        %gather3A_301 = tpu.vector_load_idx %arg11[%add3A_114, %and3A_300] : memref<128x64xf32, #tpu.memory_space<vmem>>[vector<16xi32>, vector<16xi32>], vector<16xf32>,
        %gather3A_302 = tpu.vector_load_idx %arg7[%get3A_120, %and3A_300] : memref<1000x64xf32, #tpu.memory_space<vmem>>[vector<16xi32>, vector<16xi32>], vector<16xf32>,
        %mul3A_303 = arith.mulf %gather3A_301, %gather3A_302 : vector<16xf32>
        %add3A_304 = arith.addf %add3A_294, %mul3A_303 : vector<16xf32>
        %add3A_305 = arith.constant 1 : i32
        %add3A_306 = vector.broadcast %add3A_305 : i32 to vector<16xi32>
        %add3A_307 = arith.addi %and3A_300, %add3A_306 : vector<16xi32>
        %and3A_308 = arith.constant 63 : i32
        %and3A_309 = vector.broadcast %and3A_308 : i32 to vector<16xi32>
        %and3A_310 = arith.andi %add3A_307, %and3A_309 : vector<16xi32>
        %gather3A_311 = tpu.vector_load_idx %arg11[%add3A_114, %and3A_310] : memref<128x64xf32, #tpu.memory_space<vmem>>[vector<16xi32>, vector<16xi32>], vector<16xf32>,
        %gather3A_312 = tpu.vector_load_idx %arg7[%get3A_120, %and3A_310] : memref<1000x64xf32, #tpu.memory_space<vmem>>[vector<16xi32>, vector<16xi32>], vector<16xf32>,
        %mul3A_313 = arith.mulf %gather3A_311, %gather3A_312 : vector<16xf32>
        %add3A_314 = arith.addf %add3A_304, %mul3A_313 : vector<16xf32>
        %add3A_315 = arith.constant 1 : i32
        %add3A_316 = vector.broadcast %add3A_315 : i32 to vector<16xi32>
        %add3A_317 = arith.addi %and3A_310, %add3A_316 : vector<16xi32>
        %and3A_318 = arith.constant 63 : i32
        %and3A_319 = vector.broadcast %and3A_318 : i32 to vector<16xi32>
        %and3A_320 = arith.andi %add3A_317, %and3A_319 : vector<16xi32>
        %gather3A_321 = tpu.vector_load_idx %arg11[%add3A_114, %and3A_320] : memref<128x64xf32, #tpu.memory_space<vmem>>[vector<16xi32>, vector<16xi32>], vector<16xf32>,
        %gather3A_322 = tpu.vector_load_idx %arg7[%get3A_120, %and3A_320] : memref<1000x64xf32, #tpu.memory_space<vmem>>[vector<16xi32>, vector<16xi32>], vector<16xf32>,
        %mul3A_323 = arith.mulf %gather3A_321, %gather3A_322 : vector<16xf32>
        %add3A_324 = arith.addf %add3A_314, %mul3A_323 : vector<16xf32>
        %add3A_325 = arith.constant 1 : i32
        %add3A_326 = vector.broadcast %add3A_325 : i32 to vector<16xi32>
        %add3A_327 = arith.addi %and3A_320, %add3A_326 : vector<16xi32>
        %and3A_328 = arith.constant 63 : i32
        %and3A_329 = vector.broadcast %and3A_328 : i32 to vector<16xi32>
        %and3A_330 = arith.andi %add3A_327, %and3A_329 : vector<16xi32>
        %gather3A_331 = tpu.vector_load_idx %arg11[%add3A_114, %and3A_330] : memref<128x64xf32, #tpu.memory_space<vmem>>[vector<16xi32>, vector<16xi32>], vector<16xf32>,
        %gather3A_332 = tpu.vector_load_idx %arg7[%get3A_120, %and3A_330] : memref<1000x64xf32, #tpu.memory_space<vmem>>[vector<16xi32>, vector<16xi32>], vector<16xf32>,
        %mul3A_333 = arith.mulf %gather3A_331, %gather3A_332 : vector<16xf32>
        %add3A_334 = arith.addf %add3A_324, %mul3A_333 : vector<16xf32>
        %add3A_335 = arith.constant 1 : i32
        %add3A_336 = vector.broadcast %add3A_335 : i32 to vector<16xi32>
        %add3A_337 = arith.addi %and3A_330, %add3A_336 : vector<16xi32>
        %and3A_338 = arith.constant 63 : i32
        %and3A_339 = vector.broadcast %and3A_338 : i32 to vector<16xi32>
        %and3A_340 = arith.andi %add3A_337, %and3A_339 : vector<16xi32>
        %gather3A_341 = tpu.vector_load_idx %arg11[%add3A_114, %and3A_340] : memref<128x64xf32, #tpu.memory_space<vmem>>[vector<16xi32>, vector<16xi32>], vector<16xf32>,
        %gather3A_342 = tpu.vector_load_idx %arg7[%get3A_120, %and3A_340] : memref<1000x64xf32, #tpu.memory_space<vmem>>[vector<16xi32>, vector<16xi32>], vector<16xf32>,
        %mul3A_343 = arith.mulf %gather3A_341, %gather3A_342 : vector<16xf32>
        %add3A_344 = arith.addf %add3A_334, %mul3A_343 : vector<16xf32>
        %add3A_345 = arith.constant 1 : i32
        %add3A_346 = vector.broadcast %add3A_345 : i32 to vector<16xi32>
        %add3A_347 = arith.addi %and3A_340, %add3A_346 : vector<16xi32>
        %and3A_348 = arith.constant 63 : i32
        %and3A_349 = vector.broadcast %and3A_348 : i32 to vector<16xi32>
        %and3A_350 = arith.andi %add3A_347, %and3A_349 : vector<16xi32>
        %gather3A_351 = tpu.vector_load_idx %arg11[%add3A_114, %and3A_350] : memref<128x64xf32, #tpu.memory_space<vmem>>[vector<16xi32>, vector<16xi32>], vector<16xf32>,
        %gather3A_352 = tpu.vector_load_idx %arg7[%get3A_120, %and3A_350] : memref<1000x64xf32, #tpu.memory_space<vmem>>[vector<16xi32>, vector<16xi32>], vector<16xf32>,
        %mul3A_353 = arith.mulf %gather3A_351, %gather3A_352 : vector<16xf32>
        %add3A_354 = arith.addf %add3A_344, %mul3A_353 : vector<16xf32>
        %add3A_355 = arith.constant 1 : i32
        %add3A_356 = vector.broadcast %add3A_355 : i32 to vector<16xi32>
        %add3A_357 = arith.addi %and3A_350, %add3A_356 : vector<16xi32>
        %and3A_358 = arith.constant 63 : i32
        %and3A_359 = vector.broadcast %and3A_358 : i32 to vector<16xi32>
        %and3A_360 = arith.andi %add3A_357, %and3A_359 : vector<16xi32>
        %gather3A_361 = tpu.vector_load_idx %arg11[%add3A_114, %and3A_360] : memref<128x64xf32, #tpu.memory_space<vmem>>[vector<16xi32>, vector<16xi32>], vector<16xf32>,
        %gather3A_362 = tpu.vector_load_idx %arg7[%get3A_120, %and3A_360] : memref<1000x64xf32, #tpu.memory_space<vmem>>[vector<16xi32>, vector<16xi32>], vector<16xf32>,
        %mul3A_363 = arith.mulf %gather3A_361, %gather3A_362 : vector<16xf32>
        %add3A_364 = arith.addf %add3A_354, %mul3A_363 : vector<16xf32>
        %add3A_365 = arith.constant 1 : i32
        %add3A_366 = vector.broadcast %add3A_365 : i32 to vector<16xi32>
        %add3A_367 = arith.addi %and3A_360, %add3A_366 : vector<16xi32>
        %and3A_368 = arith.constant 63 : i32
        %and3A_369 = vector.broadcast %and3A_368 : i32 to vector<16xi32>
        %and3A_370 = arith.andi %add3A_367, %and3A_369 : vector<16xi32>
        %gather3A_371 = tpu.vector_load_idx %arg11[%add3A_114, %and3A_370] : memref<128x64xf32, #tpu.memory_space<vmem>>[vector<16xi32>, vector<16xi32>], vector<16xf32>,
        %gather3A_372 = tpu.vector_load_idx %arg7[%get3A_120, %and3A_370] : memref<1000x64xf32, #tpu.memory_space<vmem>>[vector<16xi32>, vector<16xi32>], vector<16xf32>,
        %mul3A_373 = arith.mulf %gather3A_371, %gather3A_372 : vector<16xf32>
        %add3A_374 = arith.addf %add3A_364, %mul3A_373 : vector<16xf32>
        %add3A_375 = arith.constant 1 : i32
        %add3A_376 = vector.broadcast %add3A_375 : i32 to vector<16xi32>
        %add3A_377 = arith.addi %and3A_370, %add3A_376 : vector<16xi32>
        %and3A_378 = arith.constant 63 : i32
        %and3A_379 = vector.broadcast %and3A_378 : i32 to vector<16xi32>
        %and3A_380 = arith.andi %add3A_377, %and3A_379 : vector<16xi32>
        %gather3A_381 = tpu.vector_load_idx %arg11[%add3A_114, %and3A_380] : memref<128x64xf32, #tpu.memory_space<vmem>>[vector<16xi32>, vector<16xi32>], vector<16xf32>,
        %gather3A_382 = tpu.vector_load_idx %arg7[%get3A_120, %and3A_380] : memref<1000x64xf32, #tpu.memory_space<vmem>>[vector<16xi32>, vector<16xi32>], vector<16xf32>,
        %mul3A_383 = arith.mulf %gather3A_381, %gather3A_382 : vector<16xf32>
        %add3A_384 = arith.addf %add3A_374, %mul3A_383 : vector<16xf32>
        %add3A_385 = arith.constant 1 : i32
        %add3A_386 = vector.broadcast %add3A_385 : i32 to vector<16xi32>
        %add3A_387 = arith.addi %and3A_380, %add3A_386 : vector<16xi32>
        %and3A_388 = arith.constant 63 : i32
        %and3A_389 = vector.broadcast %and3A_388 : i32 to vector<16xi32>
        %and3A_390 = arith.andi %add3A_387, %and3A_389 : vector<16xi32>
        %gather3A_391 = tpu.vector_load_idx %arg11[%add3A_114, %and3A_390] : memref<128x64xf32, #tpu.memory_space<vmem>>[vector<16xi32>, vector<16xi32>], vector<16xf32>,
        %gather3A_392 = tpu.vector_load_idx %arg7[%get3A_120, %and3A_390] : memref<1000x64xf32, #tpu.memory_space<vmem>>[vector<16xi32>, vector<16xi32>], vector<16xf32>,
        %mul3A_393 = arith.mulf %gather3A_391, %gather3A_392 : vector<16xf32>
        %add3A_394 = arith.addf %add3A_384, %mul3A_393 : vector<16xf32>
        %add3A_395 = arith.constant 1 : i32
        %add3A_396 = vector.broadcast %add3A_395 : i32 to vector<16xi32>
        %add3A_397 = arith.addi %and3A_390, %add3A_396 : vector<16xi32>
        %and3A_398 = arith.constant 63 : i32
        %and3A_399 = vector.broadcast %and3A_398 : i32 to vector<16xi32>
        %and3A_400 = arith.andi %add3A_397, %and3A_399 : vector<16xi32>
        %gather3A_401 = tpu.vector_load_idx %arg11[%add3A_114, %and3A_400] : memref<128x64xf32, #tpu.memory_space<vmem>>[vector<16xi32>, vector<16xi32>], vector<16xf32>,
        %gather3A_402 = tpu.vector_load_idx %arg7[%get3A_120, %and3A_400] : memref<1000x64xf32, #tpu.memory_space<vmem>>[vector<16xi32>, vector<16xi32>], vector<16xf32>,
        %mul3A_403 = arith.mulf %gather3A_401, %gather3A_402 : vector<16xf32>
        %add3A_404 = arith.addf %add3A_394, %mul3A_403 : vector<16xf32>
        %add3A_405 = arith.constant 1 : i32
        %add3A_406 = vector.broadcast %add3A_405 : i32 to vector<16xi32>
        %add3A_407 = arith.addi %and3A_400, %add3A_406 : vector<16xi32>
        %and3A_408 = arith.constant 63 : i32
        %and3A_409 = vector.broadcast %and3A_408 : i32 to vector<16xi32>
        %and3A_410 = arith.andi %add3A_407, %and3A_409 : vector<16xi32>
        %gather3A_411 = tpu.vector_load_idx %arg11[%add3A_114, %and3A_410] : memref<128x64xf32, #tpu.memory_space<vmem>>[vector<16xi32>, vector<16xi32>], vector<16xf32>,
        %gather3A_412 = tpu.vector_load_idx %arg7[%get3A_120, %and3A_410] : memref<1000x64xf32, #tpu.memory_space<vmem>>[vector<16xi32>, vector<16xi32>], vector<16xf32>,
        %mul3A_413 = arith.mulf %gather3A_411, %gather3A_412 : vector<16xf32>
        %add3A_414 = arith.addf %add3A_404, %mul3A_413 : vector<16xf32>
        %add3A_415 = arith.constant 1 : i32
        %add3A_416 = vector.broadcast %add3A_415 : i32 to vector<16xi32>
        %add3A_417 = arith.addi %and3A_410, %add3A_416 : vector<16xi32>
        %and3A_418 = arith.constant 63 : i32
        %and3A_419 = vector.broadcast %and3A_418 : i32 to vector<16xi32>
        %and3A_420 = arith.andi %add3A_417, %and3A_419 : vector<16xi32>
        %gather3A_421 = tpu.vector_load_idx %arg11[%add3A_114, %and3A_420] : memref<128x64xf32, #tpu.memory_space<vmem>>[vector<16xi32>, vector<16xi32>], vector<16xf32>,
        %gather3A_422 = tpu.vector_load_idx %arg7[%get3A_120, %and3A_420] : memref<1000x64xf32, #tpu.memory_space<vmem>>[vector<16xi32>, vector<16xi32>], vector<16xf32>,
        %mul3A_423 = arith.mulf %gather3A_421, %gather3A_422 : vector<16xf32>
        %add3A_424 = arith.addf %add3A_414, %mul3A_423 : vector<16xf32>
        %add3A_425 = arith.constant 1 : i32
        %add3A_426 = vector.broadcast %add3A_425 : i32 to vector<16xi32>
        %add3A_427 = arith.addi %and3A_420, %add3A_426 : vector<16xi32>
        %and3A_428 = arith.constant 63 : i32
        %and3A_429 = vector.broadcast %and3A_428 : i32 to vector<16xi32>
        %and3A_430 = arith.andi %add3A_427, %and3A_429 : vector<16xi32>
        %gather3A_431 = tpu.vector_load_idx %arg11[%add3A_114, %and3A_430] : memref<128x64xf32, #tpu.memory_space<vmem>>[vector<16xi32>, vector<16xi32>], vector<16xf32>,
        %gather3A_432 = tpu.vector_load_idx %arg7[%get3A_120, %and3A_430] : memref<1000x64xf32, #tpu.memory_space<vmem>>[vector<16xi32>, vector<16xi32>], vector<16xf32>,
        %mul3A_433 = arith.mulf %gather3A_431, %gather3A_432 : vector<16xf32>
        %add3A_434 = arith.addf %add3A_424, %mul3A_433 : vector<16xf32>
        %add3A_435 = arith.constant 1 : i32
        %add3A_436 = vector.broadcast %add3A_435 : i32 to vector<16xi32>
        %add3A_437 = arith.addi %and3A_430, %add3A_436 : vector<16xi32>
        %and3A_438 = arith.constant 63 : i32
        %and3A_439 = vector.broadcast %and3A_438 : i32 to vector<16xi32>
        %and3A_440 = arith.andi %add3A_437, %and3A_439 : vector<16xi32>
        %gather3A_441 = tpu.vector_load_idx %arg11[%add3A_114, %and3A_440] : memref<128x64xf32, #tpu.memory_space<vmem>>[vector<16xi32>, vector<16xi32>], vector<16xf32>,
        %gather3A_442 = tpu.vector_load_idx %arg7[%get3A_120, %and3A_440] : memref<1000x64xf32, #tpu.memory_space<vmem>>[vector<16xi32>, vector<16xi32>], vector<16xf32>,
        %mul3A_443 = arith.mulf %gather3A_441, %gather3A_442 : vector<16xf32>
        %add3A_444 = arith.addf %add3A_434, %mul3A_443 : vector<16xf32>
        %add3A_445 = arith.constant 1 : i32
        %add3A_446 = vector.broadcast %add3A_445 : i32 to vector<16xi32>
        %add3A_447 = arith.addi %and3A_440, %add3A_446 : vector<16xi32>
        %and3A_448 = arith.constant 63 : i32
        %and3A_449 = vector.broadcast %and3A_448 : i32 to vector<16xi32>
        %and3A_450 = arith.andi %add3A_447, %and3A_449 : vector<16xi32>
        %gather3A_451 = tpu.vector_load_idx %arg11[%add3A_114, %and3A_450] : memref<128x64xf32, #tpu.memory_space<vmem>>[vector<16xi32>, vector<16xi32>], vector<16xf32>,
        %gather3A_452 = tpu.vector_load_idx %arg7[%get3A_120, %and3A_450] : memref<1000x64xf32, #tpu.memory_space<vmem>>[vector<16xi32>, vector<16xi32>], vector<16xf32>,
        %mul3A_453 = arith.mulf %gather3A_451, %gather3A_452 : vector<16xf32>
        %add3A_454 = arith.addf %add3A_444, %mul3A_453 : vector<16xf32>
        %add3A_455 = arith.constant 1 : i32
        %add3A_456 = vector.broadcast %add3A_455 : i32 to vector<16xi32>
        %add3A_457 = arith.addi %and3A_450, %add3A_456 : vector<16xi32>
        %and3A_458 = arith.constant 63 : i32
        %and3A_459 = vector.broadcast %and3A_458 : i32 to vector<16xi32>
        %and3A_460 = arith.andi %add3A_457, %and3A_459 : vector<16xi32>
        %gather3A_461 = tpu.vector_load_idx %arg11[%add3A_114, %and3A_460] : memref<128x64xf32, #tpu.memory_space<vmem>>[vector<16xi32>, vector<16xi32>], vector<16xf32>,
        %gather3A_462 = tpu.vector_load_idx %arg7[%get3A_120, %and3A_460] : memref<1000x64xf32, #tpu.memory_space<vmem>>[vector<16xi32>, vector<16xi32>], vector<16xf32>,
        %mul3A_463 = arith.mulf %gather3A_461, %gather3A_462 : vector<16xf32>
        %add3A_464 = arith.addf %add3A_454, %mul3A_463 : vector<16xf32>
        %add3A_465 = arith.constant 1 : i32
        %add3A_466 = vector.broadcast %add3A_465 : i32 to vector<16xi32>
        %add3A_467 = arith.addi %and3A_460, %add3A_466 : vector<16xi32>
        %and3A_468 = arith.constant 63 : i32
        %and3A_469 = vector.broadcast %and3A_468 : i32 to vector<16xi32>
        %and3A_470 = arith.andi %add3A_467, %and3A_469 : vector<16xi32>
        %gather3A_471 = tpu.vector_load_idx %arg11[%add3A_114, %and3A_470] : memref<128x64xf32, #tpu.memory_space<vmem>>[vector<16xi32>, vector<16xi32>], vector<16xf32>,
        %gather3A_472 = tpu.vector_load_idx %arg7[%get3A_120, %and3A_470] : memref<1000x64xf32, #tpu.memory_space<vmem>>[vector<16xi32>, vector<16xi32>], vector<16xf32>,
        %mul3A_473 = arith.mulf %gather3A_471, %gather3A_472 : vector<16xf32>
        %add3A_474 = arith.addf %add3A_464, %mul3A_473 : vector<16xf32>
        %add3A_475 = arith.constant 1 : i32
        %add3A_476 = vector.broadcast %add3A_475 : i32 to vector<16xi32>
        %add3A_477 = arith.addi %and3A_470, %add3A_476 : vector<16xi32>
        %and3A_478 = arith.constant 63 : i32
        %and3A_479 = vector.broadcast %and3A_478 : i32 to vector<16xi32>
        %and3A_480 = arith.andi %add3A_477, %and3A_479 : vector<16xi32>
        %gather3A_481 = tpu.vector_load_idx %arg11[%add3A_114, %and3A_480] : memref<128x64xf32, #tpu.memory_space<vmem>>[vector<16xi32>, vector<16xi32>], vector<16xf32>,
        %gather3A_482 = tpu.vector_load_idx %arg7[%get3A_120, %and3A_480] : memref<1000x64xf32, #tpu.memory_space<vmem>>[vector<16xi32>, vector<16xi32>], vector<16xf32>,
        %mul3A_483 = arith.mulf %gather3A_481, %gather3A_482 : vector<16xf32>
        %add3A_484 = arith.addf %add3A_474, %mul3A_483 : vector<16xf32>
        %add3A_485 = arith.constant 1 : i32
        %add3A_486 = vector.broadcast %add3A_485 : i32 to vector<16xi32>
        %add3A_487 = arith.addi %and3A_480, %add3A_486 : vector<16xi32>
        %and3A_488 = arith.constant 63 : i32
        %and3A_489 = vector.broadcast %and3A_488 : i32 to vector<16xi32>
        %and3A_490 = arith.andi %add3A_487, %and3A_489 : vector<16xi32>
        %gather3A_491 = tpu.vector_load_idx %arg11[%add3A_114, %and3A_490] : memref<128x64xf32, #tpu.memory_space<vmem>>[vector<16xi32>, vector<16xi32>], vector<16xf32>,
        %gather3A_492 = tpu.vector_load_idx %arg7[%get3A_120, %and3A_490] : memref<1000x64xf32, #tpu.memory_space<vmem>>[vector<16xi32>, vector<16xi32>], vector<16xf32>,
        %mul3A_493 = arith.mulf %gather3A_491, %gather3A_492 : vector<16xf32>
        %add3A_494 = arith.addf %add3A_484, %mul3A_493 : vector<16xf32>
        %add3A_495 = arith.constant 1 : i32
        %add3A_496 = vector.broadcast %add3A_495 : i32 to vector<16xi32>
        %add3A_497 = arith.addi %and3A_490, %add3A_496 : vector<16xi32>
        %and3A_498 = arith.constant 63 : i32
        %and3A_499 = vector.broadcast %and3A_498 : i32 to vector<16xi32>
        %and3A_500 = arith.andi %add3A_497, %and3A_499 : vector<16xi32>
        %gather3A_501 = tpu.vector_load_idx %arg11[%add3A_114, %and3A_500] : memref<128x64xf32, #tpu.memory_space<vmem>>[vector<16xi32>, vector<16xi32>], vector<16xf32>,
        %gather3A_502 = tpu.vector_load_idx %arg7[%get3A_120, %and3A_500] : memref<1000x64xf32, #tpu.memory_space<vmem>>[vector<16xi32>, vector<16xi32>], vector<16xf32>,
        %mul3A_503 = arith.mulf %gather3A_501, %gather3A_502 : vector<16xf32>
        %add3A_504 = arith.addf %add3A_494, %mul3A_503 : vector<16xf32>
        %add3A_505 = arith.constant 1 : i32
        %add3A_506 = vector.broadcast %add3A_505 : i32 to vector<16xi32>
        %add3A_507 = arith.addi %and3A_500, %add3A_506 : vector<16xi32>
        %and3A_508 = arith.constant 63 : i32
        %and3A_509 = vector.broadcast %and3A_508 : i32 to vector<16xi32>
        %and3A_510 = arith.andi %add3A_507, %and3A_509 : vector<16xi32>
        %gather3A_511 = tpu.vector_load_idx %arg11[%add3A_114, %and3A_510] : memref<128x64xf32, #tpu.memory_space<vmem>>[vector<16xi32>, vector<16xi32>], vector<16xf32>,
        %gather3A_512 = tpu.vector_load_idx %arg7[%get3A_120, %and3A_510] : memref<1000x64xf32, #tpu.memory_space<vmem>>[vector<16xi32>, vector<16xi32>], vector<16xf32>,
        %mul3A_513 = arith.mulf %gather3A_511, %gather3A_512 : vector<16xf32>
        %add3A_514 = arith.addf %add3A_504, %mul3A_513 : vector<16xf32>
        %add3A_515 = arith.constant 1 : i32
        %add3A_516 = vector.broadcast %add3A_515 : i32 to vector<16xi32>
        %add3A_517 = arith.addi %and3A_510, %add3A_516 : vector<16xi32>
        %and3A_518 = arith.constant 63 : i32
        %and3A_519 = vector.broadcast %and3A_518 : i32 to vector<16xi32>
        %and3A_520 = arith.andi %add3A_517, %and3A_519 : vector<16xi32>
        %gather3A_521 = tpu.vector_load_idx %arg11[%add3A_114, %and3A_520] : memref<128x64xf32, #tpu.memory_space<vmem>>[vector<16xi32>, vector<16xi32>], vector<16xf32>,
        %gather3A_522 = tpu.vector_load_idx %arg7[%get3A_120, %and3A_520] : memref<1000x64xf32, #tpu.memory_space<vmem>>[vector<16xi32>, vector<16xi32>], vector<16xf32>,
        %mul3A_523 = arith.mulf %gather3A_521, %gather3A_522 : vector<16xf32>
        %add3A_524 = arith.addf %add3A_514, %mul3A_523 : vector<16xf32>
        %add3A_525 = arith.constant 1 : i32
        %add3A_526 = vector.broadcast %add3A_525 : i32 to vector<16xi32>
        %add3A_527 = arith.addi %and3A_520, %add3A_526 : vector<16xi32>
        %and3A_528 = arith.constant 63 : i32
        %and3A_529 = vector.broadcast %and3A_528 : i32 to vector<16xi32>
        %and3A_530 = arith.andi %add3A_527, %and3A_529 : vector<16xi32>
        %gather3A_531 = tpu.vector_load_idx %arg11[%add3A_114, %and3A_530] : memref<128x64xf32, #tpu.memory_space<vmem>>[vector<16xi32>, vector<16xi32>], vector<16xf32>,
        %gather3A_532 = tpu.vector_load_idx %arg7[%get3A_120, %and3A_530] : memref<1000x64xf32, #tpu.memory_space<vmem>>[vector<16xi32>, vector<16xi32>], vector<16xf32>,
        %mul3A_533 = arith.mulf %gather3A_531, %gather3A_532 : vector<16xf32>
        %add3A_534 = arith.addf %add3A_524, %mul3A_533 : vector<16xf32>
        %add3A_535 = arith.constant 1 : i32
        %add3A_536 = vector.broadcast %add3A_535 : i32 to vector<16xi32>
        %add3A_537 = arith.addi %and3A_530, %add3A_536 : vector<16xi32>
        %and3A_538 = arith.constant 63 : i32
        %and3A_539 = vector.broadcast %and3A_538 : i32 to vector<16xi32>
        %and3A_540 = arith.andi %add3A_537, %and3A_539 : vector<16xi32>
        %gather3A_541 = tpu.vector_load_idx %arg11[%add3A_114, %and3A_540] : memref<128x64xf32, #tpu.memory_space<vmem>>[vector<16xi32>, vector<16xi32>], vector<16xf32>,
        %gather3A_542 = tpu.vector_load_idx %arg7[%get3A_120, %and3A_540] : memref<1000x64xf32, #tpu.memory_space<vmem>>[vector<16xi32>, vector<16xi32>], vector<16xf32>,
        %mul3A_543 = arith.mulf %gather3A_541, %gather3A_542 : vector<16xf32>
        %add3A_544 = arith.addf %add3A_534, %mul3A_543 : vector<16xf32>
        %add3A_545 = arith.constant 1 : i32
        %add3A_546 = vector.broadcast %add3A_545 : i32 to vector<16xi32>
        %add3A_547 = arith.addi %and3A_540, %add3A_546 : vector<16xi32>
        %and3A_548 = arith.constant 63 : i32
        %and3A_549 = vector.broadcast %and3A_548 : i32 to vector<16xi32>
        %and3A_550 = arith.andi %add3A_547, %and3A_549 : vector<16xi32>
        %gather3A_551 = tpu.vector_load_idx %arg11[%add3A_114, %and3A_550] : memref<128x64xf32, #tpu.memory_space<vmem>>[vector<16xi32>, vector<16xi32>], vector<16xf32>,
        %gather3A_552 = tpu.vector_load_idx %arg7[%get3A_120, %and3A_550] : memref<1000x64xf32, #tpu.memory_space<vmem>>[vector<16xi32>, vector<16xi32>], vector<16xf32>,
        %mul3A_553 = arith.mulf %gather3A_551, %gather3A_552 : vector<16xf32>
        %add3A_554 = arith.addf %add3A_544, %mul3A_553 : vector<16xf32>
        %add3A_555 = arith.constant 1 : i32
        %add3A_556 = vector.broadcast %add3A_555 : i32 to vector<16xi32>
        %add3A_557 = arith.addi %and3A_550, %add3A_556 : vector<16xi32>
        %and3A_558 = arith.constant 63 : i32
        %and3A_559 = vector.broadcast %and3A_558 : i32 to vector<16xi32>
        %and3A_560 = arith.andi %add3A_557, %and3A_559 : vector<16xi32>
        %gather3A_561 = tpu.vector_load_idx %arg11[%add3A_114, %and3A_560] : memref<128x64xf32, #tpu.memory_space<vmem>>[vector<16xi32>, vector<16xi32>], vector<16xf32>,
        %gather3A_562 = tpu.vector_load_idx %arg7[%get3A_120, %and3A_560] : memref<1000x64xf32, #tpu.memory_space<vmem>>[vector<16xi32>, vector<16xi32>], vector<16xf32>,
        %mul3A_563 = arith.mulf %gather3A_561, %gather3A_562 : vector<16xf32>
        %add3A_564 = arith.addf %add3A_554, %mul3A_563 : vector<16xf32>
        %add3A_565 = arith.constant 1 : i32
        %add3A_566 = vector.broadcast %add3A_565 : i32 to vector<16xi32>
        %add3A_567 = arith.addi %and3A_560, %add3A_566 : vector<16xi32>
        %and3A_568 = arith.constant 63 : i32
        %and3A_569 = vector.broadcast %and3A_568 : i32 to vector<16xi32>
        %and3A_570 = arith.andi %add3A_567, %and3A_569 : vector<16xi32>
        %gather3A_571 = tpu.vector_load_idx %arg11[%add3A_114, %and3A_570] : memref<128x64xf32, #tpu.memory_space<vmem>>[vector<16xi32>, vector<16xi32>], vector<16xf32>,
        %gather3A_572 = tpu.vector_load_idx %arg7[%get3A_120, %and3A_570] : memref<1000x64xf32, #tpu.memory_space<vmem>>[vector<16xi32>, vector<16xi32>], vector<16xf32>,
        %mul3A_573 = arith.mulf %gather3A_571, %gather3A_572 : vector<16xf32>
        %add3A_574 = arith.addf %add3A_564, %mul3A_573 : vector<16xf32>
        %add3A_575 = arith.constant 1 : i32
        %add3A_576 = vector.broadcast %add3A_575 : i32 to vector<16xi32>
        %add3A_577 = arith.addi %and3A_570, %add3A_576 : vector<16xi32>
        %and3A_578 = arith.constant 63 : i32
        %and3A_579 = vector.broadcast %and3A_578 : i32 to vector<16xi32>
        %and3A_580 = arith.andi %add3A_577, %and3A_579 : vector<16xi32>
        %gather3A_581 = tpu.vector_load_idx %arg11[%add3A_114, %and3A_580] : memref<128x64xf32, #tpu.memory_space<vmem>>[vector<16xi32>, vector<16xi32>], vector<16xf32>,
        %gather3A_582 = tpu.vector_load_idx %arg7[%get3A_120, %and3A_580] : memref<1000x64xf32, #tpu.memory_space<vmem>>[vector<16xi32>, vector<16xi32>], vector<16xf32>,
        %mul3A_583 = arith.mulf %gather3A_581, %gather3A_582 : vector<16xf32>
        %add3A_584 = arith.addf %add3A_574, %mul3A_583 : vector<16xf32>
        %add3A_585 = arith.constant 1 : i32
        %add3A_586 = vector.broadcast %add3A_585 : i32 to vector<16xi32>
        %add3A_587 = arith.addi %and3A_580, %add3A_586 : vector<16xi32>
        %and3A_588 = arith.constant 63 : i32
        %and3A_589 = vector.broadcast %and3A_588 : i32 to vector<16xi32>
        %and3A_590 = arith.andi %add3A_587, %and3A_589 : vector<16xi32>
        %gather3A_591 = tpu.vector_load_idx %arg11[%add3A_114, %and3A_590] : memref<128x64xf32, #tpu.memory_space<vmem>>[vector<16xi32>, vector<16xi32>], vector<16xf32>,
        %gather3A_592 = tpu.vector_load_idx %arg7[%get3A_120, %and3A_590] : memref<1000x64xf32, #tpu.memory_space<vmem>>[vector<16xi32>, vector<16xi32>], vector<16xf32>,
        %mul3A_593 = arith.mulf %gather3A_591, %gather3A_592 : vector<16xf32>
        %add3A_594 = arith.addf %add3A_584, %mul3A_593 : vector<16xf32>
        %add3A_595 = arith.constant 1 : i32
        %add3A_596 = vector.broadcast %add3A_595 : i32 to vector<16xi32>
        %add3A_597 = arith.addi %and3A_590, %add3A_596 : vector<16xi32>
        %and3A_598 = arith.constant 63 : i32
        %and3A_599 = vector.broadcast %and3A_598 : i32 to vector<16xi32>
        %and3A_600 = arith.andi %add3A_597, %and3A_599 : vector<16xi32>
        %gather3A_601 = tpu.vector_load_idx %arg11[%add3A_114, %and3A_600] : memref<128x64xf32, #tpu.memory_space<vmem>>[vector<16xi32>, vector<16xi32>], vector<16xf32>,
        %gather3A_602 = tpu.vector_load_idx %arg7[%get3A_120, %and3A_600] : memref<1000x64xf32, #tpu.memory_space<vmem>>[vector<16xi32>, vector<16xi32>], vector<16xf32>,
        %mul3A_603 = arith.mulf %gather3A_601, %gather3A_602 : vector<16xf32>
        %add3A_604 = arith.addf %add3A_594, %mul3A_603 : vector<16xf32>
        %add3A_605 = arith.constant 1 : i32
        %add3A_606 = vector.broadcast %add3A_605 : i32 to vector<16xi32>
        %add3A_607 = arith.addi %and3A_600, %add3A_606 : vector<16xi32>
        %and3A_608 = arith.constant 63 : i32
        %and3A_609 = vector.broadcast %and3A_608 : i32 to vector<16xi32>
        %and3A_610 = arith.andi %add3A_607, %and3A_609 : vector<16xi32>
        %gather3A_611 = tpu.vector_load_idx %arg11[%add3A_114, %and3A_610] : memref<128x64xf32, #tpu.memory_space<vmem>>[vector<16xi32>, vector<16xi32>], vector<16xf32>,
        %gather3A_612 = tpu.vector_load_idx %arg7[%get3A_120, %and3A_610] : memref<1000x64xf32, #tpu.memory_space<vmem>>[vector<16xi32>, vector<16xi32>], vector<16xf32>,
        %mul3A_613 = arith.mulf %gather3A_611, %gather3A_612 : vector<16xf32>
        %add3A_614 = arith.addf %add3A_604, %mul3A_613 : vector<16xf32>
        %add3A_615 = arith.constant 1 : i32
        %add3A_616 = vector.broadcast %add3A_615 : i32 to vector<16xi32>
        %add3A_617 = arith.addi %and3A_610, %add3A_616 : vector<16xi32>
        %and3A_618 = arith.constant 63 : i32
        %and3A_619 = vector.broadcast %and3A_618 : i32 to vector<16xi32>
        %and3A_620 = arith.andi %add3A_617, %and3A_619 : vector<16xi32>
        %gather3A_621 = tpu.vector_load_idx %arg11[%add3A_114, %and3A_620] : memref<128x64xf32, #tpu.memory_space<vmem>>[vector<16xi32>, vector<16xi32>], vector<16xf32>,
        %gather3A_622 = tpu.vector_load_idx %arg7[%get3A_120, %and3A_620] : memref<1000x64xf32, #tpu.memory_space<vmem>>[vector<16xi32>, vector<16xi32>], vector<16xf32>,
        %mul3A_623 = arith.mulf %gather3A_621, %gather3A_622 : vector<16xf32>
        %add3A_624 = arith.addf %add3A_614, %mul3A_623 : vector<16xf32>
        %add3A_625 = arith.constant 1 : i32
        %add3A_626 = vector.broadcast %add3A_625 : i32 to vector<16xi32>
        %add3A_627 = arith.addi %and3A_620, %add3A_626 : vector<16xi32>
        %and3A_628 = arith.constant 63 : i32
        %and3A_629 = vector.broadcast %and3A_628 : i32 to vector<16xi32>
        %and3A_630 = arith.andi %add3A_627, %and3A_629 : vector<16xi32>
        %gather3A_631 = tpu.vector_load_idx %arg11[%add3A_114, %and3A_630] : memref<128x64xf32, #tpu.memory_space<vmem>>[vector<16xi32>, vector<16xi32>], vector<16xf32>,
        %gather3A_632 = tpu.vector_load_idx %arg7[%get3A_120, %and3A_630] : memref<1000x64xf32, #tpu.memory_space<vmem>>[vector<16xi32>, vector<16xi32>], vector<16xf32>,
        %mul3A_633 = arith.mulf %gather3A_631, %gather3A_632 : vector<16xf32>
        %add3A_634 = arith.addf %add3A_624, %mul3A_633 : vector<16xf32>
        %add3A_635 = arith.constant 1 : i32
        %add3A_636 = vector.broadcast %add3A_635 : i32 to vector<16xi32>
        %add3A_637 = arith.addi %and3A_630, %add3A_636 : vector<16xi32>
        %and3A_638 = arith.constant 63 : i32
        %and3A_639 = vector.broadcast %and3A_638 : i32 to vector<16xi32>
        %and3A_640 = arith.andi %add3A_637, %and3A_639 : vector<16xi32>
        %gather3A_641 = tpu.vector_load_idx %arg11[%add3A_114, %and3A_640] : memref<128x64xf32, #tpu.memory_space<vmem>>[vector<16xi32>, vector<16xi32>], vector<16xf32>,
        %gather3A_642 = tpu.vector_load_idx %arg7[%get3A_120, %and3A_640] : memref<1000x64xf32, #tpu.memory_space<vmem>>[vector<16xi32>, vector<16xi32>], vector<16xf32>,
        %mul3A_643 = arith.mulf %gather3A_641, %gather3A_642 : vector<16xf32>
        %add3A_644 = arith.addf %add3A_634, %mul3A_643 : vector<16xf32>
        %add3A_645 = arith.constant 1 : i32
        %add3A_646 = vector.broadcast %add3A_645 : i32 to vector<16xi32>
        %add3A_647 = arith.addi %and3A_640, %add3A_646 : vector<16xi32>
        %and3A_648 = arith.constant 63 : i32
        %and3A_649 = vector.broadcast %and3A_648 : i32 to vector<16xi32>
        %and3A_650 = arith.andi %add3A_647, %and3A_649 : vector<16xi32>
        %gather3A_651 = tpu.vector_load_idx %arg11[%add3A_114, %and3A_650] : memref<128x64xf32, #tpu.memory_space<vmem>>[vector<16xi32>, vector<16xi32>], vector<16xf32>,
        %gather3A_652 = tpu.vector_load_idx %arg7[%get3A_120, %and3A_650] : memref<1000x64xf32, #tpu.memory_space<vmem>>[vector<16xi32>, vector<16xi32>], vector<16xf32>,
        %mul3A_653 = arith.mulf %gather3A_651, %gather3A_652 : vector<16xf32>
        %add3A_654 = arith.addf %add3A_644, %mul3A_653 : vector<16xf32>
        %add3A_655 = arith.constant 1 : i32
        %add3A_656 = vector.broadcast %add3A_655 : i32 to vector<16xi32>
        %add3A_657 = arith.addi %and3A_650, %add3A_656 : vector<16xi32>
        %and3A_658 = arith.constant 63 : i32
        %and3A_659 = vector.broadcast %and3A_658 : i32 to vector<16xi32>
        %and3A_660 = arith.andi %add3A_657, %and3A_659 : vector<16xi32>
        %gather3A_661 = tpu.vector_load_idx %arg11[%add3A_114, %and3A_660] : memref<128x64xf32, #tpu.memory_space<vmem>>[vector<16xi32>, vector<16xi32>], vector<16xf32>,
        %gather3A_662 = tpu.vector_load_idx %arg7[%get3A_120, %and3A_660] : memref<1000x64xf32, #tpu.memory_space<vmem>>[vector<16xi32>, vector<16xi32>], vector<16xf32>,
        %mul3A_663 = arith.mulf %gather3A_661, %gather3A_662 : vector<16xf32>
        %add3A_664 = arith.addf %add3A_654, %mul3A_663 : vector<16xf32>
        %add3A_665 = arith.constant 1 : i32
        %add3A_666 = vector.broadcast %add3A_665 : i32 to vector<16xi32>
        %add3A_667 = arith.addi %and3A_660, %add3A_666 : vector<16xi32>
        %and3A_668 = arith.constant 63 : i32
        %and3A_669 = vector.broadcast %and3A_668 : i32 to vector<16xi32>
        %and3A_670 = arith.andi %add3A_667, %and3A_669 : vector<16xi32>
        %gather3A_671 = tpu.vector_load_idx %arg11[%add3A_114, %and3A_670] : memref<128x64xf32, #tpu.memory_space<vmem>>[vector<16xi32>, vector<16xi32>], vector<16xf32>,
        %gather3A_672 = tpu.vector_load_idx %arg7[%get3A_120, %and3A_670] : memref<1000x64xf32, #tpu.memory_space<vmem>>[vector<16xi32>, vector<16xi32>], vector<16xf32>,
        %mul3A_673 = arith.mulf %gather3A_671, %gather3A_672 : vector<16xf32>
        %add3A_674 = arith.addf %add3A_664, %mul3A_673 : vector<16xf32>
        %add3A_675 = arith.constant 1 : i32
        %add3A_676 = vector.broadcast %add3A_675 : i32 to vector<16xi32>
        %add3A_677 = arith.addi %and3A_670, %add3A_676 : vector<16xi32>
        %and3A_678 = arith.constant 63 : i32
        %and3A_679 = vector.broadcast %and3A_678 : i32 to vector<16xi32>
        %and3A_680 = arith.andi %add3A_677, %and3A_679 : vector<16xi32>
        %gather3A_681 = tpu.vector_load_idx %arg11[%add3A_114, %and3A_680] : memref<128x64xf32, #tpu.memory_space<vmem>>[vector<16xi32>, vector<16xi32>], vector<16xf32>,
        %gather3A_682 = tpu.vector_load_idx %arg7[%get3A_120, %and3A_680] : memref<1000x64xf32, #tpu.memory_space<vmem>>[vector<16xi32>, vector<16xi32>], vector<16xf32>,
        %mul3A_683 = arith.mulf %gather3A_681, %gather3A_682 : vector<16xf32>
        %add3A_684 = arith.addf %add3A_674, %mul3A_683 : vector<16xf32>
        %add3A_685 = arith.constant 1 : i32
        %add3A_686 = vector.broadcast %add3A_685 : i32 to vector<16xi32>
        %add3A_687 = arith.addi %and3A_680, %add3A_686 : vector<16xi32>
        %and3A_688 = arith.constant 63 : i32
        %and3A_689 = vector.broadcast %and3A_688 : i32 to vector<16xi32>
        %and3A_690 = arith.andi %add3A_687, %and3A_689 : vector<16xi32>
        %gather3A_691 = tpu.vector_load_idx %arg11[%add3A_114, %and3A_690] : memref<128x64xf32, #tpu.memory_space<vmem>>[vector<16xi32>, vector<16xi32>], vector<16xf32>,
        %gather3A_692 = tpu.vector_load_idx %arg7[%get3A_120, %and3A_690] : memref<1000x64xf32, #tpu.memory_space<vmem>>[vector<16xi32>, vector<16xi32>], vector<16xf32>,
        %mul3A_693 = arith.mulf %gather3A_691, %gather3A_692 : vector<16xf32>
        %add3A_694 = arith.addf %add3A_684, %mul3A_693 : vector<16xf32>
        %add3A_695 = arith.constant 1 : i32
        %add3A_696 = vector.broadcast %add3A_695 : i32 to vector<16xi32>
        %add3A_697 = arith.addi %and3A_690, %add3A_696 : vector<16xi32>
        %and3A_698 = arith.constant 63 : i32
        %and3A_699 = vector.broadcast %and3A_698 : i32 to vector<16xi32>
        %and3A_700 = arith.andi %add3A_697, %and3A_699 : vector<16xi32>
        %gather3A_701 = tpu.vector_load_idx %arg11[%add3A_114, %and3A_700] : memref<128x64xf32, #tpu.memory_space<vmem>>[vector<16xi32>, vector<16xi32>], vector<16xf32>,
        %gather3A_702 = tpu.vector_load_idx %arg7[%get3A_120, %and3A_700] : memref<1000x64xf32, #tpu.memory_space<vmem>>[vector<16xi32>, vector<16xi32>], vector<16xf32>,
        %mul3A_703 = arith.mulf %gather3A_701, %gather3A_702 : vector<16xf32>
        %add3A_704 = arith.addf %add3A_694, %mul3A_703 : vector<16xf32>
        %add3A_705 = arith.constant 1 : i32
        %add3A_706 = vector.broadcast %add3A_705 : i32 to vector<16xi32>
        %add3A_707 = arith.addi %and3A_700, %add3A_706 : vector<16xi32>
        %and3A_708 = arith.constant 63 : i32
        %and3A_709 = vector.broadcast %and3A_708 : i32 to vector<16xi32>
        %and3A_710 = arith.andi %add3A_707, %and3A_709 : vector<16xi32>
        %gather3A_711 = tpu.vector_load_idx %arg11[%add3A_114, %and3A_710] : memref<128x64xf32, #tpu.memory_space<vmem>>[vector<16xi32>, vector<16xi32>], vector<16xf32>,
        %gather3A_712 = tpu.vector_load_idx %arg7[%get3A_120, %and3A_710] : memref<1000x64xf32, #tpu.memory_space<vmem>>[vector<16xi32>, vector<16xi32>], vector<16xf32>,
        %mul3A_713 = arith.mulf %gather3A_711, %gather3A_712 : vector<16xf32>
        %add3A_714 = arith.addf %add3A_704, %mul3A_713 : vector<16xf32>
        %add3A_715 = arith.constant 1 : i32
        %add3A_716 = vector.broadcast %add3A_715 : i32 to vector<16xi32>
        %add3A_717 = arith.addi %and3A_710, %add3A_716 : vector<16xi32>
        %and3A_718 = arith.constant 63 : i32
        %and3A_719 = vector.broadcast %and3A_718 : i32 to vector<16xi32>
        %and3A_720 = arith.andi %add3A_717, %and3A_719 : vector<16xi32>
        %gather3A_721 = tpu.vector_load_idx %arg11[%add3A_114, %and3A_720] : memref<128x64xf32, #tpu.memory_space<vmem>>[vector<16xi32>, vector<16xi32>], vector<16xf32>,
        %gather3A_722 = tpu.vector_load_idx %arg7[%get3A_120, %and3A_720] : memref<1000x64xf32, #tpu.memory_space<vmem>>[vector<16xi32>, vector<16xi32>], vector<16xf32>,
        %mul3A_723 = arith.mulf %gather3A_721, %gather3A_722 : vector<16xf32>
        %add3A_724 = arith.addf %add3A_714, %mul3A_723 : vector<16xf32>
        %add3A_725 = arith.constant 1 : i32
        %add3A_726 = vector.broadcast %add3A_725 : i32 to vector<16xi32>
        %add3A_727 = arith.addi %and3A_720, %add3A_726 : vector<16xi32>
        %and3A_728 = arith.constant 63 : i32
        %and3A_729 = vector.broadcast %and3A_728 : i32 to vector<16xi32>
        %and3A_730 = arith.andi %add3A_727, %and3A_729 : vector<16xi32>
        %gather3A_731 = tpu.vector_load_idx %arg11[%add3A_114, %and3A_730] : memref<128x64xf32, #tpu.memory_space<vmem>>[vector<16xi32>, vector<16xi32>], vector<16xf32>,
        %gather3A_732 = tpu.vector_load_idx %arg7[%get3A_120, %and3A_730] : memref<1000x64xf32, #tpu.memory_space<vmem>>[vector<16xi32>, vector<16xi32>], vector<16xf32>,
        %mul3A_733 = arith.mulf %gather3A_731, %gather3A_732 : vector<16xf32>
        %add3A_734 = arith.addf %add3A_724, %mul3A_733 : vector<16xf32>
        %add3A_735 = arith.constant 1 : i32
        %add3A_736 = vector.broadcast %add3A_735 : i32 to vector<16xi32>
        %add3A_737 = arith.addi %and3A_730, %add3A_736 : vector<16xi32>
        %and3A_738 = arith.constant 63 : i32
        %and3A_739 = vector.broadcast %and3A_738 : i32 to vector<16xi32>
        %and3A_740 = arith.andi %add3A_737, %and3A_739 : vector<16xi32>
        %gather3A_741 = tpu.vector_load_idx %arg11[%add3A_114, %and3A_740] : memref<128x64xf32, #tpu.memory_space<vmem>>[vector<16xi32>, vector<16xi32>], vector<16xf32>,
        %gather3A_742 = tpu.vector_load_idx %arg7[%get3A_120, %and3A_740] : memref<1000x64xf32, #tpu.memory_space<vmem>>[vector<16xi32>, vector<16xi32>], vector<16xf32>,
        %mul3A_743 = arith.mulf %gather3A_741, %gather3A_742 : vector<16xf32>
        %add3A_744 = arith.addf %add3A_734, %mul3A_743 : vector<16xf32>
        %add3A_745 = arith.constant 1 : i32
        %add3A_746 = vector.broadcast %add3A_745 : i32 to vector<16xi32>
        %add3A_747 = arith.addi %and3A_740, %add3A_746 : vector<16xi32>
        %and3A_748 = arith.constant 63 : i32
        %and3A_749 = vector.broadcast %and3A_748 : i32 to vector<16xi32>
        %and3A_750 = arith.andi %add3A_747, %and3A_749 : vector<16xi32>
        %gather3A_751 = tpu.vector_load_idx %arg11[%add3A_114, %and3A_750] : memref<128x64xf32, #tpu.memory_space<vmem>>[vector<16xi32>, vector<16xi32>], vector<16xf32>,
        %gather3A_752 = tpu.vector_load_idx %arg7[%get3A_120, %and3A_750] : memref<1000x64xf32, #tpu.memory_space<vmem>>[vector<16xi32>, vector<16xi32>], vector<16xf32>,
        %mul3A_753 = arith.mulf %gather3A_751, %gather3A_752 : vector<16xf32>
        %add3A_754 = arith.addf %add3A_744, %mul3A_753 : vector<16xf32>
        %add3A_755 = arith.constant 1 : i32
        %add3A_756 = vector.broadcast %add3A_755 : i32 to vector<16xi32>
        %add3A_757 = arith.addi %and3A_750, %add3A_756 : vector<16xi32>
        %and3A_758 = arith.constant 63 : i32
        %and3A_759 = vector.broadcast %and3A_758 : i32 to vector<16xi32>
        %and3A_760 = arith.andi %add3A_757, %and3A_759 : vector<16xi32>
        %mul3A_761 = arith.constant 128 : i32
        %mul3A_762 = arith.muli %add3A_72, %mul3A_761 : i32
        %mul3A_763 = arith.constant 16 : i32
        %mul3A_764 = arith.muli %scan3A_109, %mul3A_763 : i32
        %add3A_765 = arith.addi %mul3A_762, %mul3A_764 : i32
        %swap3A = arith.index_cast %add3A_765 : i32 to index
        %swap3A_766 = tpu.vector_load %arg12[%swap3A] {strides = array<i32>} : memref<6400xf32, #tpu.memory_space<vmem>>, vector<16xf32>,
        tpu.vector_store %arg12[%swap3A], %add3A_754 {strides = array<i32>} : memref<6400xf32, #tpu.memory_space<vmem>>, vector<16xf32>,
      }
      %scan3A_108 = arith.constant 8 : i32
    }
    %scan3A_26 = arith.constant 25 : i32
    %dma_wait3A_27 = arith.constant 0 : i32
    %dma_wait3A_28 = arith.constant 0 : i32
    %dma_wait3A_29 = tpu.memref_slice %arg8[%dma_wait3A_27, %dma_wait3A_28] : memref<50x128xi32, #tpu.memory_space<vmem>> -> memref<1x128xi32, #tpu.memory_space<vmem>>
    %dma_wait3A_30 = tpu.memref_squeeze %dma_wait3A_29 : memref<1x128xi32, #tpu.memory_space<vmem>> -> memref<128xi32, #tpu.memory_space<vmem>>
    %dma_wait3A_31 = arith.constant 0 : i32
    %dma_wait3A_32 = arith.constant 0 : i32
    %dma_wait3A_33 = tpu.memref_slice %arg4[%dma_wait3A_31, %dma_wait3A_32] : memref<1000000x64xf32, #tpu.memory_space<hbm>> -> memref<1000000x64xf32, #tpu.memory_space<hbm>>
    tpu.wait_indirect_dma semaphore(%arg13 : memref<!tpu.dma_semaphore, #tpu.memory_space<semaphore_mem>>) src(%dma_wait3A_33 : memref<1000000x64xf32, #tpu.memory_space<hbm>>) dst(%arg10 : memref<128x64xf32, #tpu.memory_space<vmem>>)
    %mul3A_34 = arith.constant 6400 : i32
    %mul3A_35 = arith.muli %add3A, %mul3A_34 : i32
    "tpu.region"() ({
      %run_scoped3A = tpu.sem_alloc : memref<!tpu.dma_semaphore, #tpu.memory_space<semaphore_mem>>
      %dma_start3A_36 = tpu.memref_slice %arg6[%mul3A_35] : memref<204800xf32, #tpu.memory_space<hbm>> -> memref<6400xf32, #tpu.memory_space<hbm>>
      %dma_start3A_37 = tpu.memref_slice %arg6[%mul3A_35] : memref<204800xf32, #tpu.memory_space<hbm>> -> memref<6400xf32, #tpu.memory_space<hbm>>
      tpu.enqueue_dma source(%arg12 : memref<6400xf32, #tpu.memory_space<vmem>>) target(%dma_start3A_37 : memref<6400xf32, #tpu.memory_space<hbm>>) target_semaphore(%run_scoped3A : memref<!tpu.dma_semaphore, #tpu.memory_space<semaphore_mem>>)
      %dma_wait3A_38 = tpu.memref_slice %arg6[%mul3A_35] : memref<204800xf32, #tpu.memory_space<hbm>> -> memref<6400xf32, #tpu.memory_space<hbm>>
      %dma_wait3A_39 = tpu.memref_slice %arg6[%mul3A_35] : memref<204800xf32, #tpu.memory_space<hbm>> -> memref<6400xf32, #tpu.memory_space<hbm>>
      tpu.wait_dma2 semaphore(%run_scoped3A : memref<!tpu.dma_semaphore, #tpu.memory_space<semaphore_mem>>) src(%arg12 : memref<6400xf32, #tpu.memory_space<vmem>>) dst(%dma_wait3A_39 : memref<6400xf32, #tpu.memory_space<hbm>>)
      tpu.yield
    }) : () -> ()
    return
  }
}

</mosaic_0001>

<sc_bundles>
// kernel: _sc_ranker.3.cloned.1.call-start
scs
__scs_entry_jumppad:
0x0: {  	(pc) =	sbr.rel $0x88, $3  }
0x1: {  	(tag) =	ssettag $0x0;
	lr =	simm.s32 $0x1  }
0x2: {  	[smem:$0x3F9D] =	sst lr;
	_ =	strace $0xD0000000  }
0x3: {  	_ = 	snop  }
0x4: {  	_ = 	snop  }
0x5: {  	_ = 	snop  }
0x6: {  	_ = 	snop  }
0x7: {  	_ = 	snop  }
__scs_overlays_trampoline_lowered:
0x8: {  	[smem:$0x3FAC] =	sst s0  }
0x9: {  	[smem:$0x3FAD] =	sst s1  }
0xa: {  	[smem:$0x3FAE] =	sst s2  }
0xb: {  	[smem:$0x3FAF] =	sst s3  }
0xc: {  	[smem:$0x3FB0] =	sst s4  }
0xd: {  	[smem:$0x3FB1] =	sst s5  }
0xe: {  	[smem:$0x3FB2] =	sst s6  }
0xf: {  	[smem:$0x3FB3] =	sst s7  }
0x10: {  	[smem:$0x3FB4] =	sst s8  }
0x11: {  	[smem:$0x3FB5] =	sst s9;
	s0 =	simm.s32 @!p0 $0x0  }
0x12: {  	s1 =	sld [smem:$0x3F9B];
	s0 =	simm.s32 @p0 $0x1  }
0x13: {  	[smem:$0x3FB6] =	sst s0;
	s0 =	simm.s32 @!p1 $0x0  }
0x14: {  	s2 =	sld [smem:$0x3F9A];
	s0 =	simm.s32 @p1 $0x1  }
0x15: {  	[smem:$0x3FB7] =	sst s0;
	s0 =	simm.s32 @!p2 $0x0  }
0x16: {  	s3 =	sld [smem:$0x3FDB];
	s0 =	simm.s32 @p2 $0x1  }
0x17: {  	s4 =	simm.s32 $0x1BF5;
	[smem:$0x3FB9] =	sst s0  }
0x18: {  	s0 =	sld [smem:$0x3F9C];
	_ =	swait.ge [sflag:s4], $0x0  }
0x19: {  	s7 =	sld [smem:$0x3F9D]  }
0x1a: {  	s8 =	sadd.s32 $0xFFFFE003, lr  }
0x1b: {  	s9 =	sadd.s32 $0xFFFFFEF7, lr;
	s5 =	simm.s32 $0xFFFFFFFF;
	p2 =	slt.u32 s8, $0xFFFFF086  }
0x1c: {  	p1 =	slt.u32 s9, $0xF7A;
	s5 =	simm.s32 @!p2 $0x0  }
0x1d: {  	s5 =	simm.s32 @p1 $0x1;
	p0 =	seq.s32 s7, s2  }
0x1e: {  	s7 =	smul.u32 @!p0 $0xF7A, s2;
	p2 =	seq.s32 @!p0 s5, $0x0  }
0x1f: {  	s9 =	smul.u32 $0xF7A, s1;
	s8 =	simm.s32 @!p0 $0x1BF5;
	p2 =	por !p2, p0  }
0x20: {  	[sflag:s8] =	ssyncset.s32 @!p0 $0xFFFFF086;
	s6 =	sadd.s32 @!p0 s3, s7;
	s7 =	simm.s32 @!p0 $0x108  }
0x21: {  	s3 =	sadd.s32 s3, s9;
	s6 =	sadd.s32 @!p0 $0x88, s6;
	s7 =	simm.s32 @p2 $0x1082  }
0x22: {  	[simem:s7], [sflag:s8] =	dma.local @!p0 [hbm:s6], $0xF7A  }
0x23: {  	s9 =	sor.u32 $0xD0000000, s2;
	s6 =	simm.s32 $0x108;
	_ =	swait.ge @!p0 [sflag:s8], $0x0  }
0x24: {  	s3 =	sadd.s32 $0x88, s3;
	s6 =	simm.s32 @!p1 $0x1082;
	[sflag:s4] =	ssyncset.s32 $0xFFFFF086  }
0x25: {  	[simem:s6], [sflag:s4] =	dma.local [hbm:s3], $0xF7A  }
0x26: {  	[smem:$0x3F9D] =	sst s1;
	(tag) =	ssettag s2;
	_ =	strace s9  }
0x27: {  	s1 =	sld [smem:$0x3FAD]  }
0x28: {  	s2 =	sld [smem:$0x3FAE]  }
0x29: {  	s4 =	sld [smem:$0x3FB0]  }
0x2a: {  	p0 =	seq.s32 s5, $0x0;
	s5 =	sld [smem:$0x3FB1]  }
0x2b: {  	s6 =	sld [smem:$0x3FB2]  }
0x2c: {  	s7 =	sld [smem:$0x3FB3]  }
0x2d: {  	s3 =	simm.s32 $0x108;
	s8 =	sld [smem:$0x3FB4]  }
0x2e: {  	s3 =	simm.s32 @!p0 $0x1082;
	s9 =	sld [smem:$0x3FB5]  }
0x2f: {  	lr =	sadd.s32 s0, s3;
	s0 =	sld [smem:$0x3FAC]  }
0x30: {  	s3 =	sld [smem:$0x3FAF]  }
0x31: {  	[smem:$0x3FB8] =	sst s10  }
0x32: {  	s10 =	sld [smem:$0x3FB6];
	_ =	sdelay $0x3  }
0x33: {  	p0 =	seq.s32 s10, $0x1;
	s10 =	sld [smem:$0x3FB8];
	_ =	sdelay $0x3  }
0x34: {  	[smem:$0x3FB8] =	sst s10  }
0x35: {  	s10 =	sld [smem:$0x3FB7];
	_ =	sdelay $0x3  }
0x36: {  	p1 =	seq.s32 s10, $0x1;
	s10 =	sld [smem:$0x3FB8];
	_ =	sdelay $0x3  }
0x37: {  	[smem:$0x3FB8] =	sst s10  }
0x38: {  	s10 =	sld [smem:$0x3FB9]  }
0x39: {  	_ = 	snop;
	(pc) =	sbr.ind lr, $3  }
0x3a: {  	_ = 	snop  }
0x3b: {  	_ = 	snop  }
0x3c: {  	p2 =	seq.s32 s10, $0x1;
	s10 =	sld [smem:$0x3FB8]  }
0x3d: {  	_ =	shalt  }
0x3e: {  	_ =	shalt  }
0x3f: {  	_ =	shalt  }
0x40: {  	_ =	shalt  }
0x41: {  	_ =	shalt  }
0x42: {  	_ =	shalt  }
0x43: {  	_ =	shalt  }
0x44: {  	_ =	shalt  }
0x45: {  	_ =	shalt  }
0x46: {  	_ =	shalt  }
0x47: {  	_ =	shalt  }
0x48: {  	_ =	shalt  }
0x49: {  	_ =	shalt  }
0x4a: {  	_ =	shalt  }
0x4b: {  	_ =	shalt  }
0x4c: {  	_ =	shalt  }
0x4d: {  	_ =	shalt  }
0x4e: {  	_ =	shalt  }
0x4f: {  	_ =	shalt  }
0x50: {  	_ =	shalt  }
0x51: {  	_ =	shalt  }
0x52: {  	_ =	shalt  }
0x53: {  	_ =	shalt  }
0x54: {  	_ =	shalt  }
0x55: {  	_ =	shalt  }
0x56: {  	_ =	shalt  }
0x57: {  	_ =	shalt  }
0x58: {  	_ =	shalt  }
0x59: {  	_ =	shalt  }
0x5a: {  	_ =	shalt  }
0x5b: {  	_ =	shalt  }
0x5c: {  	_ =	shalt  }
0x5d: {  	_ =	shalt  }
0x5e: {  	_ =	shalt  }
0x5f: {  	_ =	shalt  }
0x60: {  	_ =	shalt  }
0x61: {  	_ =	shalt  }
0x62: {  	_ =	shalt  }
0x63: {  	_ =	shalt  }
0x64: {  	_ =	shalt  }
0x65: {  	_ =	shalt  }
0x66: {  	_ =	shalt  }
0x67: {  	_ =	shalt  }
0x68: {  	_ =	shalt  }
0x69: {  	_ =	shalt  }
0x6a: {  	_ =	shalt  }
0x6b: {  	_ =	shalt  }
0x6c: {  	_ =	shalt  }
0x6d: {  	_ =	shalt  }
0x6e: {  	_ =	shalt  }
0x6f: {  	_ =	shalt  }
0x70: {  	_ =	shalt  }
0x71: {  	_ =	shalt  }
0x72: {  	_ =	shalt  }
0x73: {  	_ =	shalt  }
0x74: {  	_ =	shalt  }
0x75: {  	_ =	shalt  }
0x76: {  	_ =	shalt  }
0x77: {  	_ =	shalt  }
0x78: {  	_ =	shalt  }
0x79: {  	_ =	shalt  }
0x7a: {  	_ =	shalt  }
0x7b: {  	_ =	shalt  }
0x7c: {  	_ =	shalt  }
0x7d: {  	_ =	shalt  }
0x7e: {  	_ =	shalt  }
0x7f: {  	_ =	shalt  }
0x80: {  	_ =	shalt  }
0x81: {  	_ =	shalt  }
0x82: {  	_ =	shalt  }
0x83: {  	_ =	shalt  }
0x84: {  	_ =	shalt  }
0x85: {  	_ =	shalt  }
0x86: {  	_ =	shalt  }
0x87: {  	_ =	shalt  }
.Lfunc_end0:
.L_simem_size_0:
called_computation_lowered:
.L_overlay_start_0:
0x88: {  	s2 =	sld [smem:$0x3FD9]  }
0x89: {  	s3 =	sld [smem:$0x3FFE];
	_ =	sdelay $0x1  }
0x8a: {  	s1 =	srdreg.scid  }
0x8b: {  	s0 =	sand.u32 $0x1, s1  }
0x8c: {  	s17 =	sshll.u32 s0, $0xA;
	s2 =	sadd.s32 s3, s2  }
0x8d: {  	s2 =	sadd.s32 s2, s17  }
0x8e: {  	[smem:$0x3FC4] =	sst s2  }
0x8f: {  	_ = 	snop  }
0x90: {  	s2 =	sld [smem:$0x3FC9]  }
0x91: {  	s18 =	sld [smem:$0x3FC8]  }
0x92: {  	s4 =	sld [smem:$0x3FD0];
	(tm) =	ssettm $0x1  }
0x93: {  	s5 =	sld [smem:$0x3FFB];
	_ =	sdelay $0x3  }
0x94: {  	_ =	strace s5  }
0x95: {  	s5 =	sld [smem:$0x3FFC];
	_ =	sdelay $0x3  }
0x96: {  	_ =	strace s5  }
0x97: {  	s5 =	sld [smem:$0x3FFD];
	_ =	sdelay $0x3  }
0x98: {  	_ =	strace s5  }
0x99: {  	_ =	strace $0x8FFFFFFF  }
0x9a: {  	s19 =	sld [smem:$0x3FDB];
	_ =	sdelay $0x1  }
0x9b: {  	s6 =	simm.s32 $_scs_section_size  }
0x9c: {  	s7 =	simm.s32 $_size__tile_overlayer_lowered;
	s8 =	simm.s32 $_tile_overlayer_lowered  }
0x9d: {  	s22 =	simm.s32 $0x1BFF;
	s21 =	sshll.u32 s8, $0x1;
	s5 =	sadd.s32 s6, s19  }
0x9e: {  	s9 =	simm.s32 $0x0;
	s20 =	sshll.u32 s7, $0x1;
	s7 =	sadd.s32 s21, s5  }
0x9f: {  	[timem:s9], [sflag:s22] =	dma.local [hbm:s7], s20  }
0xa0: {  	_ =	swait.ge [sflag:s22], s20  }
0xa1: {  	s6 =	ssub.s32 $0x0, s20;
	[sflag:s22] =	ssyncset.done $0x0  }
0xa2: {  	[sflag:s22] =	ssyncadd.s32 s6;
	_ =	sdelay $0x1  }
0xa3: {  	s23 =	simm.s32 $0x1B8B  }
0xa4: {  	_ =	swait.ge [sflag:s23], $0x1  }
0xa5: {  	[sflag:s23] =	ssyncset.done $0x0  }
0xa6: {  	s25 =	simm.s32 $0x1B8E;
	s24 =	sld [smem:$0x3FFE];
	[sflag:s23] =	ssyncadd.s32 $0xFFFFFFFF  }
0xa7: {  	s26 =	simm.s32 $execute0_lowered;
	[smem:$0x3FD2] =	sst s25  }
0xa8: {  	s7 =	sshll.u32 s26, $0x1;
	_ =	strace $0x80000046;
	[dreg:$0x1] =	wrdreg $0xFFFFFFFF  }
0xa9: {  	s28 =	simm.s32 $_size_execute0_lowered;
	s5 =	sadd.s32 s5, s7;
	[dreg:$0x0] =	wrdreg $0x0  }
0xaa: {  	s7 =	sshll.u32 s28, $0x1;
	[dreg:$0x2] =	wrdreg s5  }
0xab: {  	[dreg:$0x3] =	wrdreg s7  }
0xac: {  	[dreg:$0x4] =	wrdreg $0xC0  }
0xad: {  	_ =	task [dreg:s9], $0x5FFFF  }
0xae: {  	[dreg:$0x1] =	wrdreg $0xFFFFFFFF  }
0xaf: {  	[dreg:$0x0] =	wrdreg $0x60  }
0xb0: {  	[dreg:$0x2] =	wrdreg s2  }
0xb1: {  	[dreg:$0x3] =	wrdreg s18  }
0xb2: {  	[dreg:$0x4] =	wrdreg s24  }
0xb3: {  	[dreg:$0x5] =	wrdreg s4  }
0xb4: {  	[dreg:$0x6] =	wrdreg $0x9  }
0xb5: {  	_ =	task.clear_ibuf [dreg:s9], $0x7FFFF;
	_ =	strace $0x90000046  }
0xb6: {  	s29 =	simm.s32 $0x9;
	_ =	strace $0x80000048  }
0xb7: {  	_ =	swait.ge [sflag:s29], $0x1  }
0xb8: {  	[sflag:s29] =	ssyncadd.s32 $0xFFFFFFFF  }
0xb9: {  	_ =	strace $0x90000048  }
0xba: {  	_ =	sfence  }
0xbb: {  	s30 =	sld [smem:$0x0];
	_ =	sdelay $0x2  }
0xbc: {  	s31 =	sshll.u32 s1, $0xD;
	s1 =	sshrl.u32 s1, $0x2  }
0xbd: {  	s3 =	sand.u32 $0x4000, s31;
	s1 =	sadd.s32 s1, s30  }
0xbe: {  	s0 =	sor.u32 s3, s0;
	s1 =	sshll.u32 s1, $0x11  }
0xbf: {  	s0 =	sor.u32 s1, s0  }
0xc0: {  	s0 =	sadd.s32 $0x8F2B, s0  }
0xc1: {  	[sflag:s0] =	ssyncadd.remote.s32 $0x1  }
0xc2: {  	_ =	sfence.sel $0xFFFF  }
0xc3: {  	[dreg:$0x0] =	wrdreg $0xFFFFFFFF;
	(pc) =	sbr.abs _section_cstart, $3  }
0xc4: {  	[dreg:$0x1] =	wrdreg $0xFFFFFFFF  }
0xc5: {  	_ =	task.clear_ibuf [dreg:s9], $0x2FFFF;
	_ =	strace $0x9FFFFFFF  }
0xc6: {  	(tm) =	ssettm $0x7FFFFFFF  }
0xc7: {  	_ =	shalt  }
tec
execute0_lowered:
.L_overlay_start_1:
0x0: {  	(tag) =	ssettag $0x1  }
0x1: {  	v0 =	vimm.s32 $0x34333231;
	v1 =	vimm.s32 $0x38373635  }
0x2: {  	v2 =	vimm.s32 $0x3C3B3A39;
	v37 =	vimm.s32 $0x3F3E3D;
	vm0 =	vcmask $0x1F10  }
0x3: {  	v38 =	vimm.s32 $0x39383736;
	v40 =	vimm.s32 $0x3D3C3B3A;
	v41 =	vimm.s32 $0x1003F3E  }
0x4: {  	v51 =	vimm.s32 $0x36353433;
	v52 =	vimm.s32 $0x3020100;
	v56 =	vimm.s32 $0x3A393837  }
0x5: {  	v47 =	vimm.s32 $0x3F3E3D3C;
	v48 =	vimm.s32 $0x37363534;
	v0 =	vunpack.c.0.s8.s32 v0  }
0x6: {  	v7 =	vunpack.c.0.s8.s32 v1;
	v8 =	vunpack.c.0.s8.s32 v2;
	v1 =	vunpack.c.0.s8.s32 v37  }
0x7: {  	v49 =	vimm.s32 $0x3B3A3938;
	v2 =	vimm.s32 $0x35343332;
	v58 =	vunpack.c.0.s8.s32 v48  }
0x8: {  	v2 =	vunpack.c.0.s8.s32 v2;
	[tilespmem:$0x1FD30] =	vst v7;
	v0 =	vsel vm0, v7, v0;
	v37 =	vsel vm0, v1, v8  }
0x9: {  	[tilespmem:$0x1FD40] =	vst v8;
	v7 =	vunpack.c.0.s8.s32 v38;
	v8 =	vunpack.c.0.s8.s32 v40;
	v38 =	vunpack.c.0.s8.s32 v41  }
0xa: {  	v13 =	vunpack.c.0.s8.s32 v49;
	v40 =	vunpack.c.0.s8.s32 v52;
	v12 =	vcombine.low v0, v37  }
0xb: {  	v0 =	vsel vm0, v7, v2;
	[tilespmem:$0x1FD60] =	vst v8;
	v2 =	vsel vm0, v38, v8;
	v8 =	vunpack.c.0.s8.s32 v47  }
0xc: {  	v49 =	vsel vm0, v13, v58;
	[tilespmem:$0x1FD50] =	vst v7;
	v7 =	vunpack.c.0.s8.s32 v56;
	v63 =	vcombine.low v0, v2  }
0xd: {  	v0 =	vunpack.c.0.s8.s32 v51;
	v51 =	vimm.s32 $0x4030201;
	v40 =	vsel vm0, v40, v8  }
0xe: {  	s5 =	rddreg [dreg:$0x0];
	v56 =	vimm.s32 $0x5040302;
	v9 =	vcombine.low v49, v40;
	v40 =	vunpack.c.0.s8.s32 v51  }
0xf: {  	s6 =	rddreg [dreg:$0x1];
	[tilespmem:$0x1FD70] =	vst v13;
	v47 =	vunpack.c.0.s8.s32 v56  }
0x10: {  	s4 =	rddreg [dreg:$0x2];
	[tilespmem:$0x1FDA0] =	vst v8;
	v13 =	vsel vm0, v40, v1  }
0x11: {  	v46 =	vimm.s32 $0x201003F;
	s7 =	rddreg [dreg:$0x3];
	s2 =	simm.s32 $0x0;
	v52 =	vimm.s32 $0x32107654;
	[tilespmem:$0x1FD80] =	vst v13;
	v13 =	vsel vm0, v47, v38  }
0x12: {  	v14 =	vunpack.c.0.s8.s32 v46;
	[smem:$0x7FF] =	sst s2;
	v46 =	vunpack.c.l.s4.s8 v52;
	[tilespmem:$0x1FD90] =	vst v13  }
0x13: {  	v16 =	vlaneseq.u32;
	s0 =	rddreg [dreg:$0x4];
	v0 =	vsel vm0, v7, v0;
	_ =	strace $0x80000047;
	[tilespmem:$0x1FDB0] =	vst v7  }
0x14: {  	v3 =	vmul.u32 $0x40, v16;
	v46 =	vunpack.c.0.s8.s32 v46;
	[tilespmem:$0x1FDC0] =	vst v0  }
0x15: {  	[tilespmem:$0x1FDE0] =	vst v14  }
0x16: {  	vm1 =	vcmask $0x2F10;
	v5 =	vadd.s32 $0x29, v16;
	v51 =	vand.u32 $0xF, v46;
	[tilespmem:$0x1FE20] =	vst v3  }
0x17: {  	v10 =	vadd.s32 $0x25, v16;
	v40 =	vsel vm1, v51, v8;
	v8 =	vadd.s32 $0x2D, v16;
	[tilespmem:$0x1FE40] =	vst v5  }
0x18: {  	vm2 =	vcmask $0x3F30;
	v47 =	vmov v10;
	v10 =	vadd.s32 $0x2A, v16;
	[tilespmem:$0x1FE70] =	vst v8  }
0x19: {  	v15 =	vadd.s32 $0x1, v16;
	v33 =	vadd.s32 $0x2, v16;
	v11 =	vadd.s32 $0x28, v16;
	[tilespmem:$0x1FE80] =	vst v10  }
0x1a: {  	v34 =	vadd.s32 $0x3, v16;
	v35 =	vadd.s32 $0x4, v16;
	v59 =	vadd.s32 $0x1D, v16;
	[tilespmem:$0x1FE90] =	vst v11  }
0x1b: {  	v36 =	vadd.s32 $0x5, v16;
	v23 =	vadd.s32 $0x6, v16;
	v60 =	vadd.s32 $0x1E, v16;
	[tilespmem:$0x1FEC0] =	vst v59  }
0x1c: {  	v24 =	vadd.s32 $0x7, v16;
	v26 =	vadd.s32 $0x9, v16;
	v61 =	vadd.s32 $0x1F, v16;
	[tilespmem:$0x1FED0] =	vst v60  }
0x1d: {  	v27 =	vadd.s32 $0xA, v16;
	v28 =	vadd.s32 $0xB, v16;
	v62 =	vor.u32 $0x20, v16;
	[tilespmem:$0x1FEE0] =	vst v61  }
0x1e: {  	v29 =	vadd.s32 $0xC, v16;
	v30 =	vadd.s32 $0xD, v16;
	v48 =	vimm.s32 $0x87654321;
	[tilespmem:$0x1FEF0] =	vst v62  }
0x1f: {  	v31 =	vadd.s32 $0xE, v16;
	v19 =	vadd.s32 $0xF, v16;
	v41 =	vunpack.c.l.s4.s8 v48;
	[tilespmem:$0x1FF00] =	vst v63  }
0x20: {  	v21 =	vadd.s32 $0x1B, v16;
	v57 =	vadd.s32 $0x22, v16;
	v58 =	vimm.s32 $0x98765432;
	[tilespmem:$0x1FF10] =	vst v9  }
0x21: {  	v32 =	vadd.s32 $0x1C, v16;
	v48 =	vunpack.c.l.s4.s8 v58;
	v41 =	vunpack.c.0.s8.s32 v41;
	[tilespmem:$0x1FF30] =	vst v57  }
0x22: {  	v4 =	vadd.s32 $0x21, v16;
	v54 =	vadd.s32 $0x24, v16;
	v52 =	vimm.s32 $0x43218765;
	[tilespmem:$0x1FF50] =	vst v32  }
0x23: {  	v56 =	vimm.s32 $0xB0A0908;
	v41 =	vand.u32 $0xF, v41;
	v49 =	vunpack.c.0.s8.s32 v48;
	[tilespmem:$0x1FF60] =	vst v21  }
0x24: {  	v46 =	vunpack.c.0.s8.s32 v56;
	v13 =	vcombine.low v37, v41;
	v41 =	vunpack.c.l.s4.s8 v52;
	[tilespmem:$0x1FF70] =	vst v33  }
0x25: {  	v55 =	vadd.s32 $0x26, v16;
	v58 =	vimm.s32 $0x54329876;
	v56 =	vimm.s32 $0x6543A987;
	[tilespmem:$0x1FF80] =	vst v34  }
0x26: {  	v51 =	vsel vm2, v46, v40;
	v37 =	vand.u32 $0xF, v49;
	[tilespmem:$0x1FF90] =	vst v35;
	v41 =	vunpack.c.0.s8.s32 v41  }
0x27: {  	v49 =	vimm.s32 $0xC0B0A09;
	v52 =	vcombine.low v2, v37;
	v2 =	vunpack.c.l.s4.s8 v58;
	[tilespmem:$0x1FFA0] =	vst v36  }
0x28: {  	v40 =	vunpack.c.0.s8.s32 v49;
	v7 =	vadd.s32 $0x2F, v16;
	[tilespmem:$0x1FFB0] =	vst v15;
	v48 =	vand.u32 $0xF, v41  }
0x29: {  	[tilespmem:$0x1FFC0] =	vst v12;
	v2 =	vunpack.c.0.s8.s32 v2;
	v41 =	vunpack.c.l.s4.s8 v56;
	v1 =	vsel vm1, v48, v1  }
0x2a: {  	[tilespmem:$0x1FFE0] =	vst v55;
	v56 =	vimm.s32 $0xE0D0C0B;
	v48 =	vimm.s32 $0xD0C0B0A;
	v49 =	vsel vm2, v40, v1  }
0x2b: {  	[tilespmem:$0x1FFF0] =	vst v47;
	v1 =	vand.u32 $0xF, v2;
	v2 =	vunpack.c.0.s8.s32 v41;
	v40 =	vunpack.c.0.s8.s32 v56  }
0x2c: {  	[tilespmem:$0x1FE60] =	vst v7;
	v56 =	vadd.s32 $0x2E, v16;
	v1 =	vsel vm1, v1, v38;
	v38 =	vunpack.c.0.s8.s32 v48  }
0x2d: {  	v18 =	vor.u32 $0x10, v16;
	v17 =	vadd.s32 $0x11, v16;
	[tilespmem:$0x1FEB0] =	vst v56;
	v41 =	vmovc v54;
	v54 =	vmovc v4;
	v4 =	vadd.s32 $0x2B, v16  }
0x2e: {  	v6 =	vadd.s32 $0x23, v16;
	v58 =	vimm.s32 $0x6050403;
	v2 =	vand.u32 $0xF, v2;
	[tilespmem:$0x1FE30] =	vst v4  }
0x2f: {  	s1 =	srdreg.scid;
	v37 =	vimm.s32 $0xA9876543;
	v2 =	vsel vm1, v2, v14;
	v48 =	vsel vm2, v38, v1;
	[tilespmem:$0x1FF40] =	vst v54  }
0x30: {  	s11 =	simm.s32 $0x2;
	s12 =	simm.s32 $0x3;
	s13 =	simm.s32 $0x80;
	[tilespmem:$0x1FFD0] =	vst v41;
	v46 =	vsel vm2, v40, v2;
	v2 =	vimm.s32 $0x3E3D3C3B;
	v38 =	vmovc v6;
	v6 =	vadd.s32 $0x27, v16  }
0x31: {  	s14 =	simm.s32 $0x12C00;
	s15 =	simm.s32 $0x14C00;
	s3 =	sand.u32 $0x1, s1;
	v58 =	vunpack.c.0.s8.s32 v58;
	v1 =	vimm.s32 $0x76543210;
	v0 =	vunpack.c.0.s8.s32 v2;
	[tilespmem:$0x1FE50] =	vst v6  }
0x32: {  	s16 =	simm.s32 $0x16C00;
	v20 =	vadd.s32 $0x12, v16;
	s1 =	stileid.u32;
	s8 =	sshll.u32 s3, $0x4;
	v37 =	vunpack.c.l.s4.s8 v37;
	v1 =	vunpack.c.l.s4.s8 v1;
	[tilespmem:$0x1FF20] =	vst v38  }
0x33: {  	s17 =	simm.s32 $0x4;
	v22 =	vadd.s32 $0x13, v16;
	v39 =	vadd.s32 $0x14, v16;
	s9 =	ssub.s32 $0x2, s3;
	s8 =	sor.u32 s1, s8;
	[tilespmem:$0x1FDD0] =	vst v0;
	v0 =	vsel vm0, v58, v14  }
0x34: {  	s18 =	simm.s32 $0x0;
	s10 =	sshrl.u32 s9, $0x1;
	s8 =	smul.u32 $0x320, s8;
	v37 =	vunpack.c.0.s8.s32 v37;
	v14 =	vor.u32 $0x30, v16;
	[tilespmem:$0x1FDF0] =	vst v0;
	v0 =	vunpack.c.0.s8.s32 v1  }
0x35: {  	v25 =	vadd.s32 $0x8, v16;
	v42 =	vadd.s32 $0x15, v16;
	v43 =	vadd.s32 $0x16, v16;
	s3 =	sadd.s32 $0xF42A00, s4;
	s4 =	sadd.s32 $0x600, s4;
	s9 =	ssub.s32 s9, s10;
	[tilespmem:$0x1FEA0] =	vst v14  }
0x36: {  	v44 =	vadd.s32 $0x17, v16;
	v45 =	vadd.s32 $0x18, v16;
	s10 =	simm.s32 $0x1;
	s5 =	sadd.s32 s5, s8;
	s6 =	sadd.s32 s6, s8;
	[tilespmem:$0x1FE00] =	vst v0;
	v0 =	vand.u32 $0xF, v37  }
0x37: {  	v50 =	vadd.s32 $0x19, v16;
	v53 =	vadd.s32 $0x1A, v16;
	s7 =	sadd.s32 s7, s8;
	s8 =	smax.u32 s9, $0x1;
	s9 =	simm.s32 $0xFA00;
	v58 =	vadd.s32 $0x2C, v16;
	[tilespmem:$0x1FE10] =	vst v0  }
.LBB2_1:
0x38: {  	[tilespmem:s9], [sflag:$0x1] =	stream.linear.gather [hbm4b:s5+s2], $0x1900, $0x38;
	[tilespmem:$0x18500] =	vst v63  }
0x39: {  	s19 =	simm.s32 $0x11300  }
0x3a: {  	[tilespmem:s19], [sflag:$0x2] =	stream.linear.gather [hbm4b:s6+s2], $0x1900, $0x38;
	[tilespmem:$0x18500] =	vst v63  }
0x3b: {  	_ = 	snop  }
0x3c: {  	[tilespmem:s2], [sflag:$0x3] =	stream.linear.gather [hbm4b:s4+s2], $0xFA00, $0x38;
	[tilespmem:$0x18500] =	vst v63  }
0x3d: {  	_ =	swait.ge [sflag:s10], $0x1900  }
0x3e: {  	[sflag:s10] =	ssyncset.done $0x0  }
0x3f: {  	[sflag:s10] =	ssyncadd.s32 $0xFFFFE700  }
0x40: {  	_ =	swait.ge [sflag:s11], $0x1900  }
0x41: {  	[sflag:s11] =	ssyncset.done $0x0  }
0x42: {  	[sflag:s11] =	ssyncadd.s32 $0xFFFFE700  }
0x43: {  	_ =	swait.ge [sflag:s12], $0xFA00  }
0x44: {  	s20 =	simm.s32 $0x11380;
	s21 =	simm.s32 $0x16C80;
	[sflag:s12] =	ssyncset.done $0x0  }
0x45: {  	s22 =	simm.s32 $0x16C00;
	s23 =	simm.s32 $0x0;
	[sflag:s12] =	ssyncadd.s32 $0xFFFF0600  }
0x46: {  	v9 =	vmov v19;
	[tilespmem:s14], [sflag:$0x1] =	stream.indirect.gather [hbm4b:s3+s13], $0x40, s9, s13, $0xb8;
	[tilespmem:$0x18500] =	vst v63  }
.LBB2_2:
0x47: {  	s24 =	sshll.u32 s23, $0x8  }
0x48: {  	s24 =	sor.u32 $0x80, s24  }
0x49: {  	s24 =	sand.u32 $0x3FFFFF80, s24  }
0x4a: {  	s24 =	sadd.s32 $0xFA00, s24  }
0x4b: {  	[tilespmem:s15], [sflag:$0x2] =	stream.indirect.gather [hbm4b:s3+s13], $0x40, s24, s13, $0xb8;
	[tilespmem:$0x18500] =	vst v63  }
0x4c: {  	_ =	swait.ge [sflag:s10], $0x2000  }
0x4d: {  	[sflag:s10] =	ssyncset.done $0x0  }
0x4e: {  	[sflag:s10] =	ssyncadd.s32 $0xFFFFE000  }
0x4f: {  	v0 =	vld [tilespmem:s19+$0x0];
	_ =	sdelay $0x1  }
0x50: {  	s31 =	simm.s32 $0x0  }
0x51: {  	v1 =	vmov s31  }
0x52: {  	v1 =	vshll.u32 v1, $0x6  }
0x53: {  	v2 =	vor.u32 v3, v1;
	v1 =	vshll.u32 v0, $0x6  }
0x54: {  	v19 =	vld [tilespmem:$0x1FF70];
	v61 =	vor.u32 v15, v1;
	_ =	sdelay $0x4  }
0x55: {  	v60 =	vor.u32 v15, v2;
	v63 =	vor.u32 v19, v1;
	v15 =	vld.idx.msk [tilespmem:v61+s2+$0x0], $0xffff;
	_ =	sdelay $0x3  }
0x56: {  	v62 =	vor.u32 v19, v2;
	v0 =	vor.u32 v16, v1;
	v19 =	vld [tilespmem:$0x1FF80]  }
0x57: {  	[tilespmem:$0x1FAF0] =	vst v15;
	v15 =	vld.idx.msk [tilespmem:v63+s2+$0x0], $0xffff  }
0x58: {  	v59 =	vor.u32 v16, v2;
	_ =	sdelay $0x2  }
0x59: {  	v37 =	vld.idx.msk [tilespmem:v0+s2+$0x0], $0xffff  }
0x5a: {  	v0 =	vor.u32 v19, v2;
	[tilespmem:$0x1FB00] =	vst v15;
	v15 =	vld [tilespmem:$0x1FFA0]  }
0x5b: {  	v33 =	vld.idx.msk [tilespmem:v59+s14+$0x0], $0xffff  }
0x5c: {  	v59 =	vor.u32 v19, v1;
	v19 =	vld [tilespmem:$0x1FF90];
	_ =	sdelay $0x1  }
0x5d: {  	v34 =	vld.idx.msk [tilespmem:v60+s14+$0x0], $0xffff  }
0x5e: {  	v36 =	vld.idx.msk [tilespmem:v0+s14+$0x0], $0xffff;
	v0 =	vor.u32 v15, v1  }
0x5f: {  	v35 =	vld.idx.msk [tilespmem:v62+s14+$0x0], $0xffff;
	[tilespmem:$0x1FB10] =	vst v0;
	v0 =	vmul.f32 v37, v33  }
0x60: {  	v40 =	vor.u32 v19, v2;
	v37 =	vld.idx.msk [tilespmem:v59+s2+$0x0], $0xffff  }
0x61: {  	v62 =	vor.u32 v15, v2;
	v59 =	vadd.f32 $0.0e+00, v0;
	v0 =	vld [tilespmem:$0x1FAF0];
	_ =	sdelay $0x1  }
0x62: {  	v61 =	vor.u32 v19, v1;
	_ =	sdelay $0x1  }
0x63: {  	v33 =	vld.idx.msk [tilespmem:v40+s14+$0x0], $0xffff  }
0x64: {  	v0 =	vmul.f32 v0, v34;
	v34 =	vld.idx.msk [tilespmem:v62+s14+$0x0], $0xffff  }
0x65: {  	v40 =	vor.u32 v23, v1;
	v62 =	vld [tilespmem:$0x1FB00]  }
0x66: {  	[tilespmem:$0x1FB20] =	vst v40;
	v40 =	vld.idx.msk [tilespmem:v61+s2+$0x0], $0xffff;
	v61 =	vor.u32 v24, v1  }
0x67: {  	[tilespmem:$0x1FB30] =	vst v61;
	v61 =	vld [tilespmem:$0x1FB10];
	_ =	sdelay $0x2  }
0x68: {  	v0 =	vadd.f32 v0, v59;
	v59 =	vmul.f32 v62, v35;
	v62 =	vld [tilespmem:$0x1FB20];
	_ =	sdelay $0x4  }
0x69: {  	v35 =	vld.idx.msk [tilespmem:v61+s2+$0x0], $0xffff;
	v61 =	vor.u32 v25, v2;
	_ =	sdelay $0x1  }
0x6a: {  	v63 =	vor.u32 v23, v2;
	v0 =	vadd.f32 v59, v0;
	v59 =	vmul.f32 v37, v36  }
0x6b: {  	v60 =	vor.u32 v24, v2;
	v36 =	vld.idx.msk [tilespmem:v62+s2+$0x0], $0xffff  }
0x6c: {  	v0 =	vadd.f32 v59, v0  }
0x6d: {  	v59 =	vmul.f32 v40, v33;
	[tilespmem:$0x1FB40] =	vst v35;
	v33 =	vld.idx.msk [tilespmem:v61+s14+$0x0], $0xffff;
	v61 =	vor.u32 v27, v1  }
0x6e: {  	[tilespmem:$0x1FB70] =	vst v61;
	v61 =	vld [tilespmem:$0x1FB40]  }
0x6f: {  	v35 =	vld.idx.msk [tilespmem:v63+s14+$0x0], $0xffff;
	v63 =	vor.u32 v25, v1  }
0x70: {  	[tilespmem:$0x1FB50] =	vst v36;
	v36 =	vld.idx.msk [tilespmem:v60+s14+$0x0], $0xffff;
	v60 =	vor.u32 v26, v1  }
0x71: {  	v62 =	vor.u32 v26, v2;
	[tilespmem:$0x1FB60] =	vst v60;
	v60 =	vld [tilespmem:$0x1FB30];
	_ =	sdelay $0x1  }
0x72: {  	v0 =	vadd.f32 v59, v0;
	v37 =	vmul.f32 v61, v34  }
0x73: {  	v61 =	vld.idx.msk [tilespmem:v63+s2+$0x0], $0xffff  }
0x74: {  	v0 =	vadd.f32 v37, v0;
	v37 =	vld [tilespmem:$0x1FB60]  }
0x75: {  	v34 =	vld.idx.msk [tilespmem:v62+s14+$0x0], $0xffff  }
0x76: {  	v62 =	vld [tilespmem:$0x1FB50];
	_ =	sdelay $0x1  }
0x77: {  	[tilespmem:$0x1FB80] =	vst v61;
	v61 =	vor.u32 v28, v2;
	v40 =	vld.idx.msk [tilespmem:v60+s2+$0x0], $0xffff;
	_ =	sdelay $0x2  }
0x78: {  	v59 =	vmul.f32 v62, v35  }
0x79: {  	v60 =	vor.u32 v27, v2;
	v35 =	vld.idx.msk [tilespmem:v37+s2+$0x0], $0xffff  }
0x7a: {  	v0 =	vadd.f32 v59, v0;
	v59 =	vmul.f32 v40, v36;
	v36 =	vld.idx.msk [tilespmem:v61+s14+$0x0], $0xffff;
	v61 =	vor.u32 v30, v1  }
0x7b: {  	[tilespmem:$0x1FBB0] =	vst v61;
	v61 =	vld [tilespmem:$0x1FB80];
	_ =	sdelay $0x2  }
0x7c: {  	[tilespmem:$0x1FB90] =	vst v35;
	v35 =	vld.idx.msk [tilespmem:v60+s14+$0x0], $0xffff;
	v60 =	vor.u32 v29, v1  }
0x7d: {  	v62 =	vor.u32 v29, v2;
	[tilespmem:$0x1FBA0] =	vst v60;
	v60 =	vld [tilespmem:$0x1FB70]  }
0x7e: {  	v0 =	vadd.f32 v59, v0;
	v37 =	vmul.f32 v61, v33  }
0x7f: {  	v63 =	vor.u32 v28, v1  }
0x80: {  	v0 =	vadd.f32 v37, v0;
	v37 =	vld [tilespmem:$0x1FBA0];
	_ =	sdelay $0x1  }
0x81: {  	v33 =	vld.idx.msk [tilespmem:v62+s14+$0x0], $0xffff  }
0x82: {  	v62 =	vld [tilespmem:$0x1FB90]  }
0x83: {  	v61 =	vld.idx.msk [tilespmem:v63+s2+$0x0], $0xffff  }
0x84: {  	v40 =	vld.idx.msk [tilespmem:v60+s2+$0x0], $0xffff;
	_ =	sdelay $0x2  }
0x85: {  	v60 =	vor.u32 v30, v2;
	v59 =	vmul.f32 v62, v34;
	v34 =	vld.idx.msk [tilespmem:v37+s2+$0x0], $0xffff;
	_ =	sdelay $0x1  }
0x86: {  	[tilespmem:$0x1FBC0] =	vst v61;
	v61 =	vor.u32 v31, v2;
	v0 =	vadd.f32 v59, v0;
	v59 =	vmul.f32 v40, v35  }
0x87: {  	v63 =	vor.u32 v31, v1  }
0x88: {  	v0 =	vadd.f32 v59, v0;
	v59 =	vld [tilespmem:$0x1FBC0]  }
0x89: {  	[tilespmem:$0x1FBD0] =	vst v34;
	v34 =	vld.idx.msk [tilespmem:v60+s14+$0x0], $0xffff;
	v60 =	vor.u32 v9, v1  }
0x8a: {  	v62 =	vor.u32 v9, v2;
	[tilespmem:$0x1FBE0] =	vst v60;
	v60 =	vld [tilespmem:$0x1FBB0]  }
0x8b: {  	v35 =	vld.idx.msk [tilespmem:v61+s14+$0x0], $0xffff;
	v61 =	vor.u32 v18, v1  }
0x8c: {  	[tilespmem:$0x1FBF0] =	vst v61;
	v61 =	vld.idx.msk [tilespmem:v63+s2+$0x0], $0xffff  }
0x8d: {  	v37 =	vld [tilespmem:$0x1FBE0];
	_ =	sdelay $0x1  }
0x8e: {  	v59 =	vmul.f32 v59, v36;
	v36 =	vld.idx.msk [tilespmem:v62+s14+$0x0], $0xffff  }
0x8f: {  	v62 =	vld [tilespmem:$0x1FBD0];
	_ =	sdelay $0x1  }
0x90: {  	[tilespmem:$0x1FC00] =	vst v61;
	v61 =	vor.u32 v17, v2;
	v40 =	vld.idx.msk [tilespmem:v60+s2+$0x0], $0xffff;
	_ =	sdelay $0x2  }
0x91: {  	v0 =	vadd.f32 v59, v0;
	v59 =	vmul.f32 v62, v33;
	v60 =	vor.u32 v18, v2;
	v33 =	vld.idx.msk [tilespmem:v37+s2+$0x0], $0xffff;
	_ =	sdelay $0x1  }
0x92: {  	v0 =	vadd.f32 v59, v0;
	v59 =	vmul.f32 v40, v34;
	v34 =	vld.idx.msk [tilespmem:v61+s14+$0x0], $0xffff;
	v61 =	vor.u32 v22, v1  }
0x93: {  	v62 =	vor.u32 v20, v2;
	[tilespmem:$0x1FC30] =	vst v61;
	v61 =	vld [tilespmem:$0x1FC00];
	_ =	sdelay $0x1  }
0x94: {  	[tilespmem:$0x1FC10] =	vst v33;
	v33 =	vld.idx.msk [tilespmem:v60+s14+$0x0], $0xffff;
	v60 =	vor.u32 v20, v1  }
0x95: {  	[tilespmem:$0x1FC20] =	vst v60;
	v60 =	vld [tilespmem:$0x1FBF0];
	_ =	sdelay $0x1  }
0x96: {  	v63 =	vor.u32 v17, v1;
	v0 =	vadd.f32 v59, v0;
	v59 =	vmul.f32 v61, v35;
	v35 =	vld.idx.msk [tilespmem:v62+s14+$0x0], $0xffff  }
0x97: {  	v62 =	vld [tilespmem:$0x1FC20];
	_ =	sdelay $0x2  }
0x98: {  	v0 =	vadd.f32 v59, v0;
	v59 =	vld [tilespmem:$0x1FC10]  }
0x99: {  	v37 =	vld.idx.msk [tilespmem:v63+s2+$0x0], $0xffff  }
0x9a: {  	v61 =	vor.u32 v39, v2;
	v40 =	vld.idx.msk [tilespmem:v60+s2+$0x0], $0xffff;
	_ =	sdelay $0x2  }
0x9b: {  	v60 =	vor.u32 v22, v2;
	v59 =	vmul.f32 v59, v36;
	v36 =	vld.idx.msk [tilespmem:v62+s2+$0x0], $0xffff  }
0x9c: {  	[tilespmem:$0x1FC40] =	vst v37  }
0x9d: {  	v0 =	vadd.f32 v59, v0;
	v59 =	vmul.f32 v40, v33;
	v33 =	vld.idx.msk [tilespmem:v61+s14+$0x0], $0xffff;
	v61 =	vor.u32 v43, v1  }
0x9e: {  	[tilespmem:$0x1FC70] =	vst v61;
	v61 =	vld [tilespmem:$0x1FC40]  }
0x9f: {  	v63 =	vor.u32 v39, v1  }
0xa0: {  	[tilespmem:$0x1FC50] =	vst v36;
	v36 =	vld.idx.msk [tilespmem:v60+s14+$0x0], $0xffff;
	v60 =	vor.u32 v42, v1  }
0xa1: {  	v62 =	vor.u32 v42, v2;
	[tilespmem:$0x1FC60] =	vst v60;
	v60 =	vld [tilespmem:$0x1FC30];
	_ =	sdelay $0x1  }
0xa2: {  	v0 =	vadd.f32 v59, v0;
	v37 =	vmul.f32 v61, v34  }
0xa3: {  	v61 =	vld.idx.msk [tilespmem:v63+s2+$0x0], $0xffff  }
0xa4: {  	v0 =	vadd.f32 v37, v0;
	v37 =	vld [tilespmem:$0x1FC60]  }
0xa5: {  	v34 =	vld.idx.msk [tilespmem:v62+s14+$0x0], $0xffff  }
0xa6: {  	v62 =	vld [tilespmem:$0x1FC50];
	_ =	sdelay $0x1  }
0xa7: {  	[tilespmem:$0x1FC80] =	vst v61;
	v61 =	vor.u32 v44, v2;
	v40 =	vld.idx.msk [tilespmem:v60+s2+$0x0], $0xffff;
	_ =	sdelay $0x2  }
0xa8: {  	v59 =	vmul.f32 v62, v35  }
0xa9: {  	v60 =	vor.u32 v43, v2;
	v35 =	vld.idx.msk [tilespmem:v37+s2+$0x0], $0xffff  }
0xaa: {  	v0 =	vadd.f32 v59, v0;
	v59 =	vmul.f32 v40, v36;
	v36 =	vld.idx.msk [tilespmem:v61+s14+$0x0], $0xffff;
	v61 =	vor.u32 v50, v1  }
0xab: {  	v62 =	vor.u32 v45, v2;
	[tilespmem:$0x1FCB0] =	vst v61;
	v61 =	vld [tilespmem:$0x1FC80];
	_ =	sdelay $0x3  }
0xac: {  	[tilespmem:$0x1FC90] =	vst v35;
	v35 =	vld.idx.msk [tilespmem:v60+s14+$0x0], $0xffff  }
0xad: {  	v37 =	vmul.f32 v61, v33;
	v33 =	vld.idx.msk [tilespmem:v62+s14+$0x0], $0xffff  }
0xae: {  	v63 =	vor.u32 v44, v1;
	v60 =	vor.u32 v45, v1;
	v62 =	vld [tilespmem:$0x1FC90]  }
0xaf: {  	[tilespmem:$0x1FCA0] =	vst v60;
	v60 =	vld [tilespmem:$0x1FC70];
	_ =	sdelay $0x2  }
0xb0: {  	v0 =	vadd.f32 v59, v0  }
0xb1: {  	v61 =	vld.idx.msk [tilespmem:v63+s2+$0x0], $0xffff;
	v59 =	vmul.f32 v62, v34;
	v62 =	vor.u32 v21, v2;
	v21 =	vor.u32 v21, v1  }
0xb2: {  	[tilespmem:$0x1FCD0] =	vst v21;
	v21 =	vld [tilespmem:$0x1FCB0];
	_ =	sdelay $0x2  }
0xb3: {  	v40 =	vld.idx.msk [tilespmem:v60+s2+$0x0], $0xffff  }
0xb4: {  	v0 =	vadd.f32 v37, v0;
	v37 =	vld [tilespmem:$0x1FCA0];
	[tilespmem:$0x1FCC0] =	vst v61;
	v61 =	vor.u32 v53, v2;
	_ =	sdelay $0x3  }
0xb5: {  	v0 =	vadd.f32 v59, v0;
	v59 =	vmul.f32 v40, v35;
	v35 =	vld.idx.msk [tilespmem:v21+s2+$0x0], $0xffff  }
0xb6: {  	v21 =	vld.idx.msk [tilespmem:v61+s14+$0x0], $0xffff  }
0xb7: {  	v60 =	vor.u32 v50, v2;
	v61 =	vld [tilespmem:$0x1FCC0];
	_ =	sdelay $0x1  }
0xb8: {  	v37 =	vld.idx.msk [tilespmem:v37+s2+$0x0], $0xffff;
	_ =	sdelay $0x2  }
0xb9: {  	v63 =	vor.u32 v53, v1;
	v34 =	vld.idx.msk [tilespmem:v60+s14+$0x0], $0xffff;
	v0 =	vadd.f32 v59, v0;
	v59 =	vmul.f32 v61, v36  }
0xba: {  	v60 =	vor.u32 v32, v2;
	v40 =	vor.u32 v32, v1;
	v32 =	vmov v9;
	v9 =	vld [tilespmem:$0x1FEC0]  }
0xbb: {  	v0 =	vadd.f32 v59, v0;
	v59 =	vmul.f32 v37, v33;
	v37 =	vld [tilespmem:$0x1FCD0];
	_ =	sdelay $0x2  }
0xbc: {  	[tilespmem:$0x1FCE0] =	vst v40;
	v40 =	vld.idx.msk [tilespmem:v63+s2+$0x0], $0xffff  }
0xbd: {  	v36 =	vld.idx.msk [tilespmem:v62+s14+$0x0], $0xffff  }
0xbe: {  	v63 =	vor.u32 v9, v1;
	v61 =	vor.u32 v9, v2;
	v9 =	vld.idx.msk [tilespmem:v60+s14+$0x0], $0xffff  }
0xbf: {  	v33 =	vld [tilespmem:$0x1FED0]  }
0xc0: {  	v60 =	vld [tilespmem:$0x1FCE0]  }
0xc1: {  	v0 =	vadd.f32 v59, v0;
	v59 =	vmul.f32 v35, v34;
	v37 =	vld.idx.msk [tilespmem:v37+s2+$0x0], $0xffff;
	_ =	sdelay $0x1  }
0xc2: {  	v0 =	vadd.f32 v59, v0  }
0xc3: {  	v59 =	vmul.f32 v40, v21;
	v62 =	vor.u32 v33, v2;
	v33 =	vor.u32 v33, v1  }
0xc4: {  	v34 =	vld [tilespmem:$0x1FEE0];
	[tilespmem:$0x1FCF0] =	vst v33  }
0xc5: {  	v0 =	vadd.f32 v59, v0;
	v59 =	vmul.f32 v37, v36;
	v37 =	vld [tilespmem:$0x1FCF0];
	_ =	sdelay $0x1  }
0xc6: {  	v33 =	vld.idx.msk [tilespmem:v60+s2+$0x0], $0xffff;
	_ =	sdelay $0x1  }
0xc7: {  	v35 =	vld [tilespmem:$0x1FEF0]  }
0xc8: {  	v40 =	vld.idx.msk [tilespmem:v63+s2+$0x0], $0xffff;
	v60 =	vor.u32 v34, v2  }
0xc9: {  	v21 =	vld.idx.msk [tilespmem:v62+s14+$0x0], $0xffff  }
0xca: {  	v34 =	vor.u32 v34, v1;
	[tilespmem:$0x1FD00] =	vst v33;
	v33 =	vld.idx.msk [tilespmem:v61+s14+$0x0], $0xffff  }
0xcb: {  	[tilespmem:$0x1FD10] =	vst v34;
	v36 =	vld.idx.msk [tilespmem:v37+s2+$0x0], $0xffff  }
0xcc: {  	v37 =	vld [tilespmem:$0x1FD10]  }
0xcd: {  	v34 =	vld.idx.msk [tilespmem:v60+s14+$0x0], $0xffff  }
0xce: {  	v62 =	vor.u32 v54, v2;
	v60 =	vld [tilespmem:$0x1FD00];
	_ =	sdelay $0x1  }
0xcf: {  	v61 =	vor.u32 v35, v2  }
0xd0: {  	v63 =	vor.u32 v35, v1  }
0xd1: {  	v54 =	vor.u32 v54, v1;
	v0 =	vadd.f32 v59, v0  }
0xd2: {  	v40 =	vmul.f32 v40, v33;
	v33 =	vld.idx.msk [tilespmem:v62+s14+$0x0], $0xffff;
	v59 =	vmul.f32 v60, v9;
	v60 =	vor.u32 v57, v2  }
0xd3: {  	v57 =	vor.u32 v57, v1;
	v35 =	vld.idx.msk [tilespmem:v37+s2+$0x0], $0xffff  }
0xd4: {  	v9 =	vld.idx.msk [tilespmem:v61+s14+$0x0], $0xffff;
	v61 =	vor.u32 v38, v2;
	v0 =	vadd.f32 v59, v0  }
0xd5: {  	v37 =	vld.idx.msk [tilespmem:v63+s2+$0x0], $0xffff;
	v63 =	vor.u32 v38, v1  }
0xd6: {  	v62 =	vor.u32 v41, v2;
	v0 =	vadd.f32 v40, v0;
	v40 =	vmul.f32 v36, v21;
	v36 =	vld.idx.msk [tilespmem:v54+s2+$0x0], $0xffff  }
0xd7: {  	v21 =	vld.idx.msk [tilespmem:v60+s14+$0x0], $0xffff;
	v38 =	vor.u32 v41, v1  }
0xd8: {  	v60 =	vor.u32 v47, v2;
	v0 =	vadd.f32 v40, v0;
	v54 =	vmul.f32 v35, v34;
	v35 =	vld.idx.msk [tilespmem:v57+s2+$0x0], $0xffff  }
0xd9: {  	v40 =	vor.u32 v47, v1;
	v34 =	vld.idx.msk [tilespmem:v61+s14+$0x0], $0xffff  }
0xda: {  	v61 =	vor.u32 v55, v2;
	v0 =	vadd.f32 v54, v0;
	v54 =	vmul.f32 v37, v9;
	v37 =	vld.idx.msk [tilespmem:v63+s2+$0x0], $0xffff  }
0xdb: {  	v9 =	vld.idx.msk [tilespmem:v62+s14+$0x0], $0xffff;
	v63 =	vor.u32 v55, v1  }
0xdc: {  	v62 =	vor.u32 v6, v2;
	v0 =	vadd.f32 v54, v0;
	v54 =	vmul.f32 v36, v33;
	v36 =	vld.idx.msk [tilespmem:v38+s2+$0x0], $0xffff  }
0xdd: {  	v33 =	vld.idx.msk [tilespmem:v60+s14+$0x0], $0xffff;
	v38 =	vor.u32 v6, v1  }
0xde: {  	v60 =	vor.u32 v11, v2;
	v0 =	vadd.f32 v54, v0;
	v54 =	vmul.f32 v35, v21;
	v35 =	vld.idx.msk [tilespmem:v40+s2+$0x0], $0xffff  }
0xdf: {  	v21 =	vld.idx.msk [tilespmem:v61+s14+$0x0], $0xffff;
	v61 =	vor.u32 v5, v2  }
0xe0: {  	v40 =	vor.u32 v11, v1;
	v37 =	vmul.f32 v37, v34;
	v34 =	vld.idx.msk [tilespmem:v63+s2+$0x0], $0xffff  }
0xe1: {  	v11 =	vld.idx.msk [tilespmem:v62+s14+$0x0], $0xffff;
	v62 =	vor.u32 v10, v2;
	v0 =	vadd.f32 v54, v0  }
0xe2: {  	v63 =	vor.u32 v5, v1;
	v54 =	vmul.f32 v36, v9;
	v36 =	vld.idx.msk [tilespmem:v38+s2+$0x0], $0xffff  }
0xe3: {  	v9 =	vld.idx.msk [tilespmem:v60+s14+$0x0], $0xffff;
	v0 =	vadd.f32 v37, v0;
	v37 =	vor.u32 v10, v1  }
0xe4: {  	v10 =	vld.idx.msk [tilespmem:v61+s14+$0x0], $0xffff  }
0xe5: {  	v0 =	vadd.f32 v54, v0;
	v54 =	vmul.f32 v35, v33;
	v33 =	vld.idx.msk [tilespmem:v40+s2+$0x0], $0xffff  }
0xe6: {  	v38 =	vor.u32 v4, v1;
	v40 =	vor.u32 v4, v2;
	v4 =	vld.idx.msk [tilespmem:v62+s14+$0x0], $0xffff  }
0xe7: {  	v0 =	vadd.f32 v54, v0;
	v54 =	vmul.f32 v34, v21;
	v34 =	vld.idx.msk [tilespmem:v63+s2+$0x0], $0xffff  }
0xe8: {  	v35 =	vld.idx.msk [tilespmem:v37+s2+$0x0], $0xffff  }
0xe9: {  	v36 =	vmul.f32 v36, v11;
	v0 =	vadd.f32 v54, v0;
	_ =	sdelay $0x1  }
0xea: {  	v21 =	vld.idx.msk [tilespmem:v40+s14+$0x0], $0xffff;
	v40 =	vmul.f32 v33, v9;
	v0 =	vadd.f32 v36, v0;
	_ =	sdelay $0x1  }
0xeb: {  	v9 =	vld.idx.msk [tilespmem:v38+s2+$0x0], $0xffff;
	v38 =	vmul.f32 v34, v10;
	v0 =	vadd.f32 v40, v0;
	v40 =	vmul.f32 v35, v4;
	_ =	sdelay $0x1  }
0xec: {  	v0 =	vadd.f32 v38, v0  }
0xed: {  	v4 =	vld [tilespmem:$0x1FDE0]  }
0xee: {  	v0 =	vadd.f32 v40, v0;
	v40 =	vmov v6;
	v6 =	vld [tilespmem:$0x1FDD0];
	_ =	sdelay $0x1  }
0xef: {  	v61 =	vor.u32 v58, v2  }
0xf0: {  	v63 =	vor.u32 v58, v1  }
0xf1: {  	v62 =	vor.u32 v8, v2  }
0xf2: {  	v59 =	vmul.f32 v9, v21;
	v9 =	vsel vm0, v4, v6;
	v4 =	vld [tilespmem:$0x1FDC0]  }
0xf3: {  	v37 =	vmov v5;
	v5 =	vld [tilespmem:$0x1FD40]  }
0xf4: {  	v11 =	vld.idx.msk [tilespmem:v61+s14+$0x0], $0xffff  }
0xf5: {  	v8 =	vor.u32 v8, v1;
	v34 =	vld.idx.msk [tilespmem:v63+s2+$0x0], $0xffff  }
0xf6: {  	v10 =	vld.idx.msk [tilespmem:v62+s14+$0x0], $0xffff;
	v62 =	vor.u32 v14, v2  }
0xf7: {  	v54 =	vor.u32 v56, v2;
	v36 =	vor.u32 v56, v1;
	v56 =	vcombine.low v4, v9;
	v4 =	vld [tilespmem:$0x1FD30];
	_ =	sdelay $0x1  }
0xf8: {  	v61 =	vor.u32 v7, v2  }
0xf9: {  	v60 =	vor.u32 v12, v2;
	v33 =	vld.idx.msk [tilespmem:v8+s2+$0x0], $0xffff  }
0xfa: {  	v34 =	vmul.f32 v34, v11;
	v11 =	vld.idx.msk [tilespmem:v62+s14+$0x0], $0xffff  }
0xfb: {  	v62 =	vsel vm0, v5, v4;
	v4 =	vld [tilespmem:$0x1FD80]  }
0xfc: {  	v0 =	vadd.f32 v59, v0  }
0xfd: {  	v21 =	vld.idx.msk [tilespmem:v61+s14+$0x0], $0xffff  }
0xfe: {  	v61 =	vmul.f32 v33, v10;
	v10 =	vld.idx.msk [tilespmem:v60+s14+$0x0], $0xffff;
	v0 =	vadd.f32 v34, v0  }
0xff: {  	v5 =	vld [tilespmem:$0x1FD60]  }
0x100: {  	v60 =	vadd.f32 v61, v0;
	v61 =	vcombine.low v62, v4;
	v4 =	vld [tilespmem:$0x1FD50];
	_ =	sdelay $0x3  }
0x101: {  	v63 =	vor.u32 v7, v1;
	v7 =	vld [tilespmem:$0x1FF00]  }
0x102: {  	v62 =	vsel vm0, v5, v4;
	v4 =	vld [tilespmem:$0x1FD90];
	_ =	sdelay $0x1  }
0x103: {  	v8 =	vld.idx.msk [tilespmem:v54+s14+$0x0], $0xffff  }
0x104: {  	v54 =	vor.u32 v14, v1;
	v14 =	vld.idx.msk [tilespmem:v36+s2+$0x0], $0xffff  }
0x105: {  	v36 =	vld.idx.msk [tilespmem:v63+s2+$0x0], $0xffff;
	v63 =	vor.u32 v7, v2  }
0x106: {  	v62 =	vcombine.low v62, v4;
	v4 =	vld [tilespmem:$0x1FDB0];
	_ =	sdelay $0x3  }
0x107: {  	v0 =	vmul.f32 v14, v8;
	v14 =	vld.idx.msk [tilespmem:v63+s14+$0x0], $0xffff  }
0x108: {  	v63 =	vsel vm0, v6, v4;
	v4 =	vld [tilespmem:$0x1FDF0];
	_ =	sdelay $0x1  }
0x109: {  	v33 =	vld.idx.msk [tilespmem:v54+s2+$0x0], $0xffff  }
0x10a: {  	v8 =	vld [tilespmem:$0x1FF10]  }
0x10b: {  	v5 =	vld [tilespmem:$0x1FD70]  }
0x10c: {  	v63 =	vcombine.low v63, v4;
	v4 =	vld [tilespmem:$0x1FDA0];
	_ =	sdelay $0x1  }
0x10d: {  	v0 =	vadd.f32 v0, v60;
	v60 =	vmul.f32 v36, v21  }
0x10e: {  	v35 =	vor.u32 v12, v1  }
0x10f: {  	v38 =	vor.u32 v7, v1;
	v0 =	vadd.f32 v60, v0  }
0x110: {  	v60 =	vmul.f32 v33, v11;
	v54 =	vor.u32 v8, v1;
	v33 =	vsel vm0, v4, v5;
	v4 =	vld [tilespmem:$0x1FE00];
	_ =	sdelay $0x1  }
0x111: {  	v57 =	vor.u32 v56, v2  }
0x112: {  	v35 =	vld.idx.msk [tilespmem:v35+s2+$0x0], $0xffff;
	v34 =	vor.u32 v56, v1;
	v0 =	vadd.f32 v60, v0  }
0x113: {  	v21 =	vld.idx.msk [tilespmem:v38+s2+$0x0], $0xffff  }
0x114: {  	[tilespmem:$0x1FD20] =	vst v0;
	v60 =	vcombine.low v33, v4;
	v33 =	vld.idx.msk [tilespmem:v54+s2+$0x0], $0xffff  }
0x115: {  	v54 =	vld [tilespmem:$0x1FD20]  }
0x116: {  	v6 =	vld.idx.msk [tilespmem:v57+s14+$0x0], $0xffff;
	v57 =	vor.u32 v62, v2  }
0x117: {  	v59 =	vor.u32 v8, v2;
	v11 =	vld.idx.msk [tilespmem:v34+s2+$0x0], $0xffff  }
0x118: {  	v0 =	vmul.f32 v35, v10;
	v38 =	vor.u32 v61, v2;
	_ =	sdelay $0x1  }
0x119: {  	v36 =	vor.u32 v61, v1;
	v54 =	vadd.f32 v0, v54;
	v0 =	vmul.f32 v21, v14  }
0x11a: {  	v10 =	vld.idx.msk [tilespmem:v57+s14+$0x0], $0xffff  }
0x11b: {  	v34 =	vor.u32 v62, v1;
	v5 =	vld.idx.msk [tilespmem:v59+s14+$0x0], $0xffff;
	v21 =	vadd.f32 v0, v54;
	v0 =	vmul.f32 v11, v6  }
0x11c: {  	v59 =	vor.u32 v63, v2;
	v4 =	vld.idx.msk [tilespmem:v38+s14+$0x0], $0xffff  }
0x11d: {  	v35 =	vor.u32 v63, v1;
	v57 =	vadd.f32 v0, v21;
	v0 =	vld [tilespmem:$0x1FE10]  }
0x11e: {  	v38 =	vor.u32 v60, v2;
	v14 =	vld.idx.msk [tilespmem:v36+s2+$0x0], $0xffff  }
0x11f: {  	v36 =	vor.u32 v60, v1  }
0x120: {  	v33 =	vmul.f32 v33, v5;
	v11 =	vld.idx.msk [tilespmem:v34+s2+$0x0], $0xffff;
	v54 =	vor.u32 v13, v2  }
0x121: {  	v6 =	vld.idx.msk [tilespmem:v59+s14+$0x0], $0xffff;
	v34 =	vor.u32 v13, v1  }
0x122: {  	v21 =	vld.idx.msk [tilespmem:v35+s2+$0x0], $0xffff;
	v35 =	vadd.f32 v33, v57;
	v33 =	vor.u32 v52, v1;
	v0 =	vcombine.low v9, v0  }
0x123: {  	v5 =	vld.idx.msk [tilespmem:v38+s14+$0x0], $0xffff;
	v57 =	vmul.f32 v14, v4;
	v9 =	vor.u32 v52, v2  }
0x124: {  	v14 =	vld.idx.msk [tilespmem:v36+s2+$0x0], $0xffff;
	v38 =	vor.u32 v0, v2  }
0x125: {  	v4 =	vld.idx.msk [tilespmem:v54+s14+$0x0], $0xffff;
	v11 =	vmul.f32 v11, v10;
	v59 =	vadd.f32 v57, v35;
	v35 =	vor.u32 v0, v1  }
0x126: {  	v10 =	vld.idx.msk [tilespmem:v34+s2+$0x0], $0xffff;
	v34 =	vor.u32 v51, v2  }
0x127: {  	v36 =	vor.u32 v51, v1;
	v57 =	vmul.f32 v21, v6;
	v54 =	vadd.f32 v11, v59;
	v11 =	vld.idx.msk [tilespmem:v33+s2+$0x0], $0xffff  }
0x128: {  	v21 =	vor.u32 v49, v2;
	v9 =	vld.idx.msk [tilespmem:v9+s14+$0x0], $0xffff  }
0x129: {  	v33 =	vor.u32 v49, v1;
	v5 =	vmul.f32 v14, v5;
	v54 =	vadd.f32 v57, v54;
	v6 =	vld.idx.msk [tilespmem:v38+s14+$0x0], $0xffff  }
0x12a: {  	v14 =	vld.idx.msk [tilespmem:v35+s2+$0x0], $0xffff;
	v35 =	vor.u32 v48, v2  }
0x12b: {  	v57 =	vmul.f32 v10, v4;
	v38 =	vadd.f32 v5, v54;
	v5 =	vld.idx.msk [tilespmem:v34+s14+$0x0], $0xffff;
	v34 =	vor.u32 v48, v1  }
0x12c: {  	v4 =	vld.idx.msk [tilespmem:v36+s2+$0x0], $0xffff;
	v10 =	vor.u32 v46, v2  }
0x12d: {  	v59 =	vadd.f32 v57, v38;
	v38 =	vld.idx.msk [tilespmem:v21+s14+$0x0], $0xffff;
	v21 =	vor.u32 v46, v1;
	v2 =	vmul.f32 v11, v9  }
0x12e: {  	v54 =	vld.idx.msk [tilespmem:v33+s2+$0x0], $0xffff  }
0x12f: {  	v2 =	vadd.f32 v2, v59;
	v1 =	vmul.f32 v14, v6;
	v57 =	vld.idx.msk [tilespmem:v35+s14+$0x0], $0xffff  }
0x130: {  	v59 =	vld.idx.msk [tilespmem:v34+s2+$0x0], $0xffff  }
0x131: {  	v1 =	vadd.f32 v1, v2;
	v2 =	vmul.f32 v4, v5;
	v4 =	vld.idx.msk [tilespmem:v10+s14+$0x0], $0xffff  }
0x132: {  	v5 =	vld.idx.msk [tilespmem:v21+s2+$0x0], $0xffff  }
0x133: {  	v1 =	vadd.f32 v2, v1;
	v2 =	vmul.f32 v54, v38;
	_ =	sdelay $0x1  }
0x134: {  	v1 =	vadd.f32 v2, v1;
	v2 =	vmul.f32 v59, v57;
	_ =	sdelay $0x1  }
0x135: {  	v1 =	vadd.f32 v2, v1;
	v2 =	vmul.f32 v5, v4;
	_ =	sdelay $0x1  }
0x136: {  	v33 =	vmov v18;
	v18 =	vld [tilespmem:$0x1FFB0];
	v1 =	vadd.f32 v2, v1  }
0x137: {  	v36 =	vmov v22;
	v22 =	vmov v15;
	v35 =	vmov v20;
	v20 =	vld [tilespmem:$0x1FF80]  }
0x138: {  	s26 =	sadd.s32 $0x10, s19;
	s25 =	sshll.u32 s23, $0x1;
	v34 =	vmovc v17;
	v21 =	vmovc v19;
	v19 =	vld [tilespmem:$0x1FF70];
	v38 =	vmov v8;
	v4 =	vmov v47;
	v5 =	vmov v41;
	[tilespmem:s22+$0x0] =	vst v1  }
0x139: {  	s28 =	simm.s32 $0x10;
	s29 =	simm.s32 $0x20;
	s24 =	smov.u32 s22;
	v59 =	vmovc v13;
	v47 =	vmovc v12;
	v41 =	vmov v7;
	v57 =	vmov v5;
	v54 =	vmov v4;
	v2 =	vld [tilespmem:s26+$0x0]  }
.LBB2_3:
0x13a: {  	_ = 	snop  }
0x13b: {  	v1 =	vmov s28  }
0x13c: {  	v1 =	vshll.u32 v1, $0x6  }
0x13d: {  	v1 =	vor.u32 v3, v1  }
0x13e: {  	v17 =	vmov v3;
	v3 =	vor.u32 v16, v1;
	v2 =	vshll.u32 v2, $0x6  }
0x13f: {  	v4 =	vor.u32 v16, v2  }
0x140: {  	v5 =	vor.u32 v18, v1  }
0x141: {  	v6 =	vor.u32 v18, v2  }
0x142: {  	v7 =	vor.u32 v19, v1  }
0x143: {  	v8 =	vor.u32 v19, v2;
	v3 =	vld.idx.msk [tilespmem:v3+s14+$0x0], $0xffff  }
0x144: {  	v9 =	vor.u32 v20, v1;
	v4 =	vld.idx.msk [tilespmem:v4+s2+$0x0], $0xffff  }
0x145: {  	v10 =	vor.u32 v20, v2;
	v5 =	vld.idx.msk [tilespmem:v5+s14+$0x0], $0xffff  }
0x146: {  	v11 =	vor.u32 v21, v1;
	v6 =	vld.idx.msk [tilespmem:v6+s2+$0x0], $0xffff  }
0x147: {  	v12 =	vor.u32 v21, v2;
	v7 =	vld.idx.msk [tilespmem:v7+s14+$0x0], $0xffff  }
0x148: {  	v13 =	vor.u32 v22, v1;
	v8 =	vld.idx.msk [tilespmem:v8+s2+$0x0], $0xffff  }
0x149: {  	v14 =	vor.u32 v22, v2;
	v9 =	vld.idx.msk [tilespmem:v9+s14+$0x0], $0xffff;
	v3 =	vmul.f32 v4, v3  }
0x14a: {  	v4 =	vld.idx.msk [tilespmem:v10+s2+$0x0], $0xffff;
	v10 =	vor.u32 v23, v1  }
0x14b: {  	v15 =	vor.u32 v23, v2;
	v11 =	vld.idx.msk [tilespmem:v11+s14+$0x0], $0xffff;
	v5 =	vmul.f32 v6, v5;
	v3 =	vadd.f32 $0.0e+00, v3  }
0x14c: {  	v6 =	vld.idx.msk [tilespmem:v12+s2+$0x0], $0xffff;
	v12 =	vor.u32 v24, v1  }
0x14d: {  	v16 =	vor.u32 v24, v2;
	v13 =	vld.idx.msk [tilespmem:v13+s14+$0x0], $0xffff;
	v3 =	vadd.f32 v5, v3;
	v5 =	vmul.f32 v8, v7  }
0x14e: {  	v7 =	vld.idx.msk [tilespmem:v14+s2+$0x0], $0xffff;
	v8 =	vor.u32 v25, v1  }
0x14f: {  	v14 =	vor.u32 v25, v2;
	v10 =	vld.idx.msk [tilespmem:v10+s14+$0x0], $0xffff;
	v4 =	vmul.f32 v4, v9;
	v3 =	vadd.f32 v5, v3  }
0x150: {  	v9 =	vor.u32 v26, v1;
	v5 =	vld.idx.msk [tilespmem:v15+s2+$0x0], $0xffff  }
0x151: {  	v12 =	vld.idx.msk [tilespmem:v12+s14+$0x0], $0xffff;
	v15 =	vor.u32 v26, v2;
	v3 =	vadd.f32 v4, v3;
	v4 =	vmul.f32 v6, v11  }
0x152: {  	v6 =	vld.idx.msk [tilespmem:v16+s2+$0x0], $0xffff;
	v11 =	vor.u32 v27, v1  }
0x153: {  	v16 =	vor.u32 v27, v2;
	v8 =	vld.idx.msk [tilespmem:v8+s14+$0x0], $0xffff;
	v3 =	vadd.f32 v4, v3;
	v4 =	vmul.f32 v7, v13  }
0x154: {  	v7 =	vld.idx.msk [tilespmem:v14+s2+$0x0], $0xffff;
	v13 =	vor.u32 v28, v1  }
0x155: {  	v9 =	vld.idx.msk [tilespmem:v9+s14+$0x0], $0xffff;
	v14 =	vor.u32 v28, v2;
	v3 =	vadd.f32 v4, v3;
	v4 =	vmul.f32 v5, v10  }
0x156: {  	v5 =	vld.idx.msk [tilespmem:v15+s2+$0x0], $0xffff;
	v10 =	vor.u32 v29, v1  }
0x157: {  	v15 =	vor.u32 v29, v2;
	v11 =	vld.idx.msk [tilespmem:v11+s14+$0x0], $0xffff;
	v3 =	vadd.f32 v4, v3;
	v4 =	vmul.f32 v6, v12  }
0x158: {  	v6 =	vld.idx.msk [tilespmem:v16+s2+$0x0], $0xffff;
	v12 =	vor.u32 v30, v1  }
0x159: {  	v16 =	vor.u32 v30, v2;
	v13 =	vld.idx.msk [tilespmem:v13+s14+$0x0], $0xffff;
	v3 =	vadd.f32 v4, v3;
	v4 =	vmul.f32 v7, v8  }
0x15a: {  	v7 =	vld.idx.msk [tilespmem:v14+s2+$0x0], $0xffff;
	v8 =	vor.u32 v31, v1  }
0x15b: {  	v14 =	vor.u32 v31, v2;
	v10 =	vld.idx.msk [tilespmem:v10+s14+$0x0], $0xffff;
	v3 =	vadd.f32 v4, v3;
	v4 =	vmul.f32 v5, v9  }
0x15c: {  	v5 =	vld.idx.msk [tilespmem:v15+s2+$0x0], $0xffff;
	v9 =	vor.u32 v32, v1  }
0x15d: {  	v15 =	vor.u32 v32, v2;
	v12 =	vld.idx.msk [tilespmem:v12+s14+$0x0], $0xffff;
	v3 =	vadd.f32 v4, v3;
	v4 =	vmul.f32 v6, v11  }
0x15e: {  	v6 =	vld.idx.msk [tilespmem:v16+s2+$0x0], $0xffff;
	v11 =	vor.u32 v33, v1  }
0x15f: {  	v16 =	vor.u32 v33, v2;
	v8 =	vld.idx.msk [tilespmem:v8+s14+$0x0], $0xffff;
	v3 =	vadd.f32 v4, v3;
	v4 =	vmul.f32 v7, v13  }
0x160: {  	v7 =	vld.idx.msk [tilespmem:v14+s2+$0x0], $0xffff;
	v13 =	vor.u32 v34, v1  }
0x161: {  	v14 =	vor.u32 v34, v2;
	v9 =	vld.idx.msk [tilespmem:v9+s14+$0x0], $0xffff;
	v3 =	vadd.f32 v4, v3;
	v4 =	vmul.f32 v5, v10  }
0x162: {  	v5 =	vld.idx.msk [tilespmem:v15+s2+$0x0], $0xffff;
	v10 =	vor.u32 v35, v1  }
0x163: {  	v15 =	vor.u32 v35, v2;
	v11 =	vld.idx.msk [tilespmem:v11+s14+$0x0], $0xffff;
	v3 =	vadd.f32 v4, v3;
	v4 =	vmul.f32 v6, v12  }
0x164: {  	v6 =	vld.idx.msk [tilespmem:v16+s2+$0x0], $0xffff;
	v12 =	vor.u32 v36, v1  }
0x165: {  	v16 =	vor.u32 v36, v2;
	v13 =	vld.idx.msk [tilespmem:v13+s14+$0x0], $0xffff;
	v3 =	vadd.f32 v4, v3;
	v4 =	vmul.f32 v7, v8  }
0x166: {  	v7 =	vld.idx.msk [tilespmem:v14+s2+$0x0], $0xffff;
	v8 =	vor.u32 v39, v1  }
0x167: {  	v14 =	vor.u32 v39, v2;
	v10 =	vld.idx.msk [tilespmem:v10+s14+$0x0], $0xffff;
	v3 =	vadd.f32 v4, v3;
	v4 =	vmul.f32 v5, v9  }
0x168: {  	v5 =	vld.idx.msk [tilespmem:v15+s2+$0x0], $0xffff;
	v9 =	vor.u32 v42, v1  }
0x169: {  	v15 =	vor.u32 v42, v2;
	v12 =	vld.idx.msk [tilespmem:v12+s14+$0x0], $0xffff;
	v3 =	vadd.f32 v4, v3;
	v4 =	vmul.f32 v6, v11  }
0x16a: {  	v6 =	vld.idx.msk [tilespmem:v16+s2+$0x0], $0xffff;
	v11 =	vor.u32 v43, v1  }
0x16b: {  	v16 =	vor.u32 v43, v2;
	v8 =	vld.idx.msk [tilespmem:v8+s14+$0x0], $0xffff;
	v3 =	vadd.f32 v4, v3;
	v4 =	vmul.f32 v7, v13  }
0x16c: {  	v7 =	vld.idx.msk [tilespmem:v14+s2+$0x0], $0xffff;
	v13 =	vor.u32 v44, v1  }
0x16d: {  	v14 =	vor.u32 v44, v2;
	v9 =	vld.idx.msk [tilespmem:v9+s14+$0x0], $0xffff;
	v3 =	vadd.f32 v4, v3;
	v4 =	vmul.f32 v5, v10  }
0x16e: {  	v5 =	vld.idx.msk [tilespmem:v15+s2+$0x0], $0xffff;
	v15 =	vor.u32 v45, v2  }
0x16f: {  	v11 =	vld.idx.msk [tilespmem:v11+s14+$0x0], $0xffff;
	v3 =	vadd.f32 v4, v3;
	v4 =	vmul.f32 v6, v12  }
0x170: {  	v6 =	vld.idx.msk [tilespmem:v16+s2+$0x0], $0xffff;
	v16 =	vor.u32 v50, v2  }
0x171: {  	v13 =	vld.idx.msk [tilespmem:v13+s14+$0x0], $0xffff;
	v3 =	vadd.f32 v4, v3;
	v4 =	vmul.f32 v7, v8  }
0x172: {  	v7 =	vld.idx.msk [tilespmem:v14+s2+$0x0], $0xffff;
	v14 =	vor.u32 v53, v2  }
0x173: {  	v3 =	vadd.f32 v4, v3;
	v4 =	vmul.f32 v5, v9;
	v5 =	vld.idx.msk [tilespmem:v15+s2+$0x0], $0xffff  }
0x174: {  	v10 =	vor.u32 v45, v1;
	v15 =	vld [tilespmem:$0x1FF60]  }
0x175: {  	v3 =	vadd.f32 v4, v3;
	v4 =	vmul.f32 v6, v11;
	v6 =	vld.idx.msk [tilespmem:v16+s2+$0x0], $0xffff  }
0x176: {  	v12 =	vor.u32 v50, v1;
	v16 =	vld [tilespmem:$0x1FF50]  }
0x177: {  	v3 =	vadd.f32 v4, v3;
	v4 =	vmul.f32 v7, v13;
	v7 =	vld.idx.msk [tilespmem:v14+s2+$0x0], $0xffff  }
0x178: {  	v8 =	vor.u32 v53, v1;
	v14 =	vld [tilespmem:$0x1FEC0]  }
0x179: {  	v10 =	vld.idx.msk [tilespmem:v10+s14+$0x0], $0xffff;
	v9 =	vor.u32 v15, v1;
	v15 =	vor.u32 v15, v2;
	_ =	sdelay $0x1  }
0x17a: {  	v12 =	vld.idx.msk [tilespmem:v12+s14+$0x0], $0xffff;
	v11 =	vor.u32 v16, v1;
	v16 =	vor.u32 v16, v2;
	_ =	sdelay $0x1  }
0x17b: {  	v8 =	vld.idx.msk [tilespmem:v8+s14+$0x0], $0xffff;
	v13 =	vor.u32 v14, v1;
	v14 =	vor.u32 v14, v2  }
0x17c: {  	v3 =	vadd.f32 v4, v3;
	v4 =	vmul.f32 v5, v10;
	v5 =	vld.idx.msk [tilespmem:v15+s2+$0x0], $0xffff  }
0x17d: {  	v15 =	vld [tilespmem:$0x1FED0]  }
0x17e: {  	v3 =	vadd.f32 v4, v3;
	v4 =	vmul.f32 v6, v12;
	v6 =	vld.idx.msk [tilespmem:v16+s2+$0x0], $0xffff  }
0x17f: {  	v16 =	vld [tilespmem:$0x1FEE0]  }
0x180: {  	v3 =	vadd.f32 v4, v3;
	v4 =	vmul.f32 v7, v8;
	v7 =	vld.idx.msk [tilespmem:v14+s2+$0x0], $0xffff  }
0x181: {  	v14 =	vld [tilespmem:$0x1FEF0]  }
0x182: {  	v9 =	vld.idx.msk [tilespmem:v9+s14+$0x0], $0xffff;
	v10 =	vor.u32 v15, v1;
	v15 =	vor.u32 v15, v2;
	_ =	sdelay $0x1  }
0x183: {  	v11 =	vld.idx.msk [tilespmem:v11+s14+$0x0], $0xffff;
	v12 =	vor.u32 v16, v1;
	v16 =	vor.u32 v16, v2;
	_ =	sdelay $0x1  }
0x184: {  	v13 =	vld.idx.msk [tilespmem:v13+s14+$0x0], $0xffff;
	v8 =	vor.u32 v14, v1;
	v14 =	vor.u32 v14, v2  }
0x185: {  	v3 =	vadd.f32 v4, v3;
	v4 =	vmul.f32 v5, v9;
	v5 =	vld.idx.msk [tilespmem:v15+s2+$0x0], $0xffff  }
0x186: {  	v15 =	vld [tilespmem:$0x1FF40]  }
0x187: {  	v3 =	vadd.f32 v4, v3;
	v4 =	vmul.f32 v6, v11;
	v6 =	vld.idx.msk [tilespmem:v16+s2+$0x0], $0xffff  }
0x188: {  	v16 =	vld [tilespmem:$0x1FF30]  }
0x189: {  	v3 =	vadd.f32 v4, v3;
	v4 =	vmul.f32 v7, v13;
	v7 =	vld.idx.msk [tilespmem:v14+s2+$0x0], $0xffff  }
0x18a: {  	v14 =	vld [tilespmem:$0x1FF20]  }
0x18b: {  	v10 =	vld.idx.msk [tilespmem:v10+s14+$0x0], $0xffff;
	v9 =	vor.u32 v15, v1  }
0x18c: {  	v15 =	vor.u32 v15, v2  }
0x18d: {  	v12 =	vld.idx.msk [tilespmem:v12+s14+$0x0], $0xffff;
	v11 =	vor.u32 v16, v1  }
0x18e: {  	v16 =	vor.u32 v16, v2  }
0x18f: {  	v8 =	vld.idx.msk [tilespmem:v8+s14+$0x0], $0xffff;
	v13 =	vor.u32 v14, v1  }
0x190: {  	v3 =	vadd.f32 v4, v3;
	v4 =	vmul.f32 v5, v10;
	v14 =	vor.u32 v14, v2;
	v9 =	vld.idx.msk [tilespmem:v9+s14+$0x0], $0xffff  }
0x191: {  	v10 =	vor.u32 v57, v1;
	v5 =	vld.idx.msk [tilespmem:v15+s2+$0x0], $0xffff  }
0x192: {  	v3 =	vadd.f32 v4, v3;
	v4 =	vmul.f32 v6, v12;
	v15 =	vor.u32 v57, v2;
	v11 =	vld.idx.msk [tilespmem:v11+s14+$0x0], $0xffff  }
0x193: {  	v6 =	vld.idx.msk [tilespmem:v16+s2+$0x0], $0xffff;
	v16 =	vor.u32 v54, v2  }
0x194: {  	v3 =	vadd.f32 v4, v3;
	v4 =	vmul.f32 v7, v8;
	v13 =	vld.idx.msk [tilespmem:v13+s14+$0x0], $0xffff  }
0x195: {  	v7 =	vld.idx.msk [tilespmem:v14+s2+$0x0], $0xffff  }
0x196: {  	v10 =	vld.idx.msk [tilespmem:v10+s14+$0x0], $0xffff;
	v3 =	vadd.f32 v4, v3;
	v4 =	vmul.f32 v5, v9  }
0x197: {  	v5 =	vld.idx.msk [tilespmem:v15+s2+$0x0], $0xffff;
	v15 =	vor.u32 v40, v2  }
0x198: {  	v3 =	vadd.f32 v4, v3;
	v4 =	vmul.f32 v6, v11;
	v6 =	vld.idx.msk [tilespmem:v16+s2+$0x0], $0xffff  }
0x199: {  	v12 =	vor.u32 v54, v1;
	v16 =	vld [tilespmem:$0x1FE90]  }
0x19a: {  	v8 =	vor.u32 v55, v1;
	v3 =	vadd.f32 v4, v3;
	v4 =	vmul.f32 v7, v13  }
0x19b: {  	v14 =	vor.u32 v55, v2  }
0x19c: {  	v3 =	vadd.f32 v4, v3;
	v4 =	vmul.f32 v5, v10;
	v5 =	vld.idx.msk [tilespmem:v15+s2+$0x0], $0xffff  }
0x19d: {  	v9 =	vor.u32 v40, v1;
	v15 =	vld [tilespmem:$0x1FE80]  }
0x19e: {  	v12 =	vld.idx.msk [tilespmem:v12+s14+$0x0], $0xffff;
	v11 =	vor.u32 v16, v1;
	v16 =	vor.u32 v16, v2  }
0x19f: {  	v8 =	vld.idx.msk [tilespmem:v8+s14+$0x0], $0xffff  }
0x1a0: {  	v7 =	vld.idx.msk [tilespmem:v14+s2+$0x0], $0xffff;
	_ =	sdelay $0x1  }
0x1a1: {  	v9 =	vld.idx.msk [tilespmem:v9+s14+$0x0], $0xffff;
	v10 =	vor.u32 v15, v1;
	v15 =	vor.u32 v15, v2  }
0x1a2: {  	v3 =	vadd.f32 v4, v3;
	v4 =	vmul.f32 v6, v12;
	v6 =	vld.idx.msk [tilespmem:v16+s2+$0x0], $0xffff  }
0x1a3: {  	v16 =	vld [tilespmem:$0x1FE30]  }
0x1a4: {  	v13 =	vor.u32 v37, v1;
	v3 =	vadd.f32 v4, v3;
	v4 =	vmul.f32 v7, v8  }
0x1a5: {  	v14 =	vor.u32 v37, v2  }
0x1a6: {  	v3 =	vadd.f32 v4, v3;
	v4 =	vmul.f32 v5, v9;
	v5 =	vld.idx.msk [tilespmem:v15+s2+$0x0], $0xffff  }
0x1a7: {  	v15 =	vld [tilespmem:$0x1FE70]  }
0x1a8: {  	v11 =	vld.idx.msk [tilespmem:v11+s14+$0x0], $0xffff;
	v12 =	vor.u32 v16, v1;
	v16 =	vor.u32 v16, v2  }
0x1a9: {  	v13 =	vld.idx.msk [tilespmem:v13+s14+$0x0], $0xffff  }
0x1aa: {  	v7 =	vld.idx.msk [tilespmem:v14+s2+$0x0], $0xffff;
	v14 =	vor.u32 v58, v2;
	_ =	sdelay $0x1  }
0x1ab: {  	v10 =	vld.idx.msk [tilespmem:v10+s14+$0x0], $0xffff;
	v9 =	vor.u32 v15, v1;
	v15 =	vor.u32 v15, v2  }
0x1ac: {  	v3 =	vadd.f32 v4, v3;
	v4 =	vmul.f32 v6, v11;
	v6 =	vld.idx.msk [tilespmem:v16+s2+$0x0], $0xffff  }
0x1ad: {  	v16 =	vld [tilespmem:$0x1FEB0]  }
0x1ae: {  	v3 =	vadd.f32 v4, v3;
	v4 =	vmul.f32 v7, v13;
	v7 =	vld.idx.msk [tilespmem:v14+s2+$0x0], $0xffff  }
0x1af: {  	v8 =	vor.u32 v58, v1;
	v14 =	vld [tilespmem:$0x1FE60]  }
0x1b0: {  	v3 =	vadd.f32 v4, v3;
	v4 =	vmul.f32 v5, v10;
	v5 =	vld.idx.msk [tilespmem:v15+s2+$0x0], $0xffff  }
0x1b1: {  	v15 =	vld [tilespmem:$0x1FEA0]  }
0x1b2: {  	v12 =	vld.idx.msk [tilespmem:v12+s14+$0x0], $0xffff;
	v11 =	vor.u32 v16, v1  }
0x1b3: {  	v16 =	vor.u32 v16, v2  }
0x1b4: {  	v8 =	vld.idx.msk [tilespmem:v8+s14+$0x0], $0xffff;
	v13 =	vor.u32 v14, v1  }
0x1b5: {  	v14 =	vor.u32 v14, v2  }
0x1b6: {  	v9 =	vld.idx.msk [tilespmem:v9+s14+$0x0], $0xffff;
	v10 =	vor.u32 v15, v1  }
0x1b7: {  	v3 =	vadd.f32 v4, v3;
	v4 =	vmul.f32 v6, v12;
	v15 =	vor.u32 v15, v2;
	v11 =	vld.idx.msk [tilespmem:v11+s14+$0x0], $0xffff  }
0x1b8: {  	v12 =	vor.u32 v47, v1;
	v6 =	vld.idx.msk [tilespmem:v16+s2+$0x0], $0xffff  }
0x1b9: {  	v13 =	vld.idx.msk [tilespmem:v13+s14+$0x0], $0xffff;
	v3 =	vadd.f32 v4, v3;
	v4 =	vmul.f32 v7, v8;
	v16 =	vor.u32 v47, v2  }
0x1ba: {  	v7 =	vld.idx.msk [tilespmem:v14+s2+$0x0], $0xffff;
	v8 =	vor.u32 v41, v1  }
0x1bb: {  	v14 =	vor.u32 v41, v2;
	v3 =	vadd.f32 v4, v3;
	v4 =	vmul.f32 v5, v9;
	v10 =	vld.idx.msk [tilespmem:v10+s14+$0x0], $0xffff  }
0x1bc: {  	v9 =	vor.u32 v56, v1;
	v5 =	vld.idx.msk [tilespmem:v15+s2+$0x0], $0xffff  }
0x1bd: {  	v12 =	vld.idx.msk [tilespmem:v12+s14+$0x0], $0xffff;
	v3 =	vadd.f32 v4, v3;
	v15 =	vor.u32 v56, v2;
	v4 =	vmul.f32 v6, v11  }
0x1be: {  	v6 =	vld.idx.msk [tilespmem:v16+s2+$0x0], $0xffff;
	v11 =	vor.u32 v38, v1  }
0x1bf: {  	v8 =	vld.idx.msk [tilespmem:v8+s14+$0x0], $0xffff;
	v16 =	vor.u32 v38, v2;
	v3 =	vadd.f32 v4, v3;
	v4 =	vmul.f32 v7, v13  }
0x1c0: {  	v7 =	vld.idx.msk [tilespmem:v14+s2+$0x0], $0xffff;
	v13 =	vor.u32 v61, v1  }
0x1c1: {  	v9 =	vld.idx.msk [tilespmem:v9+s14+$0x0], $0xffff;
	v14 =	vor.u32 v61, v2;
	v3 =	vadd.f32 v4, v3;
	v4 =	vmul.f32 v5, v10  }
0x1c2: {  	v5 =	vld.idx.msk [tilespmem:v15+s2+$0x0], $0xffff;
	v10 =	vor.u32 v62, v1  }
0x1c3: {  	v15 =	vor.u32 v62, v2;
	v11 =	vld.idx.msk [tilespmem:v11+s14+$0x0], $0xffff;
	v3 =	vadd.f32 v4, v3;
	v4 =	vmul.f32 v6, v12  }
0x1c4: {  	v6 =	vld.idx.msk [tilespmem:v16+s2+$0x0], $0xffff;
	v12 =	vor.u32 v63, v1  }
0x1c5: {  	v16 =	vor.u32 v63, v2;
	v13 =	vld.idx.msk [tilespmem:v13+s14+$0x0], $0xffff;
	v3 =	vadd.f32 v4, v3;
	v4 =	vmul.f32 v7, v8  }
0x1c6: {  	v7 =	vld.idx.msk [tilespmem:v14+s2+$0x0], $0xffff;
	v8 =	vor.u32 v60, v1  }
0x1c7: {  	v14 =	vor.u32 v60, v2;
	v10 =	vld.idx.msk [tilespmem:v10+s14+$0x0], $0xffff;
	v3 =	vadd.f32 v4, v3;
	v4 =	vmul.f32 v5, v9  }
0x1c8: {  	v5 =	vld.idx.msk [tilespmem:v15+s2+$0x0], $0xffff;
	v9 =	vor.u32 v59, v1  }
0x1c9: {  	v15 =	vor.u32 v59, v2;
	v12 =	vld.idx.msk [tilespmem:v12+s14+$0x0], $0xffff;
	v3 =	vadd.f32 v4, v3;
	v4 =	vmul.f32 v6, v11  }
0x1ca: {  	v6 =	vld.idx.msk [tilespmem:v16+s2+$0x0], $0xffff;
	v11 =	vor.u32 v52, v1  }
0x1cb: {  	v16 =	vor.u32 v52, v2;
	v8 =	vld.idx.msk [tilespmem:v8+s14+$0x0], $0xffff;
	v3 =	vadd.f32 v4, v3;
	v4 =	vmul.f32 v7, v13  }
0x1cc: {  	v7 =	vld.idx.msk [tilespmem:v14+s2+$0x0], $0xffff;
	v13 =	vor.u32 v0, v1  }
0x1cd: {  	v14 =	vor.u32 v0, v2;
	v9 =	vld.idx.msk [tilespmem:v9+s14+$0x0], $0xffff;
	v3 =	vadd.f32 v4, v3;
	v4 =	vmul.f32 v5, v10  }
0x1ce: {  	v5 =	vld.idx.msk [tilespmem:v15+s2+$0x0], $0xffff;
	v10 =	vor.u32 v51, v1  }
0x1cf: {  	v15 =	vor.u32 v51, v2;
	v11 =	vld.idx.msk [tilespmem:v11+s14+$0x0], $0xffff;
	v3 =	vadd.f32 v4, v3;
	v4 =	vmul.f32 v6, v12  }
0x1d0: {  	v6 =	vld.idx.msk [tilespmem:v16+s2+$0x0], $0xffff;
	v12 =	vor.u32 v49, v1  }
0x1d1: {  	v16 =	vor.u32 v49, v2;
	v13 =	vld.idx.msk [tilespmem:v13+s14+$0x0], $0xffff;
	v3 =	vadd.f32 v4, v3;
	v4 =	vmul.f32 v7, v8  }
0x1d2: {  	v7 =	vld.idx.msk [tilespmem:v14+s2+$0x0], $0xffff;
	v8 =	vor.u32 v48, v1  }
0x1d3: {  	v14 =	vor.u32 v48, v2;
	v10 =	vld.idx.msk [tilespmem:v10+s14+$0x0], $0xffff;
	v3 =	vadd.f32 v4, v3;
	v4 =	vmul.f32 v5, v9  }
0x1d4: {  	v1 =	vor.u32 v46, v1;
	v5 =	vld.idx.msk [tilespmem:v15+s2+$0x0], $0xffff  }
0x1d5: {  	v2 =	vor.u32 v46, v2;
	v9 =	vld.idx.msk [tilespmem:v12+s14+$0x0], $0xffff;
	v3 =	vadd.f32 v4, v3;
	v4 =	vmul.f32 v6, v11  }
0x1d6: {  	v12 =	vld.idx.msk [tilespmem:v16+s2+$0x0], $0xffff  }
0x1d7: {  	v8 =	vld.idx.msk [tilespmem:v8+s14+$0x0], $0xffff;
	v3 =	vadd.f32 v4, v3;
	v4 =	vmul.f32 v7, v13  }
0x1d8: {  	v14 =	vld.idx.msk [tilespmem:v14+s2+$0x0], $0xffff  }
0x1d9: {  	v1 =	vld.idx.msk [tilespmem:v1+s14+$0x0], $0xffff;
	v3 =	vadd.f32 v4, v3;
	v4 =	vmul.f32 v5, v10  }
0x1da: {  	v2 =	vld.idx.msk [tilespmem:v2+s2+$0x0], $0xffff  }
0x1db: {  	v3 =	vadd.f32 v4, v3;
	v4 =	vmul.f32 v12, v9;
	_ =	sdelay $0x1  }
0x1dc: {  	v3 =	vadd.f32 v4, v3;
	v4 =	vmul.f32 v14, v8;
	_ =	sdelay $0x1  }
0x1dd: {  	p0 =	sne.s32 s29, $0x70;
	v1 =	vmul.f32 v2, v1;
	v4 =	vadd.f32 v4, v3  }
.Ltmp0:
0x1de: {  	_ = 	snop;
	(pc) =	sbr.rel @p0 .LBB2_3-.Ltmp0, $4  }
0x1df: {  	v1 =	vadd.f32 v1, v4  }
0x1e0: {  	s24 =	sadd.s32 $0x10, s24  }
0x1e1: {  	s26 =	sadd.s32 $0x10, s26;
	[tilespmem:s24+$0x0] =	vst v1  }
0x1e2: {  	s28 =	smov.u32 s29;
	s29 =	sadd.s32 $0x10, s29;
	v16 =	vlaneseq.u32;
	v3 =	vmov v17;
	v2 =	vld [tilespmem:s26+$0x0]  }
0x1e3: {  	_ = 	snop  }
0x1e4: {  	v1 =	vmov s28  }
0x1e5: {  	v1 =	vshll.u32 v1, $0x6  }
0x1e6: {  	v1 =	vor.u32 v3, v1  }
0x1e7: {  	v3 =	vor.u32 v16, v1;
	v2 =	vshll.u32 v2, $0x6  }
0x1e8: {  	v4 =	vor.u32 v16, v2  }
0x1e9: {  	v5 =	vor.u32 v18, v1  }
0x1ea: {  	v6 =	vor.u32 v18, v2  }
0x1eb: {  	v7 =	vor.u32 v19, v1  }
0x1ec: {  	v8 =	vor.u32 v19, v2;
	v3 =	vld.idx.msk [tilespmem:v3+s14+$0x0], $0xffff  }
0x1ed: {  	v9 =	vor.u32 v20, v1;
	v4 =	vld.idx.msk [tilespmem:v4+s2+$0x0], $0xffff  }
0x1ee: {  	v10 =	vor.u32 v20, v2;
	v5 =	vld.idx.msk [tilespmem:v5+s14+$0x0], $0xffff  }
0x1ef: {  	v11 =	vor.u32 v21, v1;
	v6 =	vld.idx.msk [tilespmem:v6+s2+$0x0], $0xffff  }
0x1f0: {  	v12 =	vor.u32 v21, v2;
	v7 =	vld.idx.msk [tilespmem:v7+s14+$0x0], $0xffff  }
0x1f1: {  	v13 =	vor.u32 v22, v1;
	v8 =	vld.idx.msk [tilespmem:v8+s2+$0x0], $0xffff  }
0x1f2: {  	v14 =	vor.u32 v22, v2;
	v9 =	vld.idx.msk [tilespmem:v9+s14+$0x0], $0xffff;
	v3 =	vmul.f32 v4, v3  }
0x1f3: {  	v4 =	vld.idx.msk [tilespmem:v10+s2+$0x0], $0xffff;
	v10 =	vor.u32 v23, v1  }
0x1f4: {  	v15 =	vor.u32 v23, v2;
	v11 =	vld.idx.msk [tilespmem:v11+s14+$0x0], $0xffff;
	v5 =	vmul.f32 v6, v5;
	v3 =	vadd.f32 $0.0e+00, v3  }
0x1f5: {  	v6 =	vld.idx.msk [tilespmem:v12+s2+$0x0], $0xffff;
	v12 =	vor.u32 v24, v1  }
0x1f6: {  	v13 =	vld.idx.msk [tilespmem:v13+s14+$0x0], $0xffff;
	v7 =	vmul.f32 v8, v7;
	v3 =	vadd.f32 v5, v3;
	v5 =	vor.u32 v24, v2  }
0x1f7: {  	v8 =	vld.idx.msk [tilespmem:v14+s2+$0x0], $0xffff;
	v14 =	vor.u32 v25, v1  }
0x1f8: {  	v10 =	vld.idx.msk [tilespmem:v10+s14+$0x0], $0xffff;
	v4 =	vmul.f32 v4, v9;
	v3 =	vadd.f32 v7, v3;
	v7 =	vor.u32 v25, v2  }
0x1f9: {  	v9 =	vld.idx.msk [tilespmem:v15+s2+$0x0], $0xffff;
	v15 =	vor.u32 v26, v1  }
0x1fa: {  	v12 =	vld.idx.msk [tilespmem:v12+s14+$0x0], $0xffff;
	v6 =	vmul.f32 v6, v11;
	v3 =	vadd.f32 v4, v3;
	v4 =	vor.u32 v26, v2  }
0x1fb: {  	v11 =	vor.u32 v27, v1;
	v5 =	vld.idx.msk [tilespmem:v5+s2+$0x0], $0xffff  }
0x1fc: {  	v14 =	vld.idx.msk [tilespmem:v14+s14+$0x0], $0xffff;
	v8 =	vmul.f32 v8, v13;
	v3 =	vadd.f32 v6, v3;
	v6 =	vor.u32 v27, v2  }
0x1fd: {  	v13 =	vor.u32 v28, v1;
	v7 =	vld.idx.msk [tilespmem:v7+s2+$0x0], $0xffff  }
0x1fe: {  	v15 =	vld.idx.msk [tilespmem:v15+s14+$0x0], $0xffff;
	v9 =	vmul.f32 v9, v10;
	v3 =	vadd.f32 v8, v3;
	v8 =	vor.u32 v28, v2  }
0x1ff: {  	v10 =	vor.u32 v29, v1;
	v4 =	vld.idx.msk [tilespmem:v4+s2+$0x0], $0xffff  }
0x200: {  	v11 =	vld.idx.msk [tilespmem:v11+s14+$0x0], $0xffff;
	v3 =	vadd.f32 v9, v3;
	v9 =	vor.u32 v29, v2;
	v5 =	vmul.f32 v5, v12  }
0x201: {  	v12 =	vor.u32 v30, v1;
	v6 =	vld.idx.msk [tilespmem:v6+s2+$0x0], $0xffff  }
0x202: {  	v13 =	vld.idx.msk [tilespmem:v13+s14+$0x0], $0xffff;
	v3 =	vadd.f32 v5, v3;
	v5 =	vor.u32 v30, v2;
	v7 =	vmul.f32 v7, v14  }
0x203: {  	v14 =	vor.u32 v31, v1;
	v8 =	vld.idx.msk [tilespmem:v8+s2+$0x0], $0xffff  }
0x204: {  	v10 =	vld.idx.msk [tilespmem:v10+s14+$0x0], $0xffff;
	v3 =	vadd.f32 v7, v3;
	v7 =	vor.u32 v31, v2;
	v4 =	vmul.f32 v4, v15  }
0x205: {  	v15 =	vor.u32 v32, v1;
	v9 =	vld.idx.msk [tilespmem:v9+s2+$0x0], $0xffff  }
0x206: {  	v12 =	vld.idx.msk [tilespmem:v12+s14+$0x0], $0xffff;
	v3 =	vadd.f32 v4, v3;
	v4 =	vor.u32 v32, v2;
	v6 =	vmul.f32 v6, v11  }
0x207: {  	v11 =	vor.u32 v33, v1;
	v5 =	vld.idx.msk [tilespmem:v5+s2+$0x0], $0xffff  }
0x208: {  	v14 =	vld.idx.msk [tilespmem:v14+s14+$0x0], $0xffff;
	v3 =	vadd.f32 v6, v3;
	v6 =	vor.u32 v33, v2;
	v8 =	vmul.f32 v8, v13  }
0x209: {  	v13 =	vor.u32 v34, v1;
	v7 =	vld.idx.msk [tilespmem:v7+s2+$0x0], $0xffff  }
0x20a: {  	v15 =	vld.idx.msk [tilespmem:v15+s14+$0x0], $0xffff;
	v3 =	vadd.f32 v8, v3;
	v8 =	vor.u32 v34, v2;
	v9 =	vmul.f32 v9, v10  }
0x20b: {  	v10 =	vor.u32 v35, v1;
	v4 =	vld.idx.msk [tilespmem:v4+s2+$0x0], $0xffff  }
0x20c: {  	v11 =	vld.idx.msk [tilespmem:v11+s14+$0x0], $0xffff;
	v3 =	vadd.f32 v9, v3;
	v9 =	vor.u32 v35, v2  }
0x20d: {  	v5 =	vmul.f32 v5, v12;
	v6 =	vld.idx.msk [tilespmem:v6+s2+$0x0], $0xffff  }
0x20e: {  	v12 =	vor.u32 v36, v1;
	v13 =	vld.idx.msk [tilespmem:v13+s14+$0x0], $0xffff  }
0x20f: {  	v3 =	vadd.f32 v5, v3;
	v5 =	vor.u32 v36, v2;
	v7 =	vmul.f32 v7, v14;
	v8 =	vld.idx.msk [tilespmem:v8+s2+$0x0], $0xffff  }
0x210: {  	v10 =	vld.idx.msk [tilespmem:v10+s14+$0x0], $0xffff  }
0x211: {  	v3 =	vadd.f32 v7, v3;
	v4 =	vmul.f32 v4, v15;
	v9 =	vld.idx.msk [tilespmem:v9+s2+$0x0], $0xffff;
	_ =	sdelay $0x1  }
0x212: {  	v14 =	vor.u32 v39, v1;
	v12 =	vld.idx.msk [tilespmem:v12+s14+$0x0], $0xffff;
	v3 =	vadd.f32 v4, v3;
	v6 =	vmul.f32 v6, v11  }
0x213: {  	v7 =	vor.u32 v39, v2;
	v5 =	vld.idx.msk [tilespmem:v5+s2+$0x0], $0xffff  }
0x214: {  	v3 =	vadd.f32 v6, v3;
	v8 =	vmul.f32 v8, v13  }
0x215: {  	v9 =	vmul.f32 v9, v10;
	v10 =	vor.u32 v45, v1  }
0x216: {  	v15 =	vor.u32 v42, v1;
	v3 =	vadd.f32 v8, v3  }
0x217: {  	v4 =	vor.u32 v42, v2;
	v14 =	vld.idx.msk [tilespmem:v14+s14+$0x0], $0xffff  }
0x218: {  	v11 =	vor.u32 v43, v1;
	v7 =	vld.idx.msk [tilespmem:v7+s2+$0x0], $0xffff;
	v3 =	vadd.f32 v9, v3;
	v5 =	vmul.f32 v5, v12  }
0x219: {  	v6 =	vor.u32 v43, v2  }
0x21a: {  	v3 =	vadd.f32 v5, v3;
	v5 =	vld.idx.msk [tilespmem:v10+s14+$0x0], $0xffff  }
0x21b: {  	v15 =	vld.idx.msk [tilespmem:v15+s14+$0x0], $0xffff  }
0x21c: {  	v13 =	vor.u32 v44, v1;
	v4 =	vld.idx.msk [tilespmem:v4+s2+$0x0], $0xffff  }
0x21d: {  	v8 =	vor.u32 v44, v2;
	v17 =	vld.idx.msk [tilespmem:v11+s14+$0x0], $0xffff;
	v7 =	vmul.f32 v7, v14  }
0x21e: {  	v6 =	vld.idx.msk [tilespmem:v6+s2+$0x0], $0xffff  }
0x21f: {  	[tilespmem:$0x1FAE0] =	vst v5;
	v5 =	vadd.f32 v7, v3;
	v3 =	vld [tilespmem:$0x1FF60];
	_ =	sdelay $0x1  }
0x220: {  	v13 =	vld.idx.msk [tilespmem:v13+s14+$0x0], $0xffff;
	v4 =	vmul.f32 v4, v15  }
0x221: {  	v9 =	vor.u32 v45, v2;
	v8 =	vld.idx.msk [tilespmem:v8+s2+$0x0], $0xffff  }
0x222: {  	v11 =	vor.u32 v50, v2;
	v6 =	vmul.f32 v6, v17;
	v5 =	vadd.f32 v4, v5  }
0x223: {  	v15 =	vor.u32 v3, v1;
	v10 =	vor.u32 v3, v2;
	v3 =	vld [tilespmem:$0x1FF50]  }
0x224: {  	v4 =	vadd.f32 v6, v5;
	v5 =	vld [tilespmem:$0x1FEC0]  }
0x225: {  	v12 =	vor.u32 v50, v1  }
0x226: {  	v9 =	vld.idx.msk [tilespmem:v9+s2+$0x0], $0xffff;
	v8 =	vmul.f32 v8, v13  }
0x227: {  	v17 =	vld.idx.msk [tilespmem:v11+s2+$0x0], $0xffff  }
0x228: {  	v11 =	vor.u32 v3, v1;
	v6 =	vor.u32 v3, v2;
	v3 =	vadd.f32 v8, v4;
	v4 =	vld [tilespmem:$0x1FAE0]  }
0x229: {  	v13 =	vor.u32 v5, v1;
	v8 =	vor.u32 v5, v2;
	v5 =	vld [tilespmem:$0x1FED0]  }
0x22a: {  	v12 =	vld.idx.msk [tilespmem:v12+s14+$0x0], $0xffff;
	_ =	sdelay $0x1  }
0x22b: {  	v14 =	vor.u32 v53, v1  }
0x22c: {  	v7 =	vor.u32 v53, v2;
	v9 =	vmul.f32 v9, v4  }
0x22d: {  	v4 =	vld.idx.msk [tilespmem:v10+s2+$0x0], $0xffff;
	v10 =	vor.u32 v5, v1  }
0x22e: {  	v3 =	vadd.f32 v9, v3;
	v9 =	vor.u32 v5, v2;
	v5 =	vmul.f32 v17, v12;
	v17 =	vld [tilespmem:$0x1FEE0];
	_ =	sdelay $0x1  }
0x22f: {  	v14 =	vld.idx.msk [tilespmem:v14+s14+$0x0], $0xffff  }
0x230: {  	v7 =	vld.idx.msk [tilespmem:v7+s2+$0x0], $0xffff;
	_ =	sdelay $0x1  }
0x231: {  	v3 =	vadd.f32 v5, v3;
	v12 =	vor.u32 v17, v1;
	v5 =	vor.u32 v17, v2;
	v17 =	vld [tilespmem:$0x1FEF0];
	_ =	sdelay $0x2  }
0x232: {  	v15 =	vld.idx.msk [tilespmem:v15+s14+$0x0], $0xffff;
	v7 =	vmul.f32 v7, v14;
	_ =	sdelay $0x1  }
0x233: {  	v3 =	vadd.f32 v7, v3;
	v14 =	vor.u32 v17, v1;
	v7 =	vor.u32 v17, v2;
	v17 =	vld [tilespmem:$0x1FF40]  }
0x234: {  	v11 =	vld.idx.msk [tilespmem:v11+s14+$0x0], $0xffff  }
0x235: {  	v6 =	vld.idx.msk [tilespmem:v6+s2+$0x0], $0xffff  }
0x236: {  	v10 =	vld.idx.msk [tilespmem:v10+s14+$0x0], $0xffff;
	v4 =	vmul.f32 v4, v15  }
0x237: {  	v9 =	vld.idx.msk [tilespmem:v9+s2+$0x0], $0xffff  }
0x238: {  	v3 =	vadd.f32 v4, v3;
	v15 =	vor.u32 v17, v1;
	v4 =	vor.u32 v17, v2;
	v17 =	vld [tilespmem:$0x1FF30];
	_ =	sdelay $0x1  }
0x239: {  	v6 =	vmul.f32 v6, v11  }
0x23a: {  	v13 =	vld.idx.msk [tilespmem:v13+s14+$0x0], $0xffff  }
0x23b: {  	v8 =	vld.idx.msk [tilespmem:v8+s2+$0x0], $0xffff;
	v3 =	vadd.f32 v6, v3;
	v9 =	vmul.f32 v9, v10  }
0x23c: {  	v10 =	vor.u32 v57, v1;
	v11 =	vor.u32 v17, v1;
	v6 =	vor.u32 v17, v2;
	v17 =	vld [tilespmem:$0x1FF20]  }
0x23d: {  	v12 =	vld.idx.msk [tilespmem:v12+s14+$0x0], $0xffff  }
0x23e: {  	v5 =	vld.idx.msk [tilespmem:v5+s2+$0x0], $0xffff  }
0x23f: {  	v14 =	vld.idx.msk [tilespmem:v14+s14+$0x0], $0xffff  }
0x240: {  	v8 =	vmul.f32 v8, v13;
	v7 =	vld.idx.msk [tilespmem:v7+s2+$0x0], $0xffff  }
0x241: {  	v10 =	vld.idx.msk [tilespmem:v10+s14+$0x0], $0xffff;
	v13 =	vor.u32 v17, v1  }
0x242: {  	v3 =	vadd.f32 v8, v3;
	v15 =	vld.idx.msk [tilespmem:v15+s14+$0x0], $0xffff;
	v8 =	vor.u32 v17, v2  }
0x243: {  	v4 =	vld.idx.msk [tilespmem:v4+s2+$0x0], $0xffff  }
0x244: {  	v3 =	vadd.f32 v9, v3;
	v9 =	vor.u32 v57, v2;
	v5 =	vmul.f32 v5, v12;
	v11 =	vld.idx.msk [tilespmem:v11+s14+$0x0], $0xffff  }
0x245: {  	v57 =	vor.u32 v54, v2;
	v6 =	vld.idx.msk [tilespmem:v6+s2+$0x0], $0xffff  }
0x246: {  	v3 =	vadd.f32 v5, v3;
	v7 =	vmul.f32 v7, v14;
	v13 =	vld.idx.msk [tilespmem:v13+s14+$0x0], $0xffff  }
0x247: {  	v12 =	vor.u32 v54, v1;
	v8 =	vld.idx.msk [tilespmem:v8+s2+$0x0], $0xffff  }
0x248: {  	v14 =	vor.u32 v55, v1;
	v3 =	vadd.f32 v7, v3;
	v4 =	vmul.f32 v4, v15;
	v17 =	vld [tilespmem:$0x1FE90]  }
0x249: {  	v9 =	vld.idx.msk [tilespmem:v9+s2+$0x0], $0xffff;
	v7 =	vor.u32 v55, v2  }
0x24a: {  	v5 =	vld.idx.msk [tilespmem:v57+s2+$0x0], $0xffff;
	v15 =	vor.u32 v40, v1;
	v3 =	vadd.f32 v4, v3;
	v6 =	vmul.f32 v6, v11  }
0x24b: {  	v57 =	vld [tilespmem:$0x1FE80]  }
0x24c: {  	v54 =	vor.u32 v40, v2;
	v12 =	vld.idx.msk [tilespmem:v12+s14+$0x0], $0xffff;
	v3 =	vadd.f32 v6, v3;
	v8 =	vmul.f32 v8, v13  }
0x24d: {  	v14 =	vld.idx.msk [tilespmem:v14+s14+$0x0], $0xffff;
	v11 =	vor.u32 v17, v1  }
0x24e: {  	v9 =	vmul.f32 v9, v10;
	v7 =	vld.idx.msk [tilespmem:v7+s2+$0x0], $0xffff;
	v6 =	vor.u32 v17, v2;
	v3 =	vadd.f32 v8, v3  }
0x24f: {  	v17 =	vld.idx.msk [tilespmem:v15+s14+$0x0], $0xffff;
	v13 =	vor.u32 v37, v1  }
0x250: {  	v8 =	vor.u32 v37, v2;
	v55 =	vadd.f32 v9, v3;
	v3 =	vld [tilespmem:$0x1FE30]  }
0x251: {  	v15 =	vld.idx.msk [tilespmem:v54+s2+$0x0], $0xffff  }
0x252: {  	v5 =	vmul.f32 v5, v12;
	v11 =	vld.idx.msk [tilespmem:v11+s14+$0x0], $0xffff  }
0x253: {  	v6 =	vld.idx.msk [tilespmem:v6+s2+$0x0], $0xffff  }
0x254: {  	v10 =	vor.u32 v57, v1;
	v7 =	vmul.f32 v7, v14;
	v13 =	vld.idx.msk [tilespmem:v13+s14+$0x0], $0xffff;
	v4 =	vadd.f32 v5, v55  }
0x255: {  	v9 =	vor.u32 v57, v2;
	v8 =	vld.idx.msk [tilespmem:v8+s2+$0x0], $0xffff;
	v12 =	vor.u32 v3, v1  }
0x256: {  	v55 =	vld [tilespmem:$0x1FE70];
	v5 =	vor.u32 v3, v2;
	v3 =	vadd.f32 v7, v4;
	v4 =	vmul.f32 v15, v17  }
0x257: {  	v17 =	vld [tilespmem:$0x1FE60]  }
0x258: {  	v54 =	vld [tilespmem:$0x1FEB0];
	v6 =	vmul.f32 v6, v11;
	v3 =	vadd.f32 v4, v3  }
0x259: {  	v10 =	vld.idx.msk [tilespmem:v10+s14+$0x0], $0xffff;
	v14 =	vor.u32 v58, v1  }
0x25a: {  	v7 =	vor.u32 v58, v2;
	v9 =	vld.idx.msk [tilespmem:v9+s2+$0x0], $0xffff;
	v8 =	vmul.f32 v8, v13;
	v3 =	vadd.f32 v6, v3  }
0x25b: {  	v15 =	vor.u32 v55, v1;
	v4 =	vor.u32 v55, v2;
	v12 =	vld.idx.msk [tilespmem:v12+s14+$0x0], $0xffff  }
0x25c: {  	v13 =	vor.u32 v17, v1;
	v3 =	vadd.f32 v8, v3;
	v8 =	vor.u32 v17, v2;
	v17 =	vld [tilespmem:$0x1FEA0]  }
0x25d: {  	v11 =	vor.u32 v54, v1;
	v5 =	vld.idx.msk [tilespmem:v5+s2+$0x0], $0xffff  }
0x25e: {  	v14 =	vld.idx.msk [tilespmem:v14+s14+$0x0], $0xffff;
	v6 =	vor.u32 v54, v2  }
0x25f: {  	v7 =	vld.idx.msk [tilespmem:v7+s2+$0x0], $0xffff  }
0x260: {  	v9 =	vmul.f32 v9, v10;
	v15 =	vld.idx.msk [tilespmem:v15+s14+$0x0], $0xffff  }
0x261: {  	v4 =	vld.idx.msk [tilespmem:v4+s2+$0x0], $0xffff;
	v10 =	vor.u32 v17, v1  }
0x262: {  	v11 =	vld.idx.msk [tilespmem:v11+s14+$0x0], $0xffff;
	v3 =	vadd.f32 v9, v3;
	v5 =	vmul.f32 v5, v12;
	v9 =	vor.u32 v17, v2  }
0x263: {  	v6 =	vld.idx.msk [tilespmem:v6+s2+$0x0], $0xffff;
	v12 =	vor.u32 v47, v1  }
0x264: {  	v13 =	vld.idx.msk [tilespmem:v13+s14+$0x0], $0xffff;
	v7 =	vmul.f32 v7, v14;
	v3 =	vadd.f32 v5, v3;
	v5 =	vor.u32 v47, v2  }
0x265: {  	v14 =	vor.u32 v41, v1;
	v8 =	vld.idx.msk [tilespmem:v8+s2+$0x0], $0xffff  }
0x266: {  	v4 =	vmul.f32 v4, v15;
	v3 =	vadd.f32 v7, v3;
	v7 =	vor.u32 v41, v2;
	v10 =	vld.idx.msk [tilespmem:v10+s14+$0x0], $0xffff  }
0x267: {  	v47 =	vmov v41;
	v15 =	vor.u32 v56, v1;
	v9 =	vld.idx.msk [tilespmem:v9+s2+$0x0], $0xffff  }
0x268: {  	v41 =	vor.u32 v56, v2;
	v6 =	vmul.f32 v6, v11;
	v12 =	vld.idx.msk [tilespmem:v12+s14+$0x0], $0xffff;
	v3 =	vadd.f32 v4, v3  }
0x269: {  	v11 =	vor.u32 v38, v1;
	v5 =	vld.idx.msk [tilespmem:v5+s2+$0x0], $0xffff  }
0x26a: {  	v14 =	vld.idx.msk [tilespmem:v14+s14+$0x0], $0xffff;
	v8 =	vmul.f32 v8, v13;
	v3 =	vadd.f32 v6, v3;
	v6 =	vor.u32 v38, v2  }
0x26b: {  	v13 =	vor.u32 v61, v1;
	v7 =	vld.idx.msk [tilespmem:v7+s2+$0x0], $0xffff  }
0x26c: {  	v15 =	vld.idx.msk [tilespmem:v15+s14+$0x0], $0xffff;
	v3 =	vadd.f32 v8, v3;
	v8 =	vor.u32 v61, v2;
	v9 =	vmul.f32 v9, v10  }
0x26d: {  	v4 =	vld.idx.msk [tilespmem:v41+s2+$0x0], $0xffff;
	v10 =	vor.u32 v62, v1  }
0x26e: {  	v11 =	vld.idx.msk [tilespmem:v11+s14+$0x0], $0xffff;
	v5 =	vmul.f32 v5, v12;
	v3 =	vadd.f32 v9, v3;
	v9 =	vor.u32 v62, v2  }
0x26f: {  	v12 =	vor.u32 v63, v1;
	v6 =	vld.idx.msk [tilespmem:v6+s2+$0x0], $0xffff  }
0x270: {  	v13 =	vld.idx.msk [tilespmem:v13+s14+$0x0], $0xffff;
	v7 =	vmul.f32 v7, v14;
	v3 =	vadd.f32 v5, v3;
	v5 =	vor.u32 v63, v2  }
0x271: {  	v14 =	vor.u32 v60, v1;
	v8 =	vld.idx.msk [tilespmem:v8+s2+$0x0], $0xffff  }
0x272: {  	v4 =	vmul.f32 v4, v15;
	v10 =	vld.idx.msk [tilespmem:v10+s14+$0x0], $0xffff;
	v3 =	vadd.f32 v7, v3;
	v7 =	vor.u32 v60, v2  }
0x273: {  	v15 =	vor.u32 v59, v1;
	v9 =	vld.idx.msk [tilespmem:v9+s2+$0x0], $0xffff  }
0x274: {  	v41 =	vor.u32 v59, v2;
	v12 =	vld.idx.msk [tilespmem:v12+s14+$0x0], $0xffff;
	v6 =	vmul.f32 v6, v11;
	v3 =	vadd.f32 v4, v3  }
0x275: {  	v11 =	vor.u32 v52, v1;
	v5 =	vld.idx.msk [tilespmem:v5+s2+$0x0], $0xffff  }
0x276: {  	v14 =	vld.idx.msk [tilespmem:v14+s14+$0x0], $0xffff;
	v8 =	vmul.f32 v8, v13;
	v3 =	vadd.f32 v6, v3;
	v6 =	vor.u32 v52, v2  }
0x277: {  	v13 =	vor.u32 v0, v1;
	v7 =	vld.idx.msk [tilespmem:v7+s2+$0x0], $0xffff  }
0x278: {  	v15 =	vld.idx.msk [tilespmem:v15+s14+$0x0], $0xffff;
	v3 =	vadd.f32 v8, v3;
	v8 =	vor.u32 v0, v2;
	v9 =	vmul.f32 v9, v10  }
0x279: {  	v4 =	vld.idx.msk [tilespmem:v41+s2+$0x0], $0xffff;
	v10 =	vor.u32 v51, v1  }
0x27a: {  	v11 =	vld.idx.msk [tilespmem:v11+s14+$0x0], $0xffff;
	v3 =	vadd.f32 v9, v3;
	v9 =	vor.u32 v51, v2;
	v5 =	vmul.f32 v5, v12  }
0x27b: {  	v12 =	vor.u32 v49, v1;
	v6 =	vld.idx.msk [tilespmem:v6+s2+$0x0], $0xffff  }
0x27c: {  	v13 =	vld.idx.msk [tilespmem:v13+s14+$0x0], $0xffff;
	v3 =	vadd.f32 v5, v3;
	v5 =	vor.u32 v49, v2;
	v7 =	vmul.f32 v7, v14  }
0x27d: {  	v14 =	vor.u32 v48, v1;
	v8 =	vld.idx.msk [tilespmem:v8+s2+$0x0], $0xffff  }
0x27e: {  	v4 =	vmul.f32 v4, v15;
	v10 =	vld.idx.msk [tilespmem:v10+s14+$0x0], $0xffff;
	v3 =	vadd.f32 v7, v3;
	v7 =	vor.u32 v48, v2  }
0x27f: {  	v1 =	vor.u32 v46, v1;
	v9 =	vld.idx.msk [tilespmem:v9+s2+$0x0], $0xffff  }
0x280: {  	v2 =	vor.u32 v46, v2;
	v12 =	vld.idx.msk [tilespmem:v12+s14+$0x0], $0xffff;
	v3 =	vadd.f32 v4, v3;
	v41 =	vmul.f32 v6, v11  }
0x281: {  	v5 =	vld.idx.msk [tilespmem:v5+s2+$0x0], $0xffff  }
0x282: {  	v6 =	vld.idx.msk [tilespmem:v14+s14+$0x0], $0xffff;
	v3 =	vadd.f32 v41, v3;
	v41 =	vmul.f32 v8, v13  }
0x283: {  	v7 =	vld.idx.msk [tilespmem:v7+s2+$0x0], $0xffff  }
0x284: {  	v1 =	vld.idx.msk [tilespmem:v1+s14+$0x0], $0xffff;
	v3 =	vadd.f32 v41, v3;
	v41 =	vmul.f32 v9, v10  }
0x285: {  	v2 =	vld.idx.msk [tilespmem:v2+s2+$0x0], $0xffff  }
0x286: {  	v3 =	vadd.f32 v41, v3;
	v41 =	vmul.f32 v5, v12;
	_ =	sdelay $0x1  }
0x287: {  	v3 =	vadd.f32 v41, v3;
	v41 =	vmul.f32 v7, v6;
	_ =	sdelay $0x1  }
0x288: {  	s25 =	sadd.s32 $0x2, s25;
	v1 =	vmul.f32 v2, v1;
	v3 =	vadd.f32 v41, v3  }
0x289: {  	p0 =	seq.s32 s25, $0x32;
	s25 =	sshll.u32 s25, $0x9  }
0x28a: {  	s25 =	simm.s32 @p0 $0x0;
	v1 =	vadd.f32 v1, v3  }
0x28b: {  	s24 =	sadd.s32 $0x10, s24;
	s25 =	sshrl.u32 s25, $0x2  }
0x28c: {  	s30 =	sadd.s32 $0xFA00, s25;
	[tilespmem:s24+$0x0] =	vst v1  }
0x28d: {  	[tilespmem:s14], [sflag:$0x1] =	stream.indirect.gather [hbm4b:s3+s13], $0x40, s30, s13, $0xb8;
	[tilespmem:$0x18500] =	vst v63  }
0x28e: {  	_ =	swait.ge [sflag:s11], $0x2000  }
0x28f: {  	[sflag:s11] =	ssyncset.done $0x0  }
0x290: {  	v3 =	vld [tilespmem:$0x1FE20];
	[sflag:s11] =	ssyncadd.s32 $0xFFFFE000  }
0x291: {  	v1 =	vld [tilespmem:s20+$0x0]  }
0x292: {  	s31 =	simm.s32 $0x0  }
0x293: {  	v2 =	vmov s31  }
0x294: {  	v2 =	vshll.u32 v2, $0x6  }
0x295: {  	v2 =	vor.u32 v3, v2  }
0x296: {  	v3 =	vor.u32 v16, v2;
	v1 =	vshll.u32 v1, $0x6  }
0x297: {  	v4 =	vor.u32 v16, v1  }
0x298: {  	v41 =	vor.u32 v18, v2  }
0x299: {  	v6 =	vor.u32 v18, v1  }
0x29a: {  	v7 =	vor.u32 v19, v2  }
0x29b: {  	v8 =	vor.u32 v19, v1;
	v3 =	vld.idx.msk [tilespmem:v3+s15+$0x0], $0xffff  }
0x29c: {  	v9 =	vor.u32 v20, v2;
	v4 =	vld.idx.msk [tilespmem:v4+s2+$0x0], $0xffff  }
0x29d: {  	v10 =	vor.u32 v20, v1;
	v5 =	vld.idx.msk [tilespmem:v41+s15+$0x0], $0xffff  }
0x29e: {  	v11 =	vor.u32 v21, v2;
	v6 =	vld.idx.msk [tilespmem:v6+s2+$0x0], $0xffff  }
0x29f: {  	v12 =	vor.u32 v21, v1;
	v7 =	vld.idx.msk [tilespmem:v7+s15+$0x0], $0xffff  }
0x2a0: {  	v13 =	vor.u32 v22, v2;
	v8 =	vld.idx.msk [tilespmem:v8+s2+$0x0], $0xffff  }
0x2a1: {  	v14 =	vor.u32 v22, v1;
	v9 =	vld.idx.msk [tilespmem:v9+s15+$0x0], $0xffff;
	v3 =	vmul.f32 v4, v3  }
0x2a2: {  	v41 =	vld.idx.msk [tilespmem:v10+s2+$0x0], $0xffff;
	v10 =	vor.u32 v23, v2  }
0x2a3: {  	v15 =	vor.u32 v23, v1;
	v11 =	vld.idx.msk [tilespmem:v11+s15+$0x0], $0xffff;
	v5 =	vmul.f32 v6, v5;
	v3 =	vadd.f32 $0.0e+00, v3  }
0x2a4: {  	v6 =	vld.idx.msk [tilespmem:v12+s2+$0x0], $0xffff;
	v12 =	vor.u32 v24, v2  }
0x2a5: {  	v13 =	vld.idx.msk [tilespmem:v13+s15+$0x0], $0xffff;
	v7 =	vmul.f32 v8, v7;
	v3 =	vadd.f32 v5, v3;
	v5 =	vor.u32 v24, v1  }
0x2a6: {  	v8 =	vld.idx.msk [tilespmem:v14+s2+$0x0], $0xffff;
	v14 =	vor.u32 v25, v2  }
0x2a7: {  	v10 =	vld.idx.msk [tilespmem:v10+s15+$0x0], $0xffff;
	v4 =	vmul.f32 v41, v9;
	v3 =	vadd.f32 v7, v3;
	v7 =	vor.u32 v25, v1  }
0x2a8: {  	v9 =	vld.idx.msk [tilespmem:v15+s2+$0x0], $0xffff;
	v15 =	vor.u32 v26, v2  }
0x2a9: {  	v41 =	vor.u32 v26, v1;
	v12 =	vld.idx.msk [tilespmem:v12+s15+$0x0], $0xffff;
	v6 =	vmul.f32 v6, v11;
	v3 =	vadd.f32 v4, v3  }
0x2aa: {  	v11 =	vor.u32 v27, v2;
	v5 =	vld.idx.msk [tilespmem:v5+s2+$0x0], $0xffff  }
0x2ab: {  	v14 =	vld.idx.msk [tilespmem:v14+s15+$0x0], $0xffff;
	v8 =	vmul.f32 v8, v13;
	v3 =	vadd.f32 v6, v3;
	v6 =	vor.u32 v27, v1  }
0x2ac: {  	v13 =	vor.u32 v28, v2;
	v7 =	vld.idx.msk [tilespmem:v7+s2+$0x0], $0xffff  }
0x2ad: {  	v15 =	vld.idx.msk [tilespmem:v15+s15+$0x0], $0xffff;
	v9 =	vmul.f32 v9, v10;
	v3 =	vadd.f32 v8, v3;
	v8 =	vor.u32 v28, v1  }
0x2ae: {  	v10 =	vor.u32 v29, v2;
	v4 =	vld.idx.msk [tilespmem:v41+s2+$0x0], $0xffff  }
0x2af: {  	v11 =	vld.idx.msk [tilespmem:v11+s15+$0x0], $0xffff;
	v3 =	vadd.f32 v9, v3;
	v9 =	vor.u32 v29, v1;
	v5 =	vmul.f32 v5, v12  }
0x2b0: {  	v12 =	vor.u32 v30, v2;
	v6 =	vld.idx.msk [tilespmem:v6+s2+$0x0], $0xffff  }
0x2b1: {  	v13 =	vld.idx.msk [tilespmem:v13+s15+$0x0], $0xffff;
	v3 =	vadd.f32 v5, v3;
	v5 =	vor.u32 v30, v1;
	v7 =	vmul.f32 v7, v14  }
0x2b2: {  	v14 =	vor.u32 v31, v2;
	v8 =	vld.idx.msk [tilespmem:v8+s2+$0x0], $0xffff  }
0x2b3: {  	v10 =	vld.idx.msk [tilespmem:v10+s15+$0x0], $0xffff;
	v4 =	vmul.f32 v4, v15;
	v3 =	vadd.f32 v7, v3;
	v7 =	vor.u32 v31, v1  }
0x2b4: {  	v15 =	vor.u32 v32, v2;
	v9 =	vld.idx.msk [tilespmem:v9+s2+$0x0], $0xffff  }
0x2b5: {  	v41 =	vor.u32 v32, v1;
	v12 =	vld.idx.msk [tilespmem:v12+s15+$0x0], $0xffff;
	v3 =	vadd.f32 v4, v3;
	v6 =	vmul.f32 v6, v11  }
0x2b6: {  	v11 =	vor.u32 v33, v2;
	v5 =	vld.idx.msk [tilespmem:v5+s2+$0x0], $0xffff  }
0x2b7: {  	v14 =	vld.idx.msk [tilespmem:v14+s15+$0x0], $0xffff;
	v3 =	vadd.f32 v6, v3;
	v6 =	vor.u32 v33, v1;
	v8 =	vmul.f32 v8, v13  }
0x2b8: {  	v13 =	vor.u32 v34, v2;
	v7 =	vld.idx.msk [tilespmem:v7+s2+$0x0], $0xffff  }
0x2b9: {  	v15 =	vld.idx.msk [tilespmem:v15+s15+$0x0], $0xffff;
	v3 =	vadd.f32 v8, v3;
	v8 =	vor.u32 v34, v1;
	v9 =	vmul.f32 v9, v10  }
0x2ba: {  	v4 =	vld.idx.msk [tilespmem:v41+s2+$0x0], $0xffff;
	v10 =	vor.u32 v35, v2  }
0x2bb: {  	v11 =	vld.idx.msk [tilespmem:v11+s15+$0x0], $0xffff;
	v3 =	vadd.f32 v9, v3;
	v9 =	vor.u32 v35, v1;
	v5 =	vmul.f32 v5, v12  }
0x2bc: {  	v12 =	vor.u32 v36, v2;
	v6 =	vld.idx.msk [tilespmem:v6+s2+$0x0], $0xffff  }
0x2bd: {  	v13 =	vld.idx.msk [tilespmem:v13+s15+$0x0], $0xffff;
	v3 =	vadd.f32 v5, v3;
	v5 =	vor.u32 v36, v1;
	v7 =	vmul.f32 v7, v14  }
0x2be: {  	v14 =	vor.u32 v39, v2;
	v8 =	vld.idx.msk [tilespmem:v8+s2+$0x0], $0xffff  }
0x2bf: {  	v4 =	vmul.f32 v4, v15;
	v10 =	vld.idx.msk [tilespmem:v10+s15+$0x0], $0xffff;
	v3 =	vadd.f32 v7, v3;
	v7 =	vor.u32 v39, v1  }
0x2c0: {  	v15 =	vor.u32 v42, v2;
	v9 =	vld.idx.msk [tilespmem:v9+s2+$0x0], $0xffff  }
0x2c1: {  	v41 =	vor.u32 v42, v1;
	v12 =	vld.idx.msk [tilespmem:v12+s15+$0x0], $0xffff;
	v3 =	vadd.f32 v4, v3;
	v6 =	vmul.f32 v6, v11  }
0x2c2: {  	v11 =	vor.u32 v43, v2;
	v5 =	vld.idx.msk [tilespmem:v5+s2+$0x0], $0xffff  }
0x2c3: {  	v14 =	vld.idx.msk [tilespmem:v14+s15+$0x0], $0xffff;
	v3 =	vadd.f32 v6, v3;
	v6 =	vor.u32 v43, v1;
	v8 =	vmul.f32 v8, v13  }
0x2c4: {  	v7 =	vld.idx.msk [tilespmem:v7+s2+$0x0], $0xffff  }
0x2c5: {  	v15 =	vld.idx.msk [tilespmem:v15+s15+$0x0], $0xffff;
	v3 =	vadd.f32 v8, v3;
	v9 =	vmul.f32 v9, v10  }
0x2c6: {  	v4 =	vld.idx.msk [tilespmem:v41+s2+$0x0], $0xffff  }
0x2c7: {  	v13 =	vor.u32 v44, v2;
	v11 =	vld.idx.msk [tilespmem:v11+s15+$0x0], $0xffff;
	v3 =	vadd.f32 v9, v3;
	v5 =	vmul.f32 v5, v12  }
0x2c8: {  	v8 =	vor.u32 v44, v1;
	v6 =	vld.idx.msk [tilespmem:v6+s2+$0x0], $0xffff  }
0x2c9: {  	v3 =	vadd.f32 v5, v3;
	v7 =	vmul.f32 v7, v14  }
0x2ca: {  	v17 =	vld [tilespmem:$0x1FF50]  }
0x2cb: {  	v4 =	vmul.f32 v4, v15;
	v3 =	vadd.f32 v7, v3  }
0x2cc: {  	v10 =	vor.u32 v45, v2;
	v13 =	vld.idx.msk [tilespmem:v13+s15+$0x0], $0xffff  }
0x2cd: {  	v9 =	vor.u32 v45, v1;
	v8 =	vld.idx.msk [tilespmem:v8+s2+$0x0], $0xffff;
	v3 =	vadd.f32 v4, v3;
	v6 =	vmul.f32 v6, v11;
	_ =	sdelay $0x1  }
0x2ce: {  	v11 =	vor.u32 v17, v2;
	v3 =	vadd.f32 v6, v3;
	v6 =	vor.u32 v17, v1;
	v17 =	vld [tilespmem:$0x1FEC0];
	_ =	sdelay $0x1  }
0x2cf: {  	v12 =	vor.u32 v50, v2;
	v10 =	vld.idx.msk [tilespmem:v10+s15+$0x0], $0xffff  }
0x2d0: {  	v5 =	vor.u32 v50, v1;
	v9 =	vld.idx.msk [tilespmem:v9+s2+$0x0], $0xffff;
	v8 =	vmul.f32 v8, v13;
	_ =	sdelay $0x1  }
0x2d1: {  	v3 =	vadd.f32 v8, v3;
	v13 =	vor.u32 v17, v2;
	v8 =	vor.u32 v17, v1;
	v17 =	vld [tilespmem:$0x1FED0]  }
0x2d2: {  	v41 =	vld [tilespmem:$0x1FF60]  }
0x2d3: {  	v14 =	vor.u32 v53, v2;
	v12 =	vld.idx.msk [tilespmem:v12+s15+$0x0], $0xffff  }
0x2d4: {  	v7 =	vor.u32 v53, v1;
	v5 =	vld.idx.msk [tilespmem:v5+s2+$0x0], $0xffff;
	v9 =	vmul.f32 v9, v10;
	_ =	sdelay $0x1  }
0x2d5: {  	v3 =	vadd.f32 v9, v3;
	v10 =	vor.u32 v17, v2;
	v9 =	vor.u32 v17, v1;
	v17 =	vld [tilespmem:$0x1FEE0];
	_ =	sdelay $0x1  }
0x2d6: {  	v15 =	vor.u32 v41, v2;
	v14 =	vld.idx.msk [tilespmem:v14+s15+$0x0], $0xffff  }
0x2d7: {  	v4 =	vor.u32 v41, v1;
	v7 =	vld.idx.msk [tilespmem:v7+s2+$0x0], $0xffff;
	v5 =	vmul.f32 v5, v12;
	_ =	sdelay $0x1  }
0x2d8: {  	v3 =	vadd.f32 v5, v3;
	v12 =	vor.u32 v17, v2;
	v5 =	vor.u32 v17, v1;
	v17 =	vld [tilespmem:$0x1FEF0];
	_ =	sdelay $0x1  }
0x2d9: {  	v15 =	vld.idx.msk [tilespmem:v15+s15+$0x0], $0xffff  }
0x2da: {  	v4 =	vld.idx.msk [tilespmem:v4+s2+$0x0], $0xffff;
	v7 =	vmul.f32 v7, v14;
	_ =	sdelay $0x1  }
0x2db: {  	v3 =	vadd.f32 v7, v3;
	v14 =	vor.u32 v17, v2;
	v7 =	vor.u32 v17, v1;
	v17 =	vld [tilespmem:$0x1FF40];
	_ =	sdelay $0x1  }
0x2dc: {  	v11 =	vld.idx.msk [tilespmem:v11+s15+$0x0], $0xffff  }
0x2dd: {  	v6 =	vld.idx.msk [tilespmem:v6+s2+$0x0], $0xffff;
	v4 =	vmul.f32 v4, v15;
	_ =	sdelay $0x1  }
0x2de: {  	v3 =	vadd.f32 v4, v3;
	v15 =	vor.u32 v17, v2;
	v4 =	vor.u32 v17, v1;
	v17 =	vld [tilespmem:$0x1FF30];
	_ =	sdelay $0x1  }
0x2df: {  	v13 =	vld.idx.msk [tilespmem:v13+s15+$0x0], $0xffff  }
0x2e0: {  	v8 =	vld.idx.msk [tilespmem:v8+s2+$0x0], $0xffff;
	v6 =	vmul.f32 v6, v11;
	_ =	sdelay $0x1  }
0x2e1: {  	v3 =	vadd.f32 v6, v3;
	v11 =	vor.u32 v17, v2;
	v6 =	vor.u32 v17, v1;
	v17 =	vld [tilespmem:$0x1FF20];
	_ =	sdelay $0x1  }
0x2e2: {  	v10 =	vld.idx.msk [tilespmem:v10+s15+$0x0], $0xffff  }
0x2e3: {  	v9 =	vld.idx.msk [tilespmem:v9+s2+$0x0], $0xffff;
	v8 =	vmul.f32 v8, v13;
	_ =	sdelay $0x1  }
0x2e4: {  	v3 =	vadd.f32 v8, v3;
	v13 =	vor.u32 v17, v2;
	v8 =	vor.u32 v17, v1;
	v17 =	vld [tilespmem:$0x1FFD0];
	_ =	sdelay $0x1  }
0x2e5: {  	v12 =	vld.idx.msk [tilespmem:v12+s15+$0x0], $0xffff  }
0x2e6: {  	v5 =	vld.idx.msk [tilespmem:v5+s2+$0x0], $0xffff;
	v9 =	vmul.f32 v9, v10  }
0x2e7: {  	v15 =	vld.idx.msk [tilespmem:v15+s15+$0x0], $0xffff  }
0x2e8: {  	v3 =	vadd.f32 v9, v3;
	v10 =	vor.u32 v17, v2;
	v9 =	vor.u32 v17, v1;
	v17 =	vld [tilespmem:$0x1FFF0]  }
0x2e9: {  	v4 =	vld.idx.msk [tilespmem:v4+s2+$0x0], $0xffff  }
0x2ea: {  	v14 =	vld.idx.msk [tilespmem:v14+s15+$0x0], $0xffff  }
0x2eb: {  	v7 =	vld.idx.msk [tilespmem:v7+s2+$0x0], $0xffff;
	v5 =	vmul.f32 v5, v12;
	_ =	sdelay $0x1  }
0x2ec: {  	v3 =	vadd.f32 v5, v3;
	v12 =	vor.u32 v17, v2;
	v5 =	vor.u32 v17, v1;
	v17 =	vld [tilespmem:$0x1FFE0]  }
0x2ed: {  	v11 =	vld.idx.msk [tilespmem:v11+s15+$0x0], $0xffff;
	v4 =	vmul.f32 v4, v15;
	v15 =	vor.u32 v40, v2  }
0x2ee: {  	v6 =	vld.idx.msk [tilespmem:v6+s2+$0x0], $0xffff  }
0x2ef: {  	v7 =	vmul.f32 v7, v14;
	v13 =	vld.idx.msk [tilespmem:v13+s15+$0x0], $0xffff  }
0x2f0: {  	v8 =	vld.idx.msk [tilespmem:v8+s2+$0x0], $0xffff  }
0x2f1: {  	v3 =	vadd.f32 v7, v3;
	v14 =	vor.u32 v17, v2;
	v7 =	vor.u32 v17, v1;
	v17 =	vld [tilespmem:$0x1FE90]  }
0x2f2: {  	v15 =	vld.idx.msk [tilespmem:v15+s15+$0x0], $0xffff  }
0x2f3: {  	v10 =	vld.idx.msk [tilespmem:v10+s15+$0x0], $0xffff  }
0x2f4: {  	v40 =	vor.u32 v40, v1;
	v9 =	vld.idx.msk [tilespmem:v9+s2+$0x0], $0xffff  }
0x2f5: {  	v3 =	vadd.f32 v4, v3;
	v6 =	vmul.f32 v6, v11;
	v12 =	vld.idx.msk [tilespmem:v12+s15+$0x0], $0xffff  }
0x2f6: {  	v5 =	vld.idx.msk [tilespmem:v5+s2+$0x0], $0xffff;
	v11 =	vor.u32 v17, v2  }
0x2f7: {  	v3 =	vadd.f32 v6, v3;
	v8 =	vmul.f32 v8, v13;
	v14 =	vld.idx.msk [tilespmem:v14+s15+$0x0], $0xffff;
	v6 =	vor.u32 v17, v1  }
0x2f8: {  	v13 =	vor.u32 v37, v2;
	v7 =	vld.idx.msk [tilespmem:v7+s2+$0x0], $0xffff  }
0x2f9: {  	v4 =	vld.idx.msk [tilespmem:v40+s2+$0x0], $0xffff;
	v3 =	vadd.f32 v8, v3;
	v8 =	vor.u32 v37, v1;
	v9 =	vmul.f32 v9, v10  }
0x2fa: {  	v10 =	vor.u32 v57, v2;
	v17 =	vld [tilespmem:$0x1FE30]  }
0x2fb: {  	v3 =	vadd.f32 v9, v3;
	v5 =	vmul.f32 v5, v12;
	v11 =	vld.idx.msk [tilespmem:v11+s15+$0x0], $0xffff  }
0x2fc: {  	v9 =	vor.u32 v57, v1;
	v6 =	vld.idx.msk [tilespmem:v6+s2+$0x0], $0xffff  }
0x2fd: {  	v37 =	vor.u32 v55, v1;
	v13 =	vld.idx.msk [tilespmem:v13+s15+$0x0], $0xffff;
	v3 =	vadd.f32 v5, v3;
	v7 =	vmul.f32 v7, v14  }
0x2fe: {  	v8 =	vld.idx.msk [tilespmem:v8+s2+$0x0], $0xffff  }
0x2ff: {  	v4 =	vmul.f32 v4, v15;
	v10 =	vld.idx.msk [tilespmem:v10+s15+$0x0], $0xffff;
	v12 =	vor.u32 v17, v2;
	v3 =	vadd.f32 v7, v3  }
0x300: {  	v57 =	vor.u32 v17, v1;
	v17 =	vld [tilespmem:$0x1FE60]  }
0x301: {  	v9 =	vld.idx.msk [tilespmem:v9+s2+$0x0], $0xffff;
	v3 =	vadd.f32 v4, v3;
	v6 =	vmul.f32 v6, v11  }
0x302: {  	v14 =	vor.u32 v58, v2;
	v4 =	vld.idx.msk [tilespmem:v37+s2+$0x0], $0xffff  }
0x303: {  	v8 =	vmul.f32 v8, v13;
	v7 =	vor.u32 v58, v1;
	v37 =	vld [tilespmem:$0x1FFC0];
	v3 =	vadd.f32 v6, v3  }
0x304: {  	v15 =	vor.u32 v55, v2;
	v12 =	vld.idx.msk [tilespmem:v12+s15+$0x0], $0xffff  }
0x305: {  	v13 =	vor.u32 v17, v2;
	v3 =	vadd.f32 v8, v3;
	v8 =	vor.u32 v17, v1;
	v17 =	vld [tilespmem:$0x1FEA0]  }
0x306: {  	v5 =	vld.idx.msk [tilespmem:v57+s2+$0x0], $0xffff;
	v11 =	vor.u32 v54, v2  }
0x307: {  	v14 =	vld.idx.msk [tilespmem:v14+s15+$0x0], $0xffff;
	v6 =	vor.u32 v54, v1  }
0x308: {  	v7 =	vld.idx.msk [tilespmem:v7+s2+$0x0], $0xffff  }
0x309: {  	v9 =	vmul.f32 v9, v10  }
0x30a: {  	v15 =	vld.idx.msk [tilespmem:v15+s15+$0x0], $0xffff;
	v10 =	vor.u32 v17, v2  }
0x30b: {  	v11 =	vld.idx.msk [tilespmem:v11+s15+$0x0], $0xffff;
	v5 =	vmul.f32 v5, v12;
	v3 =	vadd.f32 v9, v3;
	v9 =	vor.u32 v17, v1  }
0x30c: {  	v40 =	vor.u32 v37, v1;
	v6 =	vld.idx.msk [tilespmem:v6+s2+$0x0], $0xffff  }
0x30d: {  	v12 =	vor.u32 v37, v2;
	v13 =	vld.idx.msk [tilespmem:v13+s15+$0x0], $0xffff;
	v7 =	vmul.f32 v7, v14;
	v3 =	vadd.f32 v5, v3  }
0x30e: {  	v14 =	vor.u32 v47, v2;
	v8 =	vld.idx.msk [tilespmem:v8+s2+$0x0], $0xffff  }
0x30f: {  	v4 =	vmul.f32 v4, v15;
	v3 =	vadd.f32 v7, v3;
	v7 =	vor.u32 v47, v1;
	v10 =	vld.idx.msk [tilespmem:v10+s15+$0x0], $0xffff  }
0x310: {  	v15 =	vor.u32 v56, v2;
	v9 =	vld.idx.msk [tilespmem:v9+s2+$0x0], $0xffff  }
0x311: {  	v54 =	vor.u32 v56, v1;
	v5 =	vld.idx.msk [tilespmem:v40+s2+$0x0], $0xffff;
	v3 =	vadd.f32 v4, v3;
	v6 =	vmul.f32 v6, v11  }
0x312: {  	v12 =	vld.idx.msk [tilespmem:v12+s15+$0x0], $0xffff;
	v11 =	vor.u32 v38, v2  }
0x313: {  	v14 =	vld.idx.msk [tilespmem:v14+s15+$0x0], $0xffff;
	v3 =	vadd.f32 v6, v3;
	v6 =	vor.u32 v38, v1;
	v8 =	vmul.f32 v8, v13  }
0x314: {  	v13 =	vor.u32 v61, v2;
	v7 =	vld.idx.msk [tilespmem:v7+s2+$0x0], $0xffff  }
0x315: {  	v15 =	vld.idx.msk [tilespmem:v15+s15+$0x0], $0xffff;
	v3 =	vadd.f32 v8, v3;
	v8 =	vor.u32 v61, v1;
	v9 =	vmul.f32 v9, v10  }
0x316: {  	v4 =	vld.idx.msk [tilespmem:v54+s2+$0x0], $0xffff;
	v10 =	vor.u32 v62, v2  }
0x317: {  	v5 =	vmul.f32 v5, v12;
	v11 =	vld.idx.msk [tilespmem:v11+s15+$0x0], $0xffff;
	v3 =	vadd.f32 v9, v3;
	v9 =	vor.u32 v62, v1  }
0x318: {  	v12 =	vor.u32 v63, v2;
	v6 =	vld.idx.msk [tilespmem:v6+s2+$0x0], $0xffff  }
0x319: {  	v55 =	vor.u32 v63, v1;
	v13 =	vld.idx.msk [tilespmem:v13+s15+$0x0], $0xffff;
	v7 =	vmul.f32 v7, v14;
	v3 =	vadd.f32 v5, v3  }
0x31a: {  	v14 =	vor.u32 v60, v2;
	v8 =	vld.idx.msk [tilespmem:v8+s2+$0x0], $0xffff  }
0x31b: {  	v4 =	vmul.f32 v4, v15;
	v10 =	vld.idx.msk [tilespmem:v10+s15+$0x0], $0xffff;
	v3 =	vadd.f32 v7, v3;
	v7 =	vor.u32 v60, v1  }
0x31c: {  	v15 =	vor.u32 v59, v2;
	v9 =	vld.idx.msk [tilespmem:v9+s2+$0x0], $0xffff  }
0x31d: {  	v57 =	vor.u32 v59, v1;
	v12 =	vld.idx.msk [tilespmem:v12+s15+$0x0], $0xffff;
	v6 =	vmul.f32 v6, v11;
	v3 =	vadd.f32 v4, v3  }
0x31e: {  	v5 =	vld.idx.msk [tilespmem:v55+s2+$0x0], $0xffff;
	v11 =	vor.u32 v52, v2  }
0x31f: {  	v14 =	vld.idx.msk [tilespmem:v14+s15+$0x0], $0xffff;
	v8 =	vmul.f32 v8, v13;
	v3 =	vadd.f32 v6, v3;
	v6 =	vor.u32 v52, v1  }
0x320: {  	v13 =	vor.u32 v0, v2;
	v7 =	vld.idx.msk [tilespmem:v7+s2+$0x0], $0xffff  }
0x321: {  	v15 =	vld.idx.msk [tilespmem:v15+s15+$0x0], $0xffff;
	v3 =	vadd.f32 v8, v3;
	v8 =	vor.u32 v0, v1;
	v9 =	vmul.f32 v9, v10  }
0x322: {  	v4 =	vld.idx.msk [tilespmem:v57+s2+$0x0], $0xffff;
	v10 =	vor.u32 v51, v2  }
0x323: {  	v5 =	vmul.f32 v5, v12;
	v11 =	vld.idx.msk [tilespmem:v11+s15+$0x0], $0xffff;
	v3 =	vadd.f32 v9, v3;
	v9 =	vor.u32 v51, v1  }
0x324: {  	v38 =	vor.u32 v49, v1;
	v6 =	vld.idx.msk [tilespmem:v6+s2+$0x0], $0xffff  }
0x325: {  	v12 =	vor.u32 v49, v2;
	v13 =	vld.idx.msk [tilespmem:v13+s15+$0x0], $0xffff;
	v3 =	vadd.f32 v5, v3;
	v7 =	vmul.f32 v7, v14  }
0x326: {  	v14 =	vor.u32 v48, v2;
	v8 =	vld.idx.msk [tilespmem:v8+s2+$0x0], $0xffff  }
0x327: {  	v4 =	vmul.f32 v4, v15;
	v3 =	vadd.f32 v7, v3;
	v7 =	vld.idx.msk [tilespmem:v10+s15+$0x0], $0xffff;
	v10 =	vor.u32 v48, v1  }
0x328: {  	v2 =	vor.u32 v46, v2;
	v9 =	vld.idx.msk [tilespmem:v9+s2+$0x0], $0xffff  }
0x329: {  	v5 =	vld.idx.msk [tilespmem:v38+s2+$0x0], $0xffff;
	v1 =	vor.u32 v46, v1;
	v3 =	vadd.f32 v4, v3;
	v47 =	vmul.f32 v6, v11  }
0x32a: {  	v6 =	vld.idx.msk [tilespmem:v12+s15+$0x0], $0xffff  }
0x32b: {  	v3 =	vadd.f32 v47, v3;
	v54 =	vmul.f32 v8, v13;
	v8 =	vld.idx.msk [tilespmem:v14+s15+$0x0], $0xffff  }
0x32c: {  	v10 =	vld.idx.msk [tilespmem:v10+s2+$0x0], $0xffff  }
0x32d: {  	v2 =	vld.idx.msk [tilespmem:v2+s15+$0x0], $0xffff;
	v3 =	vadd.f32 v54, v3;
	v55 =	vmul.f32 v9, v7  }
0x32e: {  	v1 =	vld.idx.msk [tilespmem:v1+s2+$0x0], $0xffff  }
0x32f: {  	v57 =	vmul.f32 v5, v6;
	v3 =	vadd.f32 v55, v3;
	_ =	sdelay $0x1  }
0x330: {  	v40 =	vmov v59;
	v38 =	vld [tilespmem:$0x1FF20];
	v3 =	vadd.f32 v57, v3;
	v59 =	vmul.f32 v10, v8  }
0x331: {  	v12 =	vmov v21;
	v21 =	vmov v41;
	v41 =	vld [tilespmem:$0x1FFD0]  }
0x332: {  	v47 =	vld [tilespmem:$0x1FFF0];
	v1 =	vmul.f32 v1, v2;
	v3 =	vadd.f32 v59, v3  }
0x333: {  	v54 =	vld [tilespmem:$0x1FF40]  }
0x334: {  	v55 =	vld [tilespmem:$0x1FFE0];
	v1 =	vadd.f32 v1, v3  }
0x335: {  	v57 =	vld [tilespmem:$0x1FF30]  }
0x336: {  	s25 =	sadd.s32 $0x10, s20;
	v17 =	vmovc v34;
	v15 =	vmov v18;
	v18 =	vmov v33;
	v14 =	vmov v22;
	v59 =	vld [tilespmem:$0x1FF50];
	[tilespmem:s21+$0x0] =	vst v1  }
0x337: {  	s26 =	simm.s32 $0x10;
	s28 =	simm.s32 $0x20;
	s24 =	smov.u32 s21;
	v22 =	vmovc v36;
	v8 =	vmovc v19;
	v10 =	vmov v20;
	v19 =	vmov v32;
	v20 =	vmov v35;
	v2 =	vld [tilespmem:s25+$0x0]  }
.LBB2_5:
0x338: {  	v3 =	vld [tilespmem:$0x1FE20];
	_ =	sdelay $0x2  }
0x339: {  	v1 =	vmov s26  }
0x33a: {  	v1 =	vshll.u32 v1, $0x6;
	v2 =	vshll.u32 v2, $0x6  }
0x33b: {  	v1 =	vor.u32 v3, v1;
	v4 =	vor.u32 v16, v2  }
0x33c: {  	v3 =	vor.u32 v16, v1  }
0x33d: {  	v6 =	vor.u32 v15, v2  }
0x33e: {  	v5 =	vor.u32 v15, v1  }
0x33f: {  	v7 =	vor.u32 v8, v1  }
0x340: {  	v33 =	vmov v8;
	v8 =	vor.u32 v8, v2;
	v4 =	vld.idx.msk [tilespmem:v4+s2+$0x0], $0xffff  }
0x341: {  	v9 =	vor.u32 v10, v1;
	v3 =	vld.idx.msk [tilespmem:v3+s15+$0x0], $0xffff  }
0x342: {  	v34 =	vmov v10;
	v10 =	vor.u32 v10, v2;
	v6 =	vld.idx.msk [tilespmem:v6+s2+$0x0], $0xffff  }
0x343: {  	v11 =	vor.u32 v12, v1;
	v5 =	vld.idx.msk [tilespmem:v5+s15+$0x0], $0xffff  }
0x344: {  	v35 =	vmov v12;
	v12 =	vor.u32 v12, v2;
	v7 =	vld.idx.msk [tilespmem:v7+s15+$0x0], $0xffff  }
0x345: {  	v13 =	vor.u32 v14, v1;
	v8 =	vld.idx.msk [tilespmem:v8+s2+$0x0], $0xffff  }
0x346: {  	v36 =	vmov v14;
	v14 =	vor.u32 v14, v2;
	v9 =	vld.idx.msk [tilespmem:v9+s15+$0x0], $0xffff;
	v3 =	vmul.f32 v4, v3  }
0x347: {  	v4 =	vld.idx.msk [tilespmem:v10+s2+$0x0], $0xffff;
	v10 =	vor.u32 v23, v1  }
0x348: {  	v32 =	vmovc v15;
	v15 =	vor.u32 v23, v2;
	v11 =	vld.idx.msk [tilespmem:v11+s15+$0x0], $0xffff;
	v5 =	vmul.f32 v6, v5;
	v3 =	vadd.f32 $0.0e+00, v3  }
0x349: {  	v6 =	vld.idx.msk [tilespmem:v12+s2+$0x0], $0xffff;
	v12 =	vor.u32 v24, v1  }
0x34a: {  	v16 =	vor.u32 v24, v2;
	v13 =	vld.idx.msk [tilespmem:v13+s15+$0x0], $0xffff;
	v3 =	vadd.f32 v5, v3;
	v5 =	vmul.f32 v8, v7  }
0x34b: {  	v7 =	vld.idx.msk [tilespmem:v14+s2+$0x0], $0xffff;
	v8 =	vor.u32 v25, v1  }
0x34c: {  	v14 =	vor.u32 v25, v2;
	v10 =	vld.idx.msk [tilespmem:v10+s15+$0x0], $0xffff;
	v4 =	vmul.f32 v4, v9;
	v3 =	vadd.f32 v5, v3  }
0x34d: {  	v9 =	vor.u32 v26, v1;
	v5 =	vld.idx.msk [tilespmem:v15+s2+$0x0], $0xffff  }
0x34e: {  	v12 =	vld.idx.msk [tilespmem:v12+s15+$0x0], $0xffff;
	v15 =	vor.u32 v26, v2;
	v3 =	vadd.f32 v4, v3;
	v4 =	vmul.f32 v6, v11  }
0x34f: {  	v6 =	vld.idx.msk [tilespmem:v16+s2+$0x0], $0xffff;
	v11 =	vor.u32 v27, v1  }
0x350: {  	v16 =	vor.u32 v27, v2;
	v8 =	vld.idx.msk [tilespmem:v8+s15+$0x0], $0xffff;
	v3 =	vadd.f32 v4, v3;
	v4 =	vmul.f32 v7, v13  }
0x351: {  	v7 =	vld.idx.msk [tilespmem:v14+s2+$0x0], $0xffff;
	v13 =	vor.u32 v28, v1  }
0x352: {  	v9 =	vld.idx.msk [tilespmem:v9+s15+$0x0], $0xffff;
	v14 =	vor.u32 v28, v2;
	v3 =	vadd.f32 v4, v3;
	v4 =	vmul.f32 v5, v10  }
0x353: {  	v5 =	vld.idx.msk [tilespmem:v15+s2+$0x0], $0xffff;
	v10 =	vor.u32 v29, v1  }
0x354: {  	v15 =	vor.u32 v29, v2;
	v11 =	vld.idx.msk [tilespmem:v11+s15+$0x0], $0xffff;
	v3 =	vadd.f32 v4, v3;
	v4 =	vmul.f32 v6, v12  }
0x355: {  	v6 =	vld.idx.msk [tilespmem:v16+s2+$0x0], $0xffff;
	v12 =	vor.u32 v30, v1  }
0x356: {  	v16 =	vor.u32 v30, v2;
	v13 =	vld.idx.msk [tilespmem:v13+s15+$0x0], $0xffff;
	v3 =	vadd.f32 v4, v3;
	v4 =	vmul.f32 v7, v8  }
0x357: {  	v7 =	vld.idx.msk [tilespmem:v14+s2+$0x0], $0xffff;
	v8 =	vor.u32 v31, v1  }
0x358: {  	v14 =	vor.u32 v31, v2;
	v10 =	vld.idx.msk [tilespmem:v10+s15+$0x0], $0xffff;
	v3 =	vadd.f32 v4, v3;
	v4 =	vmul.f32 v5, v9  }
0x359: {  	v5 =	vld.idx.msk [tilespmem:v15+s2+$0x0], $0xffff;
	v9 =	vor.u32 v19, v1  }
0x35a: {  	v15 =	vor.u32 v19, v2;
	v12 =	vld.idx.msk [tilespmem:v12+s15+$0x0], $0xffff;
	v3 =	vadd.f32 v4, v3;
	v4 =	vmul.f32 v6, v11  }
0x35b: {  	v6 =	vld.idx.msk [tilespmem:v16+s2+$0x0], $0xffff;
	v11 =	vor.u32 v18, v1  }
0x35c: {  	v16 =	vor.u32 v18, v2;
	v8 =	vld.idx.msk [tilespmem:v8+s15+$0x0], $0xffff;
	v3 =	vadd.f32 v4, v3;
	v4 =	vmul.f32 v7, v13  }
0x35d: {  	v7 =	vld.idx.msk [tilespmem:v14+s2+$0x0], $0xffff;
	v13 =	vor.u32 v17, v1  }
0x35e: {  	v14 =	vor.u32 v17, v2;
	v9 =	vld.idx.msk [tilespmem:v9+s15+$0x0], $0xffff;
	v3 =	vadd.f32 v4, v3;
	v4 =	vmul.f32 v5, v10  }
0x35f: {  	v5 =	vld.idx.msk [tilespmem:v15+s2+$0x0], $0xffff;
	v10 =	vor.u32 v20, v1  }
0x360: {  	v15 =	vor.u32 v20, v2;
	v11 =	vld.idx.msk [tilespmem:v11+s15+$0x0], $0xffff;
	v3 =	vadd.f32 v4, v3;
	v4 =	vmul.f32 v6, v12  }
0x361: {  	v6 =	vld.idx.msk [tilespmem:v16+s2+$0x0], $0xffff;
	v12 =	vor.u32 v22, v1  }
0x362: {  	v16 =	vor.u32 v22, v2;
	v13 =	vld.idx.msk [tilespmem:v13+s15+$0x0], $0xffff;
	v3 =	vadd.f32 v4, v3;
	v4 =	vmul.f32 v7, v8  }
0x363: {  	v7 =	vld.idx.msk [tilespmem:v14+s2+$0x0], $0xffff;
	v8 =	vor.u32 v39, v1  }
0x364: {  	v14 =	vor.u32 v39, v2;
	v10 =	vld.idx.msk [tilespmem:v10+s15+$0x0], $0xffff;
	v3 =	vadd.f32 v4, v3;
	v4 =	vmul.f32 v5, v9  }
0x365: {  	v5 =	vld.idx.msk [tilespmem:v15+s2+$0x0], $0xffff;
	v9 =	vor.u32 v42, v1  }
0x366: {  	v15 =	vor.u32 v42, v2;
	v12 =	vld.idx.msk [tilespmem:v12+s15+$0x0], $0xffff;
	v3 =	vadd.f32 v4, v3;
	v4 =	vmul.f32 v6, v11  }
0x367: {  	v6 =	vld.idx.msk [tilespmem:v16+s2+$0x0], $0xffff;
	v11 =	vor.u32 v43, v1  }
0x368: {  	v16 =	vor.u32 v43, v2;
	v8 =	vld.idx.msk [tilespmem:v8+s15+$0x0], $0xffff;
	v3 =	vadd.f32 v4, v3;
	v4 =	vmul.f32 v7, v13  }
0x369: {  	v7 =	vld.idx.msk [tilespmem:v14+s2+$0x0], $0xffff;
	v13 =	vor.u32 v44, v1  }
0x36a: {  	v14 =	vor.u32 v44, v2;
	v9 =	vld.idx.msk [tilespmem:v9+s15+$0x0], $0xffff;
	v3 =	vadd.f32 v4, v3;
	v4 =	vmul.f32 v5, v10  }
0x36b: {  	v5 =	vld.idx.msk [tilespmem:v15+s2+$0x0], $0xffff  }
0x36c: {  	v11 =	vld.idx.msk [tilespmem:v11+s15+$0x0], $0xffff;
	v3 =	vadd.f32 v4, v3;
	v4 =	vmul.f32 v6, v12  }
0x36d: {  	v6 =	vld.idx.msk [tilespmem:v16+s2+$0x0], $0xffff  }
0x36e: {  	v10 =	vor.u32 v45, v1;
	v13 =	vld.idx.msk [tilespmem:v13+s15+$0x0], $0xffff;
	v3 =	vadd.f32 v4, v3;
	v4 =	vmul.f32 v7, v8  }
0x36f: {  	v7 =	vld.idx.msk [tilespmem:v14+s2+$0x0], $0xffff;
	v14 =	vor.u32 v53, v2  }
0x370: {  	v3 =	vadd.f32 v4, v3;
	v4 =	vmul.f32 v5, v9  }
0x371: {  	v15 =	vor.u32 v45, v2  }
0x372: {  	v12 =	vor.u32 v50, v1;
	v3 =	vadd.f32 v4, v3;
	v4 =	vmul.f32 v6, v11  }
0x373: {  	v16 =	vor.u32 v50, v2;
	v10 =	vld.idx.msk [tilespmem:v10+s15+$0x0], $0xffff  }
0x374: {  	v3 =	vadd.f32 v4, v3;
	v4 =	vmul.f32 v7, v13;
	v7 =	vld.idx.msk [tilespmem:v14+s2+$0x0], $0xffff  }
0x375: {  	v8 =	vor.u32 v53, v1;
	v14 =	vld [tilespmem:$0x1FEC0]  }
0x376: {  	v5 =	vld.idx.msk [tilespmem:v15+s2+$0x0], $0xffff;
	v15 =	vor.u32 v21, v2  }
0x377: {  	v12 =	vld.idx.msk [tilespmem:v12+s15+$0x0], $0xffff  }
0x378: {  	v6 =	vld.idx.msk [tilespmem:v16+s2+$0x0], $0xffff;
	v16 =	vor.u32 v59, v2;
	_ =	sdelay $0x1  }
0x379: {  	v8 =	vld.idx.msk [tilespmem:v8+s15+$0x0], $0xffff;
	v13 =	vor.u32 v14, v1;
	v14 =	vor.u32 v14, v2  }
0x37a: {  	v3 =	vadd.f32 v4, v3;
	v4 =	vmul.f32 v5, v10;
	v5 =	vld.idx.msk [tilespmem:v15+s2+$0x0], $0xffff  }
0x37b: {  	v9 =	vor.u32 v21, v1;
	v15 =	vld [tilespmem:$0x1FED0]  }
0x37c: {  	v3 =	vadd.f32 v4, v3;
	v4 =	vmul.f32 v6, v12;
	v6 =	vld.idx.msk [tilespmem:v16+s2+$0x0], $0xffff  }
0x37d: {  	v11 =	vor.u32 v59, v1;
	v16 =	vld [tilespmem:$0x1FEE0]  }
0x37e: {  	v3 =	vadd.f32 v4, v3;
	v4 =	vmul.f32 v7, v8;
	v7 =	vld.idx.msk [tilespmem:v14+s2+$0x0], $0xffff  }
0x37f: {  	v14 =	vld [tilespmem:$0x1FEF0]  }
0x380: {  	v9 =	vld.idx.msk [tilespmem:v9+s15+$0x0], $0xffff;
	v10 =	vor.u32 v15, v1  }
0x381: {  	v15 =	vor.u32 v15, v2  }
0x382: {  	v11 =	vld.idx.msk [tilespmem:v11+s15+$0x0], $0xffff;
	v12 =	vor.u32 v16, v1  }
0x383: {  	v16 =	vor.u32 v16, v2  }
0x384: {  	v13 =	vld.idx.msk [tilespmem:v13+s15+$0x0], $0xffff;
	v8 =	vor.u32 v14, v1  }
0x385: {  	v3 =	vadd.f32 v4, v3;
	v4 =	vmul.f32 v5, v9;
	v10 =	vld.idx.msk [tilespmem:v10+s15+$0x0], $0xffff;
	v14 =	vor.u32 v14, v2  }
0x386: {  	v9 =	vor.u32 v54, v1;
	v5 =	vld.idx.msk [tilespmem:v15+s2+$0x0], $0xffff  }
0x387: {  	v3 =	vadd.f32 v4, v3;
	v4 =	vmul.f32 v6, v11;
	v15 =	vor.u32 v54, v2;
	v12 =	vld.idx.msk [tilespmem:v12+s15+$0x0], $0xffff  }
0x388: {  	v6 =	vld.idx.msk [tilespmem:v16+s2+$0x0], $0xffff  }
0x389: {  	v11 =	vor.u32 v57, v1;
	v3 =	vadd.f32 v4, v3;
	v4 =	vmul.f32 v7, v13;
	v8 =	vld.idx.msk [tilespmem:v8+s15+$0x0], $0xffff  }
0x38a: {  	v16 =	vor.u32 v57, v2;
	v7 =	vld.idx.msk [tilespmem:v14+s2+$0x0], $0xffff  }
0x38b: {  	v9 =	vld.idx.msk [tilespmem:v9+s15+$0x0], $0xffff;
	v13 =	vor.u32 v38, v1;
	v3 =	vadd.f32 v4, v3;
	v4 =	vmul.f32 v5, v10  }
0x38c: {  	v5 =	vld.idx.msk [tilespmem:v15+s2+$0x0], $0xffff;
	v15 =	vor.u32 v41, v2  }
0x38d: {  	v3 =	vadd.f32 v4, v3;
	v4 =	vmul.f32 v6, v12  }
0x38e: {  	v11 =	vld.idx.msk [tilespmem:v11+s15+$0x0], $0xffff;
	v14 =	vor.u32 v38, v2  }
0x38f: {  	v6 =	vld.idx.msk [tilespmem:v16+s2+$0x0], $0xffff;
	v16 =	vor.u32 v47, v2;
	v3 =	vadd.f32 v4, v3;
	v4 =	vmul.f32 v7, v8  }
0x390: {  	v13 =	vld.idx.msk [tilespmem:v13+s15+$0x0], $0xffff  }
0x391: {  	v3 =	vadd.f32 v4, v3;
	v4 =	vmul.f32 v5, v9;
	v5 =	vld.idx.msk [tilespmem:v15+s2+$0x0], $0xffff  }
0x392: {  	v10 =	vor.u32 v41, v1;
	v15 =	vld [tilespmem:$0x1FE50]  }
0x393: {  	v7 =	vld.idx.msk [tilespmem:v14+s2+$0x0], $0xffff  }
0x394: {  	v12 =	vor.u32 v47, v1;
	v3 =	vadd.f32 v4, v3;
	v4 =	vmul.f32 v6, v11;
	v6 =	vld.idx.msk [tilespmem:v16+s2+$0x0], $0xffff  }
0x395: {  	v14 =	vor.u32 v55, v2;
	v16 =	vld [tilespmem:$0x1FE90];
	_ =	sdelay $0x1  }
0x396: {  	v10 =	vld.idx.msk [tilespmem:v10+s15+$0x0], $0xffff;
	v9 =	vor.u32 v15, v1;
	v15 =	vor.u32 v15, v2;
	_ =	sdelay $0x1  }
0x397: {  	v12 =	vld.idx.msk [tilespmem:v12+s15+$0x0], $0xffff;
	v8 =	vor.u32 v55, v1;
	v3 =	vadd.f32 v4, v3  }
0x398: {  	v4 =	vmul.f32 v7, v13;
	v7 =	vld.idx.msk [tilespmem:v14+s2+$0x0], $0xffff;
	v11 =	vor.u32 v16, v1;
	v16 =	vor.u32 v16, v2  }
0x399: {  	v14 =	vld [tilespmem:$0x1FE40]  }
0x39a: {  	v3 =	vadd.f32 v4, v3;
	v4 =	vmul.f32 v5, v10;
	v5 =	vld.idx.msk [tilespmem:v15+s2+$0x0], $0xffff  }
0x39b: {  	v15 =	vld [tilespmem:$0x1FE80]  }
0x39c: {  	v8 =	vld.idx.msk [tilespmem:v8+s15+$0x0], $0xffff  }
0x39d: {  	v3 =	vadd.f32 v4, v3;
	v4 =	vmul.f32 v6, v12;
	v6 =	vld.idx.msk [tilespmem:v16+s2+$0x0], $0xffff  }
0x39e: {  	v13 =	vor.u32 v14, v1;
	v16 =	vld [tilespmem:$0x1FE30]  }
0x39f: {  	v14 =	vor.u32 v14, v2  }
0x3a0: {  	v9 =	vld.idx.msk [tilespmem:v9+s15+$0x0], $0xffff;
	v10 =	vor.u32 v15, v1;
	v15 =	vor.u32 v15, v2;
	_ =	sdelay $0x1  }
0x3a1: {  	v3 =	vadd.f32 v4, v3;
	v11 =	vld.idx.msk [tilespmem:v11+s15+$0x0], $0xffff  }
0x3a2: {  	v4 =	vmul.f32 v7, v8;
	v13 =	vld.idx.msk [tilespmem:v13+s15+$0x0], $0xffff;
	v12 =	vor.u32 v16, v1;
	v16 =	vor.u32 v16, v2  }
0x3a3: {  	v7 =	vld.idx.msk [tilespmem:v14+s2+$0x0], $0xffff  }
0x3a4: {  	v3 =	vadd.f32 v4, v3;
	v14 =	vor.u32 v58, v2;
	v4 =	vmul.f32 v5, v9;
	v5 =	vld.idx.msk [tilespmem:v15+s2+$0x0], $0xffff  }
0x3a5: {  	v15 =	vld [tilespmem:$0x1FE70];
	_ =	sdelay $0x1  }
0x3a6: {  	v3 =	vadd.f32 v4, v3;
	v4 =	vmul.f32 v6, v11;
	v6 =	vld.idx.msk [tilespmem:v16+s2+$0x0], $0xffff  }
0x3a7: {  	v16 =	vld [tilespmem:$0x1FEB0]  }
0x3a8: {  	v8 =	vor.u32 v58, v1;
	v3 =	vadd.f32 v4, v3;
	v4 =	vmul.f32 v7, v13;
	v7 =	vld.idx.msk [tilespmem:v14+s2+$0x0], $0xffff  }
0x3a9: {  	v14 =	vld [tilespmem:$0x1FE60];
	v9 =	vor.u32 v15, v1  }
0x3aa: {  	v10 =	vld.idx.msk [tilespmem:v10+s15+$0x0], $0xffff;
	v15 =	vor.u32 v15, v2;
	_ =	sdelay $0x1  }
0x3ab: {  	v12 =	vld.idx.msk [tilespmem:v12+s15+$0x0], $0xffff;
	v11 =	vor.u32 v16, v1  }
0x3ac: {  	v8 =	vld.idx.msk [tilespmem:v8+s15+$0x0], $0xffff;
	v16 =	vor.u32 v16, v2  }
0x3ad: {  	v13 =	vor.u32 v14, v1;
	v14 =	vor.u32 v14, v2;
	v9 =	vld.idx.msk [tilespmem:v9+s15+$0x0], $0xffff  }
0x3ae: {  	v3 =	vadd.f32 v4, v3;
	v4 =	vmul.f32 v5, v10;
	v5 =	vld.idx.msk [tilespmem:v15+s2+$0x0], $0xffff  }
0x3af: {  	v15 =	vld [tilespmem:$0x1FEA0]  }
0x3b0: {  	v3 =	vadd.f32 v4, v3;
	v4 =	vmul.f32 v6, v12;
	v11 =	vld.idx.msk [tilespmem:v11+s15+$0x0], $0xffff  }
0x3b1: {  	v6 =	vld.idx.msk [tilespmem:v16+s2+$0x0], $0xffff;
	v16 =	vor.u32 v37, v2  }
0x3b2: {  	v3 =	vadd.f32 v4, v3;
	v4 =	vmul.f32 v7, v8;
	v7 =	vld.idx.msk [tilespmem:v14+s2+$0x0], $0xffff  }
0x3b3: {  	v14 =	vld [tilespmem:$0x1FF00]  }
0x3b4: {  	v3 =	vadd.f32 v4, v3;
	v10 =	vor.u32 v15, v1;
	v4 =	vmul.f32 v5, v9  }
0x3b5: {  	v15 =	vor.u32 v15, v2  }
0x3b6: {  	v3 =	vadd.f32 v4, v3;
	v4 =	vmul.f32 v6, v11;
	v6 =	vld.idx.msk [tilespmem:v16+s2+$0x0], $0xffff  }
0x3b7: {  	v12 =	vor.u32 v37, v1;
	v16 =	vld [tilespmem:$0x1FF10]  }
0x3b8: {  	v13 =	vld.idx.msk [tilespmem:v13+s15+$0x0], $0xffff;
	v8 =	vor.u32 v14, v1  }
0x3b9: {  	v14 =	vor.u32 v14, v2;
	v10 =	vld.idx.msk [tilespmem:v10+s15+$0x0], $0xffff  }
0x3ba: {  	v9 =	vor.u32 v56, v1;
	v5 =	vld.idx.msk [tilespmem:v15+s2+$0x0], $0xffff  }
0x3bb: {  	v15 =	vor.u32 v56, v2  }
0x3bc: {  	v12 =	vld.idx.msk [tilespmem:v12+s15+$0x0], $0xffff;
	v11 =	vor.u32 v16, v1  }
0x3bd: {  	v8 =	vld.idx.msk [tilespmem:v8+s15+$0x0], $0xffff;
	v3 =	vadd.f32 v4, v3;
	v4 =	vmul.f32 v7, v13;
	v16 =	vor.u32 v16, v2  }
0x3be: {  	v7 =	vld.idx.msk [tilespmem:v14+s2+$0x0], $0xffff;
	v13 =	vor.u32 v61, v1  }
0x3bf: {  	v14 =	vor.u32 v61, v2;
	v9 =	vld.idx.msk [tilespmem:v9+s15+$0x0], $0xffff;
	v3 =	vadd.f32 v4, v3;
	v4 =	vmul.f32 v5, v10  }
0x3c0: {  	v5 =	vld.idx.msk [tilespmem:v15+s2+$0x0], $0xffff;
	v10 =	vor.u32 v62, v1  }
0x3c1: {  	v15 =	vor.u32 v62, v2;
	v11 =	vld.idx.msk [tilespmem:v11+s15+$0x0], $0xffff;
	v3 =	vadd.f32 v4, v3;
	v4 =	vmul.f32 v6, v12  }
0x3c2: {  	v6 =	vld.idx.msk [tilespmem:v16+s2+$0x0], $0xffff;
	v12 =	vor.u32 v63, v1  }
0x3c3: {  	v13 =	vld.idx.msk [tilespmem:v13+s15+$0x0], $0xffff;
	v16 =	vor.u32 v63, v2;
	v3 =	vadd.f32 v4, v3;
	v4 =	vmul.f32 v7, v8  }
0x3c4: {  	v7 =	vld.idx.msk [tilespmem:v14+s2+$0x0], $0xffff;
	v8 =	vor.u32 v60, v1  }
0x3c5: {  	v14 =	vor.u32 v60, v2;
	v10 =	vld.idx.msk [tilespmem:v10+s15+$0x0], $0xffff;
	v3 =	vadd.f32 v4, v3;
	v4 =	vmul.f32 v5, v9  }
0x3c6: {  	v5 =	vld.idx.msk [tilespmem:v15+s2+$0x0], $0xffff;
	v9 =	vor.u32 v40, v1  }
0x3c7: {  	v15 =	vor.u32 v40, v2;
	v12 =	vld.idx.msk [tilespmem:v12+s15+$0x0], $0xffff;
	v3 =	vadd.f32 v4, v3;
	v4 =	vmul.f32 v6, v11  }
0x3c8: {  	v6 =	vld.idx.msk [tilespmem:v16+s2+$0x0], $0xffff;
	v11 =	vor.u32 v52, v1  }
0x3c9: {  	v16 =	vor.u32 v52, v2;
	v8 =	vld.idx.msk [tilespmem:v8+s15+$0x0], $0xffff;
	v3 =	vadd.f32 v4, v3;
	v4 =	vmul.f32 v7, v13  }
0x3ca: {  	v7 =	vld.idx.msk [tilespmem:v14+s2+$0x0], $0xffff;
	v13 =	vor.u32 v0, v1  }
0x3cb: {  	v14 =	vor.u32 v0, v2;
	v9 =	vld.idx.msk [tilespmem:v9+s15+$0x0], $0xffff;
	v3 =	vadd.f32 v4, v3;
	v4 =	vmul.f32 v5, v10  }
0x3cc: {  	v5 =	vld.idx.msk [tilespmem:v15+s2+$0x0], $0xffff;
	v10 =	vor.u32 v51, v1  }
0x3cd: {  	v15 =	vor.u32 v51, v2;
	v11 =	vld.idx.msk [tilespmem:v11+s15+$0x0], $0xffff;
	v3 =	vadd.f32 v4, v3;
	v4 =	vmul.f32 v6, v12  }
0x3ce: {  	v6 =	vld.idx.msk [tilespmem:v16+s2+$0x0], $0xffff;
	v12 =	vor.u32 v49, v1  }
0x3cf: {  	v16 =	vor.u32 v49, v2;
	v13 =	vld.idx.msk [tilespmem:v13+s15+$0x0], $0xffff;
	v3 =	vadd.f32 v4, v3;
	v4 =	vmul.f32 v7, v8  }
0x3d0: {  	v7 =	vld.idx.msk [tilespmem:v14+s2+$0x0], $0xffff;
	v8 =	vor.u32 v48, v1  }
0x3d1: {  	v14 =	vor.u32 v48, v2;
	v10 =	vld.idx.msk [tilespmem:v10+s15+$0x0], $0xffff;
	v3 =	vadd.f32 v4, v3;
	v4 =	vmul.f32 v5, v9  }
0x3d2: {  	v1 =	vor.u32 v46, v1;
	v2 =	vor.u32 v46, v2;
	v5 =	vld.idx.msk [tilespmem:v15+s2+$0x0], $0xffff  }
0x3d3: {  	v9 =	vld.idx.msk [tilespmem:v12+s15+$0x0], $0xffff;
	v12 =	vmov v35;
	v35 =	vmul.f32 v6, v11;
	v3 =	vadd.f32 v4, v3  }
0x3d4: {  	v6 =	vld.idx.msk [tilespmem:v16+s2+$0x0], $0xffff  }
0x3d5: {  	v8 =	vld.idx.msk [tilespmem:v8+s15+$0x0], $0xffff;
	v3 =	vadd.f32 v35, v3;
	v35 =	vmul.f32 v7, v13  }
0x3d6: {  	v7 =	vld.idx.msk [tilespmem:v14+s2+$0x0], $0xffff  }
0x3d7: {  	v1 =	vld.idx.msk [tilespmem:v1+s15+$0x0], $0xffff;
	v14 =	vmov v36;
	v36 =	vmul.f32 v5, v10;
	v3 =	vadd.f32 v35, v3  }
0x3d8: {  	v2 =	vld.idx.msk [tilespmem:v2+s2+$0x0], $0xffff  }
0x3d9: {  	v35 =	vmul.f32 v6, v9;
	v3 =	vadd.f32 v36, v3;
	_ =	sdelay $0x1  }
0x3da: {  	v36 =	vmul.f32 v7, v8;
	v3 =	vadd.f32 v35, v3;
	_ =	sdelay $0x1  }
0x3db: {  	p0 =	sne.s32 s28, $0x70;
	v1 =	vmul.f32 v2, v1;
	v3 =	vadd.f32 v36, v3  }
.Ltmp1:
0x3dc: {  	_ = 	snop;
	(pc) =	sbr.rel @p0 .LBB2_5-.Ltmp1, $4  }
0x3dd: {  	v1 =	vadd.f32 v1, v3  }
0x3de: {  	s24 =	sadd.s32 $0x10, s24  }
0x3df: {  	s25 =	sadd.s32 $0x10, s25;
	[tilespmem:s24+$0x0] =	vst v1  }
0x3e0: {  	s26 =	smov.u32 s28;
	s28 =	sadd.s32 $0x10, s28;
	v15 =	vmovc v32;
	v16 =	vlaneseq.u32;
	v10 =	vmov v34;
	v8 =	vmov v33;
	v2 =	vld [tilespmem:s25+$0x0]  }
0x3e1: {  	v3 =	vld [tilespmem:$0x1FE20];
	_ =	sdelay $0x2  }
0x3e2: {  	v1 =	vmov s26  }
0x3e3: {  	v1 =	vshll.u32 v1, $0x6;
	v2 =	vshll.u32 v2, $0x6  }
0x3e4: {  	v1 =	vor.u32 v3, v1;
	v4 =	vor.u32 v16, v2  }
0x3e5: {  	v3 =	vor.u32 v16, v1  }
0x3e6: {  	v6 =	vor.u32 v15, v2  }
0x3e7: {  	v5 =	vor.u32 v15, v1  }
0x3e8: {  	v7 =	vor.u32 v8, v1  }
0x3e9: {  	v8 =	vor.u32 v8, v2;
	v4 =	vld.idx.msk [tilespmem:v4+s2+$0x0], $0xffff  }
0x3ea: {  	v9 =	vor.u32 v10, v1;
	v3 =	vld.idx.msk [tilespmem:v3+s15+$0x0], $0xffff  }
0x3eb: {  	v10 =	vor.u32 v10, v2;
	v6 =	vld.idx.msk [tilespmem:v6+s2+$0x0], $0xffff  }
0x3ec: {  	v11 =	vor.u32 v12, v1;
	v5 =	vld.idx.msk [tilespmem:v5+s15+$0x0], $0xffff  }
0x3ed: {  	v12 =	vor.u32 v12, v2;
	v7 =	vld.idx.msk [tilespmem:v7+s15+$0x0], $0xffff  }
0x3ee: {  	v13 =	vor.u32 v14, v1;
	v8 =	vld.idx.msk [tilespmem:v8+s2+$0x0], $0xffff  }
0x3ef: {  	v14 =	vor.u32 v14, v2;
	v9 =	vld.idx.msk [tilespmem:v9+s15+$0x0], $0xffff;
	v3 =	vmul.f32 v4, v3  }
0x3f0: {  	v4 =	vld.idx.msk [tilespmem:v10+s2+$0x0], $0xffff;
	v10 =	vor.u32 v23, v1  }
0x3f1: {  	v15 =	vor.u32 v23, v2;
	v11 =	vld.idx.msk [tilespmem:v11+s15+$0x0], $0xffff;
	v5 =	vmul.f32 v6, v5;
	v3 =	vadd.f32 $0.0e+00, v3  }
0x3f2: {  	v6 =	vld.idx.msk [tilespmem:v12+s2+$0x0], $0xffff;
	v12 =	vor.u32 v24, v1  }
0x3f3: {  	v13 =	vld.idx.msk [tilespmem:v13+s15+$0x0], $0xffff;
	v7 =	vmul.f32 v8, v7;
	v3 =	vadd.f32 v5, v3;
	v5 =	vor.u32 v24, v2  }
0x3f4: {  	v8 =	vld.idx.msk [tilespmem:v14+s2+$0x0], $0xffff;
	v14 =	vor.u32 v25, v1  }
0x3f5: {  	v10 =	vld.idx.msk [tilespmem:v10+s15+$0x0], $0xffff;
	v4 =	vmul.f32 v4, v9;
	v3 =	vadd.f32 v7, v3;
	v7 =	vor.u32 v25, v2  }
0x3f6: {  	v9 =	vld.idx.msk [tilespmem:v15+s2+$0x0], $0xffff;
	v15 =	vor.u32 v26, v1  }
0x3f7: {  	v12 =	vld.idx.msk [tilespmem:v12+s15+$0x0], $0xffff;
	v6 =	vmul.f32 v6, v11;
	v3 =	vadd.f32 v4, v3;
	v4 =	vor.u32 v26, v2  }
0x3f8: {  	v11 =	vor.u32 v27, v1;
	v5 =	vld.idx.msk [tilespmem:v5+s2+$0x0], $0xffff  }
0x3f9: {  	v14 =	vld.idx.msk [tilespmem:v14+s15+$0x0], $0xffff;
	v8 =	vmul.f32 v8, v13;
	v3 =	vadd.f32 v6, v3;
	v6 =	vor.u32 v27, v2  }
0x3fa: {  	v13 =	vor.u32 v28, v1;
	v7 =	vld.idx.msk [tilespmem:v7+s2+$0x0], $0xffff  }
0x3fb: {  	v15 =	vld.idx.msk [tilespmem:v15+s15+$0x0], $0xffff;
	v9 =	vmul.f32 v9, v10;
	v3 =	vadd.f32 v8, v3;
	v8 =	vor.u32 v28, v2  }
0x3fc: {  	v10 =	vor.u32 v29, v1;
	v4 =	vld.idx.msk [tilespmem:v4+s2+$0x0], $0xffff  }
0x3fd: {  	v11 =	vld.idx.msk [tilespmem:v11+s15+$0x0], $0xffff;
	v3 =	vadd.f32 v9, v3;
	v9 =	vor.u32 v29, v2;
	v5 =	vmul.f32 v5, v12  }
0x3fe: {  	v12 =	vor.u32 v30, v1;
	v6 =	vld.idx.msk [tilespmem:v6+s2+$0x0], $0xffff  }
0x3ff: {  	v13 =	vld.idx.msk [tilespmem:v13+s15+$0x0], $0xffff;
	v3 =	vadd.f32 v5, v3;
	v5 =	vor.u32 v30, v2;
	v7 =	vmul.f32 v7, v14  }
0x400: {  	v14 =	vor.u32 v31, v1;
	v8 =	vld.idx.msk [tilespmem:v8+s2+$0x0], $0xffff  }
0x401: {  	v10 =	vld.idx.msk [tilespmem:v10+s15+$0x0], $0xffff;
	v3 =	vadd.f32 v7, v3;
	v7 =	vor.u32 v31, v2;
	v4 =	vmul.f32 v4, v15  }
0x402: {  	v15 =	vor.u32 v19, v1;
	v9 =	vld.idx.msk [tilespmem:v9+s2+$0x0], $0xffff  }
0x403: {  	v12 =	vld.idx.msk [tilespmem:v12+s15+$0x0], $0xffff;
	v3 =	vadd.f32 v4, v3;
	v4 =	vor.u32 v19, v2;
	v6 =	vmul.f32 v6, v11  }
0x404: {  	v11 =	vor.u32 v18, v1;
	v5 =	vld.idx.msk [tilespmem:v5+s2+$0x0], $0xffff  }
0x405: {  	v14 =	vld.idx.msk [tilespmem:v14+s15+$0x0], $0xffff;
	v3 =	vadd.f32 v6, v3;
	v6 =	vor.u32 v18, v2;
	v8 =	vmul.f32 v8, v13  }
0x406: {  	v13 =	vor.u32 v17, v1;
	v7 =	vld.idx.msk [tilespmem:v7+s2+$0x0], $0xffff  }
0x407: {  	v15 =	vld.idx.msk [tilespmem:v15+s15+$0x0], $0xffff;
	v3 =	vadd.f32 v8, v3;
	v8 =	vor.u32 v17, v2;
	v9 =	vmul.f32 v9, v10  }
0x408: {  	v10 =	vor.u32 v20, v1;
	v4 =	vld.idx.msk [tilespmem:v4+s2+$0x0], $0xffff  }
0x409: {  	v11 =	vld.idx.msk [tilespmem:v11+s15+$0x0], $0xffff;
	v3 =	vadd.f32 v9, v3;
	v9 =	vor.u32 v20, v2;
	v5 =	vmul.f32 v5, v12  }
0x40a: {  	v12 =	vor.u32 v22, v1;
	v6 =	vld.idx.msk [tilespmem:v6+s2+$0x0], $0xffff  }
0x40b: {  	v13 =	vld.idx.msk [tilespmem:v13+s15+$0x0], $0xffff;
	v3 =	vadd.f32 v5, v3;
	v5 =	vor.u32 v22, v2;
	v7 =	vmul.f32 v7, v14  }
0x40c: {  	v14 =	vor.u32 v39, v1;
	v8 =	vld.idx.msk [tilespmem:v8+s2+$0x0], $0xffff  }
0x40d: {  	v10 =	vld.idx.msk [tilespmem:v10+s15+$0x0], $0xffff;
	v3 =	vadd.f32 v7, v3;
	v7 =	vor.u32 v39, v2;
	v4 =	vmul.f32 v4, v15  }
0x40e: {  	v15 =	vor.u32 v42, v1;
	v9 =	vld.idx.msk [tilespmem:v9+s2+$0x0], $0xffff  }
0x40f: {  	v12 =	vld.idx.msk [tilespmem:v12+s15+$0x0], $0xffff;
	v3 =	vadd.f32 v4, v3;
	v4 =	vor.u32 v42, v2;
	v6 =	vmul.f32 v6, v11  }
0x410: {  	v11 =	vor.u32 v43, v1;
	v5 =	vld.idx.msk [tilespmem:v5+s2+$0x0], $0xffff  }
0x411: {  	v14 =	vld.idx.msk [tilespmem:v14+s15+$0x0], $0xffff;
	v3 =	vadd.f32 v6, v3;
	v6 =	vor.u32 v43, v2;
	v8 =	vmul.f32 v8, v13  }
0x412: {  	v7 =	vld.idx.msk [tilespmem:v7+s2+$0x0], $0xffff  }
0x413: {  	v15 =	vld.idx.msk [tilespmem:v15+s15+$0x0], $0xffff;
	v3 =	vadd.f32 v8, v3;
	v9 =	vmul.f32 v9, v10  }
0x414: {  	v4 =	vld.idx.msk [tilespmem:v4+s2+$0x0], $0xffff  }
0x415: {  	v13 =	vor.u32 v44, v1;
	v11 =	vld.idx.msk [tilespmem:v11+s15+$0x0], $0xffff;
	v3 =	vadd.f32 v9, v3;
	v5 =	vmul.f32 v5, v12  }
0x416: {  	v8 =	vor.u32 v44, v2;
	v6 =	vld.idx.msk [tilespmem:v6+s2+$0x0], $0xffff  }
0x417: {  	v10 =	vor.u32 v45, v1;
	v3 =	vadd.f32 v5, v3;
	v7 =	vmul.f32 v7, v14;
	_ =	sdelay $0x1  }
0x418: {  	v3 =	vadd.f32 v7, v3;
	v4 =	vmul.f32 v4, v15  }
0x419: {  	v13 =	vld.idx.msk [tilespmem:v13+s15+$0x0], $0xffff  }
0x41a: {  	v8 =	vld.idx.msk [tilespmem:v8+s2+$0x0], $0xffff;
	v3 =	vadd.f32 v4, v3;
	v6 =	vmul.f32 v6, v11  }
0x41b: {  	v9 =	vor.u32 v45, v2;
	v10 =	vld.idx.msk [tilespmem:v10+s15+$0x0], $0xffff  }
0x41c: {  	v4 =	vadd.f32 v6, v3;
	v3 =	vld [tilespmem:$0x1FEC0];
	_ =	sdelay $0x2  }
0x41d: {  	v8 =	vmul.f32 v8, v13  }
0x41e: {  	v15 =	vor.u32 v21, v1;
	v9 =	vld.idx.msk [tilespmem:v9+s2+$0x0], $0xffff;
	[tilespmem:$0x1FA40] =	vst v10  }
0x41f: {  	v4 =	vadd.f32 v8, v4;
	v13 =	vor.u32 v3, v1;
	v8 =	vor.u32 v3, v2;
	v3 =	vld [tilespmem:$0x1FA40]  }
0x420: {  	v12 =	vor.u32 v50, v1  }
0x421: {  	v5 =	vor.u32 v50, v2  }
0x422: {  	v11 =	vor.u32 v59, v1  }
0x423: {  	v10 =	vor.u32 v21, v2;
	v15 =	vld.idx.msk [tilespmem:v15+s15+$0x0], $0xffff  }
0x424: {  	v9 =	vmul.f32 v9, v3;
	v3 =	vld [tilespmem:$0x1FED0]  }
0x425: {  	v12 =	vld.idx.msk [tilespmem:v12+s15+$0x0], $0xffff  }
0x426: {  	v14 =	vor.u32 v53, v1;
	v5 =	vld.idx.msk [tilespmem:v5+s2+$0x0], $0xffff  }
0x427: {  	v7 =	vor.u32 v53, v2;
	v11 =	vld.idx.msk [tilespmem:v11+s15+$0x0], $0xffff  }
0x428: {  	[tilespmem:$0x1FA50] =	vst v15;
	v15 =	vld.idx.msk [tilespmem:v10+s2+$0x0], $0xffff  }
0x429: {  	v4 =	vadd.f32 v9, v4;
	v10 =	vor.u32 v3, v1;
	v9 =	vor.u32 v3, v2;
	v3 =	vld [tilespmem:$0x1FEE0];
	_ =	sdelay $0x1  }
0x42a: {  	v14 =	vld.idx.msk [tilespmem:v14+s15+$0x0], $0xffff  }
0x42b: {  	v7 =	vld.idx.msk [tilespmem:v7+s2+$0x0], $0xffff;
	_ =	sdelay $0x1  }
0x42c: {  	v5 =	vmul.f32 v5, v12;
	[tilespmem:$0x1FA60] =	vst v11;
	v12 =	vor.u32 v3, v1;
	v11 =	vor.u32 v3, v2;
	v3 =	vld [tilespmem:$0x1FEF0];
	_ =	sdelay $0x2  }
0x42d: {  	v7 =	vmul.f32 v7, v14;
	v4 =	vadd.f32 v5, v4;
	_ =	sdelay $0x1  }
0x42e: {  	v5 =	vadd.f32 v7, v4;
	v14 =	vor.u32 v3, v1;
	v7 =	vor.u32 v3, v2;
	v3 =	vld [tilespmem:$0x1FA50]  }
0x42f: {  	v6 =	vor.u32 v59, v2;
	_ =	sdelay $0x3  }
0x430: {  	v4 =	vmul.f32 v15, v3  }
0x431: {  	v6 =	vld.idx.msk [tilespmem:v6+s2+$0x0], $0xffff  }
0x432: {  	v3 =	vadd.f32 v4, v5;
	v5 =	vld [tilespmem:$0x1FA60]  }
0x433: {  	v13 =	vld.idx.msk [tilespmem:v13+s15+$0x0], $0xffff  }
0x434: {  	v8 =	vld.idx.msk [tilespmem:v8+s2+$0x0], $0xffff  }
0x435: {  	v10 =	vld.idx.msk [tilespmem:v10+s15+$0x0], $0xffff  }
0x436: {  	v9 =	vld.idx.msk [tilespmem:v9+s2+$0x0], $0xffff  }
0x437: {  	v12 =	vld.idx.msk [tilespmem:v12+s15+$0x0], $0xffff;
	v6 =	vmul.f32 v6, v5  }
0x438: {  	v5 =	vld.idx.msk [tilespmem:v11+s2+$0x0], $0xffff  }
0x439: {  	v8 =	vmul.f32 v8, v13;
	v15 =	vor.u32 v54, v1;
	v14 =	vld.idx.msk [tilespmem:v14+s15+$0x0], $0xffff;
	v3 =	vadd.f32 v6, v3  }
0x43a: {  	v7 =	vld.idx.msk [tilespmem:v7+s2+$0x0], $0xffff;
	v4 =	vor.u32 v54, v2  }
0x43b: {  	v9 =	vmul.f32 v9, v10;
	v11 =	vor.u32 v57, v1;
	v3 =	vadd.f32 v8, v3;
	_ =	sdelay $0x1  }
0x43c: {  	v5 =	vmul.f32 v5, v12;
	v3 =	vadd.f32 v9, v3  }
0x43d: {  	v15 =	vld.idx.msk [tilespmem:v15+s15+$0x0], $0xffff  }
0x43e: {  	v7 =	vmul.f32 v7, v14;
	v4 =	vld.idx.msk [tilespmem:v4+s2+$0x0], $0xffff;
	v3 =	vadd.f32 v5, v3  }
0x43f: {  	v6 =	vor.u32 v57, v2;
	v11 =	vld.idx.msk [tilespmem:v11+s15+$0x0], $0xffff  }
0x440: {  	v5 =	vadd.f32 v7, v3;
	v3 =	vld [tilespmem:$0x1FE50];
	_ =	sdelay $0x2  }
0x441: {  	v4 =	vmul.f32 v4, v15  }
0x442: {  	v12 =	vor.u32 v47, v1;
	v6 =	vld.idx.msk [tilespmem:v6+s2+$0x0], $0xffff;
	[tilespmem:$0x1FA70] =	vst v11  }
0x443: {  	v4 =	vadd.f32 v4, v5;
	v15 =	vor.u32 v3, v1;
	v5 =	vor.u32 v3, v2;
	v3 =	vld [tilespmem:$0x1FA70];
	_ =	sdelay $0x1  }
0x444: {  	v13 =	vor.u32 v38, v1  }
0x445: {  	v8 =	vor.u32 v38, v2  }
0x446: {  	v11 =	vor.u32 v47, v2;
	v12 =	vld.idx.msk [tilespmem:v12+s15+$0x0], $0xffff  }
0x447: {  	v6 =	vmul.f32 v6, v3;
	v3 =	vld [tilespmem:$0x1FE90]  }
0x448: {  	v10 =	vor.u32 v41, v1  }
0x449: {  	v13 =	vld.idx.msk [tilespmem:v13+s15+$0x0], $0xffff;
	v9 =	vor.u32 v41, v2  }
0x44a: {  	v8 =	vld.idx.msk [tilespmem:v8+s2+$0x0], $0xffff  }
0x44b: {  	[tilespmem:$0x1FA80] =	vst v12;
	v12 =	vld.idx.msk [tilespmem:v11+s2+$0x0], $0xffff  }
0x44c: {  	v4 =	vadd.f32 v6, v4;
	v11 =	vor.u32 v3, v1;
	v6 =	vor.u32 v3, v2;
	v3 =	vld [tilespmem:$0x1FE40]  }
0x44d: {  	v10 =	vld.idx.msk [tilespmem:v10+s15+$0x0], $0xffff  }
0x44e: {  	v9 =	vld.idx.msk [tilespmem:v9+s2+$0x0], $0xffff  }
0x44f: {  	v8 =	vmul.f32 v8, v13;
	v15 =	vld.idx.msk [tilespmem:v15+s15+$0x0], $0xffff;
	_ =	sdelay $0x1  }
0x450: {  	v4 =	vadd.f32 v8, v4;
	v13 =	vor.u32 v3, v1;
	v8 =	vor.u32 v3, v2;
	v3 =	vld.idx.msk [tilespmem:v11+s15+$0x0], $0xffff  }
0x451: {  	v14 =	vor.u32 v55, v1  }
0x452: {  	v7 =	vor.u32 v55, v2  }
0x453: {  	v9 =	vmul.f32 v9, v10;
	[tilespmem:$0x1FA90] =	vst v15;
	v15 =	vld.idx.msk [tilespmem:v5+s2+$0x0], $0xffff  }
0x454: {  	v5 =	vld [tilespmem:$0x1FE80]  }
0x455: {  	[tilespmem:$0x1FAA0] =	vst v3;
	v3 =	vadd.f32 v9, v4;
	v4 =	vld [tilespmem:$0x1FA80]  }
0x456: {  	v14 =	vld.idx.msk [tilespmem:v14+s15+$0x0], $0xffff  }
0x457: {  	v7 =	vld.idx.msk [tilespmem:v7+s2+$0x0], $0xffff;
	_ =	sdelay $0x2  }
0x458: {  	v10 =	vor.u32 v5, v1;
	v9 =	vor.u32 v5, v2;
	v5 =	vmul.f32 v12, v4;
	_ =	sdelay $0x1  }
0x459: {  	v7 =	vmul.f32 v7, v14;
	v3 =	vadd.f32 v5, v3  }
0x45a: {  	v4 =	vld [tilespmem:$0x1FE30]  }
0x45b: {  	v5 =	vadd.f32 v7, v3;
	v3 =	vld [tilespmem:$0x1FA90];
	_ =	sdelay $0x4  }
0x45c: {  	v12 =	vor.u32 v4, v1;
	v11 =	vor.u32 v4, v2;
	v4 =	vmul.f32 v15, v3;
	v3 =	vld [tilespmem:$0x1FE70];
	_ =	sdelay $0x3  }
0x45d: {  	v6 =	vld.idx.msk [tilespmem:v6+s2+$0x0], $0xffff  }
0x45e: {  	v4 =	vadd.f32 v4, v5;
	v15 =	vor.u32 v3, v1;
	v5 =	vor.u32 v3, v2;
	v3 =	vld [tilespmem:$0x1FAA0];
	_ =	sdelay $0x3  }
0x45f: {  	v12 =	vld.idx.msk [tilespmem:v12+s15+$0x0], $0xffff  }
0x460: {  	v6 =	vmul.f32 v6, v3;
	v3 =	vld [tilespmem:$0x1FEB0];
	_ =	sdelay $0x1  }
0x461: {  	v13 =	vld.idx.msk [tilespmem:v13+s15+$0x0], $0xffff  }
0x462: {  	v8 =	vld.idx.msk [tilespmem:v8+s2+$0x0], $0xffff  }
0x463: {  	[tilespmem:$0x1FAB0] =	vst v12;
	v12 =	vld.idx.msk [tilespmem:v11+s2+$0x0], $0xffff  }
0x464: {  	v4 =	vadd.f32 v6, v4;
	v11 =	vor.u32 v3, v1;
	v6 =	vor.u32 v3, v2;
	v3 =	vld [tilespmem:$0x1FE60]  }
0x465: {  	v10 =	vld.idx.msk [tilespmem:v10+s15+$0x0], $0xffff  }
0x466: {  	v9 =	vld.idx.msk [tilespmem:v9+s2+$0x0], $0xffff  }
0x467: {  	v8 =	vmul.f32 v8, v13;
	v15 =	vld.idx.msk [tilespmem:v15+s15+$0x0], $0xffff;
	_ =	sdelay $0x1  }
0x468: {  	v4 =	vadd.f32 v8, v4;
	v13 =	vor.u32 v3, v1;
	v8 =	vor.u32 v3, v2;
	v3 =	vld.idx.msk [tilespmem:v11+s15+$0x0], $0xffff;
	_ =	sdelay $0x2  }
0x469: {  	v9 =	vmul.f32 v9, v10;
	[tilespmem:$0x1FAC0] =	vst v15;
	v15 =	vld.idx.msk [tilespmem:v5+s2+$0x0], $0xffff  }
0x46a: {  	v14 =	vor.u32 v58, v1;
	v5 =	vld [tilespmem:$0x1FEA0]  }
0x46b: {  	v7 =	vor.u32 v58, v2;
	[tilespmem:$0x1FAD0] =	vst v3;
	v3 =	vadd.f32 v9, v4;
	v4 =	vld [tilespmem:$0x1FAB0];
	_ =	sdelay $0x3  }
0x46c: {  	v14 =	vld.idx.msk [tilespmem:v14+s15+$0x0], $0xffff  }
0x46d: {  	v7 =	vld.idx.msk [tilespmem:v7+s2+$0x0], $0xffff;
	v10 =	vor.u32 v5, v1;
	v9 =	vor.u32 v5, v2;
	v5 =	vmul.f32 v12, v4;
	_ =	sdelay $0x1  }
0x46e: {  	v4 =	vadd.f32 v5, v3;
	v3 =	vld [tilespmem:$0x1FF00];
	_ =	sdelay $0x2  }
0x46f: {  	v7 =	vmul.f32 v7, v14;
	_ =	sdelay $0x1  }
0x470: {  	v5 =	vadd.f32 v7, v4;
	v14 =	vor.u32 v3, v1;
	v7 =	vor.u32 v3, v2;
	v3 =	vld [tilespmem:$0x1FAC0];
	_ =	sdelay $0x3  }
0x471: {  	v36 =	vld [tilespmem:$0x1FF10]  }
0x472: {  	v6 =	vld.idx.msk [tilespmem:v6+s2+$0x0], $0xffff;
	v4 =	vmul.f32 v15, v3  }
0x473: {  	v13 =	vld.idx.msk [tilespmem:v13+s15+$0x0], $0xffff  }
0x474: {  	v12 =	vor.u32 v37, v1;
	v3 =	vadd.f32 v4, v5;
	v5 =	vld [tilespmem:$0x1FAD0]  }
0x475: {  	v11 =	vor.u32 v37, v2;
	v8 =	vld.idx.msk [tilespmem:v8+s2+$0x0], $0xffff  }
0x476: {  	v10 =	vld.idx.msk [tilespmem:v10+s15+$0x0], $0xffff  }
0x477: {  	v9 =	vld.idx.msk [tilespmem:v9+s2+$0x0], $0xffff  }
0x478: {  	v15 =	vor.u32 v56, v1;
	v14 =	vld.idx.msk [tilespmem:v14+s15+$0x0], $0xffff  }
0x479: {  	v4 =	vld.idx.msk [tilespmem:v12+s15+$0x0], $0xffff;
	v12 =	vor.u32 v56, v2;
	v6 =	vmul.f32 v6, v5  }
0x47a: {  	v5 =	vld.idx.msk [tilespmem:v11+s2+$0x0], $0xffff;
	v11 =	vor.u32 v36, v1  }
0x47b: {  	v8 =	vmul.f32 v8, v13;
	v7 =	vld.idx.msk [tilespmem:v7+s2+$0x0], $0xffff;
	v3 =	vadd.f32 v6, v3;
	v6 =	vor.u32 v36, v2  }
0x47c: {  	v13 =	vor.u32 v61, v1;
	v56 =	vld [tilespmem:$0x1FEB0]  }
0x47d: {  	v9 =	vmul.f32 v9, v10;
	v3 =	vadd.f32 v8, v3;
	v8 =	vld.idx.msk [tilespmem:v15+s15+$0x0], $0xffff;
	v15 =	vor.u32 v61, v2  }
0x47e: {  	v10 =	vld.idx.msk [tilespmem:v12+s2+$0x0], $0xffff;
	v12 =	vor.u32 v62, v1  }
0x47f: {  	v4 =	vmul.f32 v5, v4;
	v3 =	vadd.f32 v9, v3;
	v9 =	vld.idx.msk [tilespmem:v11+s15+$0x0], $0xffff;
	v11 =	vor.u32 v62, v2  }
0x480: {  	v5 =	vld.idx.msk [tilespmem:v6+s2+$0x0], $0xffff;
	v6 =	vor.u32 v63, v1  }
0x481: {  	v7 =	vmul.f32 v7, v14;
	v3 =	vadd.f32 v4, v3;
	v4 =	vld.idx.msk [tilespmem:v13+s15+$0x0], $0xffff;
	v13 =	vor.u32 v63, v2  }
0x482: {  	v14 =	vld.idx.msk [tilespmem:v15+s2+$0x0], $0xffff;
	v15 =	vor.u32 v60, v1  }
0x483: {  	v8 =	vmul.f32 v10, v8;
	v3 =	vadd.f32 v7, v3;
	v7 =	vld.idx.msk [tilespmem:v12+s15+$0x0], $0xffff;
	v12 =	vor.u32 v60, v2  }
0x484: {  	v10 =	vld.idx.msk [tilespmem:v11+s2+$0x0], $0xffff;
	v11 =	vor.u32 v40, v1  }
0x485: {  	v6 =	vld.idx.msk [tilespmem:v6+s15+$0x0], $0xffff;
	v3 =	vadd.f32 v8, v3;
	v8 =	vor.u32 v40, v2;
	v5 =	vmul.f32 v5, v9  }
0x486: {  	v9 =	vld.idx.msk [tilespmem:v13+s2+$0x0], $0xffff;
	v13 =	vor.u32 v52, v1  }
0x487: {  	v15 =	vld.idx.msk [tilespmem:v15+s15+$0x0], $0xffff;
	v3 =	vadd.f32 v5, v3;
	v5 =	vor.u32 v52, v2;
	v4 =	vmul.f32 v14, v4  }
0x488: {  	v14 =	vor.u32 v0, v1;
	v12 =	vld.idx.msk [tilespmem:v12+s2+$0x0], $0xffff  }
0x489: {  	v0 =	vor.u32 v0, v2;
	v3 =	vadd.f32 v4, v3;
	v4 =	vld.idx.msk [tilespmem:v11+s15+$0x0], $0xffff;
	v7 =	vmul.f32 v10, v7  }
0x48a: {  	v10 =	vor.u32 v51, v1;
	v8 =	vld.idx.msk [tilespmem:v8+s2+$0x0], $0xffff  }
0x48b: {  	v11 =	vld.idx.msk [tilespmem:v13+s15+$0x0], $0xffff;
	v3 =	vadd.f32 v7, v3;
	v7 =	vor.u32 v51, v2;
	v6 =	vmul.f32 v9, v6  }
0x48c: {  	v9 =	vor.u32 v49, v1;
	v5 =	vld.idx.msk [tilespmem:v5+s2+$0x0], $0xffff  }
0x48d: {  	v13 =	vld.idx.msk [tilespmem:v14+s15+$0x0], $0xffff;
	v3 =	vadd.f32 v6, v3;
	v6 =	vor.u32 v49, v2;
	v12 =	vmul.f32 v12, v15  }
0x48e: {  	v0 =	vld.idx.msk [tilespmem:v0+s2+$0x0], $0xffff;
	v14 =	vor.u32 v48, v1  }
0x48f: {  	v10 =	vld.idx.msk [tilespmem:v10+s15+$0x0], $0xffff;
	v3 =	vadd.f32 v12, v3;
	v4 =	vmul.f32 v8, v4;
	v8 =	vor.u32 v48, v2  }
0x490: {  	v1 =	vor.u32 v46, v1;
	v7 =	vld.idx.msk [tilespmem:v7+s2+$0x0], $0xffff  }
0x491: {  	v2 =	vor.u32 v46, v2;
	v3 =	vadd.f32 v4, v3;
	v4 =	vmul.f32 v5, v11;
	v5 =	vld.idx.msk [tilespmem:v9+s15+$0x0], $0xffff  }
0x492: {  	v6 =	vld.idx.msk [tilespmem:v6+s2+$0x0], $0xffff  }
0x493: {  	v0 =	vmul.f32 v0, v13;
	v3 =	vadd.f32 v4, v3;
	v4 =	vld.idx.msk [tilespmem:v14+s15+$0x0], $0xffff  }
0x494: {  	v8 =	vld.idx.msk [tilespmem:v8+s2+$0x0], $0xffff  }
0x495: {  	v1 =	vld.idx.msk [tilespmem:v1+s15+$0x0], $0xffff;
	v0 =	vadd.f32 v0, v3;
	v3 =	vmul.f32 v7, v10  }
0x496: {  	v2 =	vld.idx.msk [tilespmem:v2+s2+$0x0], $0xffff  }
0x497: {  	v11 =	vld [tilespmem:$0x1FE90];
	v0 =	vadd.f32 v3, v0;
	v3 =	vmul.f32 v6, v5  }
0x498: {  	v14 =	vld [tilespmem:$0x1FEA0]  }
0x499: {  	s23 =	sadd.s32 $0x1, s23;
	v10 =	vld [tilespmem:$0x1FE80];
	v0 =	vadd.f32 v3, v0;
	v3 =	vmul.f32 v8, v4  }
0x49a: {  	p0 =	sne.s32 s23, $0x19;
	v7 =	vld [tilespmem:$0x1FE60]  }
.Ltmp2:
0x49b: {  	v6 =	vld [tilespmem:$0x1FE50];
	v1 =	vmul.f32 v2, v1;
	v0 =	vadd.f32 v3, v0;
	(pc) =	sbr.rel @p0 .LBB2_2-.Ltmp2, $4  }
0x49c: {  	v5 =	vld [tilespmem:$0x1FE40]  }
0x49d: {  	v4 =	vld [tilespmem:$0x1FE30];
	v0 =	vadd.f32 v1, v0  }
0x49e: {  	s24 =	sadd.s32 $0x10, s24;
	s19 =	sadd.s32 $0x100, s19;
	v3 =	vld [tilespmem:$0x1FE20]  }
0x49f: {  	s22 =	sadd.s32 $0x100, s22;
	s20 =	sadd.s32 $0x100, s20;
	s21 =	sadd.s32 $0x100, s21;
	v15 =	vmovc v32;
	v32 =	vmovc v59;
	v9 =	vmov v19;
	v12 =	vmov v37;
	v13 =	vmov v40;
	v8 =	vld [tilespmem:$0x1FE70];
	[tilespmem:s24+$0x0] =	vst v0  }
0x4a0: {  	_ =	swait.ge [sflag:s10], $0x2000;
	s18 =	sadd.s32 $0x1, s18  }
0x4a1: {  	[sflag:s10] =	ssyncset.done $0x0;
	p0 =	sne.s32 s18, s8  }
.Ltmp3:
0x4a2: {  	[sflag:s10] =	ssyncadd.s32 $0xFFFFE000;
	(pc) =	sbr.rel @p0 .LBB2_1-.Ltmp3, $4  }
0x4a3: {  	[hbm4b:s7+s2] =	stream.linear.scatter [tilespmem:s16], [sflag:$0x4], $0x1900, $0x38;
	[tilespmem:$0x18500] =	vst v63  }
0x4a4: {  	_ =	swait.ge [sflag:s17], $0x1900  }
0x4a5: {  	[sflag:s17] =	ssyncset.done $0x0  }
0x4a6: {  	v19 =	vmov v9;
	[sflag:s17] =	ssyncadd.s32 $0xFFFFE700  }
0x4a7: {  	_ =	sfence.sel $0x180000  }
0x4a8: {  	[bflag:$0x0] =	sbarrier.arrive $0xFFFF  }
0x4a9: {  	p0 =	sne.s32 s1, $0x0;
	_ =	strace $0x90000047  }
0x4aa: {  	s0 =	sadd.s32 @!p0 $0x100000, s0;
	[bflag:$0x2] =	sbarrier.arrive $0xFFFF  }
0x4ab: {  	[sflag:s0] =	ssyncadd.tile.s32 @!p0 $0x1;
	_ =	shalt  }
.Lfunc_end2:
_tile_overlayer_lowered:
.L_overlay_start_2:
0x4ac: {  	(tag) =	ssettag $0x2  }
0x4ad: {  	s0 =	rddreg [dreg:$0x0];
	s2 =	stileid.u32  }
0x4ae: {  	s1 =	rddreg [dreg:$0x1];
	p0 =	sne.s32 s2, $0x0  }
0x4af: {  	s3 =	rddreg [dreg:$0x2];
	[bflag:$0x3] =	sbarrier.arrive $0xFFFF;
	s2 =	simm.s32 @!p0 $0x1C04  }
0x4b0: {  	[timem:s3], [sflag:s2] =	dma.local @!p0 [hbm:s0], s1  }
0x4b1: {  	s0 =	simm.s32 @!p0 $0x4  }
0x4b2: {  	_ =	swait.ge @!p0 [sflag:s0], s1  }
0x4b3: {  	s1 =	ssub.s32 @!p0 $0x0, s1;
	[sflag:s0] =	ssyncset.done @!p0 $0x0  }
0x4b4: {  	[sflag:s0] =	ssyncadd.s32 @!p0 s1  }
0x4b5: {  	[bflag:$0x3] =	sbarrier.arrive $0xFFFF  }
0x4b6: {  	_ =	shalt  }

</sc_bundles>
